<compile_context>
chip_gen: v7x
topology: tpu7x:2x2x1
jax: 0.10.2.dev20260603
libtpu: 0.0.44.dev20260713+nightly
codegen_flags: <defaults>
</compile_context>

<pallas_src>
import functools

import jax
import jax.numpy as jnp
from jax import lax
from jax.experimental import pallas as pl
from jax.experimental.pallas import tpu as pltpu
from jax.experimental.pallas import tpu_sc as plsc

SEQ = 200
BATCH = 4096
HIDDEN = 64
WIDE = 2 * HIDDEN
VOCAB = 1000000
TOT = SEQ * BATCH
CHUNK = 128
NC = 2
NS = 16
NW = NC * NS
CPW = SEQ
NBUF = 4
LOOK = 3


def _gather_body(idx_hbm, t2_hbm, out_hbm, idx_v, *rest):
    gbufs = rest[:NBUF]
    cbufs = rest[NBUF:NBUF + 2]
    sems = rest[NBUF + 2:2 * NBUF + 2]
    stsems = rest[2 * NBUF + 2:]
    wid = lax.axis_index("s") * NC + lax.axis_index("c")
    col0 = wid * CHUNK

    def out_at(c):
        return out_hbm.at[pl.ds(c * BATCH + col0, CHUNK)]

    def gather(c, b):
        pltpu.make_async_copy(t2_hbm.at[idx_v.at[c]], gbufs[b], sems[b]).start()

    def store(c, cb):
        return pltpu.make_async_copy(cbufs[cb], out_at(c), stsems[cb])

    def compact(b, cb):
        gb, ob = gbufs[b], cbufs[cb]

        def rows(r8, carry):
            for rr in range(8):
                r = r8 * 8 + rr
                for j in range(4):
                    ob[r, pl.ds(j * 16, 16)] = gb[r, pl.ds(j * 16, 16)]
            return carry

        lax.fori_loop(0, CHUNK // 8, rows, 0)

    pltpu.sync_copy(idx_hbm.at[:, pl.ds(col0, CHUNK)], idx_v)

    for c in range(LOOK):
        gather(c, c % NBUF)

    def group(g, carry):
        for b in range(NBUF):
            c = g * NBUF + b
            pb = (b + LOOK) % NBUF
            cb = b % 2

            @pl.when(c + LOOK < CPW)
            def _():
                gather(c + LOOK, pb)

            pltpu.make_async_copy(t2_hbm.at[idx_v.at[c]], gbufs[b], sems[b]).wait()

            @pl.when(c >= 2)
            def _():
                store(c - 2, cb).wait()

            compact(b, cb)
            store(c, cb).start()
        return carry

    lax.fori_loop(0, CPW // NBUF, group, 0)

    for c in range(CPW - 2, CPW):
        store(c, c % 2).wait()


def kernel(input_ids, table):
    mesh = plsc.VectorSubcoreMesh(core_axis_name="c", subcore_axis_name="s")
    t2 = jnp.zeros((VOCAB, WIDE), jnp.float32).at[:, :HIDDEN].set(table)
    run = functools.partial(
        pl.kernel,
        mesh=mesh,
        out_type=jax.ShapeDtypeStruct((TOT, HIDDEN), jnp.float32),
        scratch_types=[pltpu.VMEM((CPW, CHUNK), jnp.int32)]
        + [pltpu.VMEM((CHUNK, WIDE), jnp.float32) for _ in range(NBUF)]
        + [pltpu.VMEM((CHUNK, HIDDEN), jnp.float32) for _ in range(2)]
        + [pltpu.SemaphoreType.DMA for _ in range(NBUF + 2)],
    )(_gather_body)
    out = run(input_ids.astype(jnp.int32), t2)
    return out.reshape(SEQ, BATCH, HIDDEN)

# --- scband reference (transcript-rebuilt; emitter-appended) ---
"""Pipeline reference for scband-token-embedding-3650722201965 (READ-ONLY COPY).

The authoritative reference and input builder live on the scoring server;
editing this copy changes nothing except your own understanding.
"""

import jax, jax.numpy as jnp
import numpy as np

VOCAB = 1000000
HIDDEN = 64
PAD = 0
INIT_RANGE = 0.02
SEQ = 200
BATCH = 4096


def setup_inputs(seed: int = 0) -> dict:
    key = jax.random.key(seed)
    k_idx, k_tab = jax.random.split(key)
    input_ids = jax.random.randint(k_idx, (SEQ, BATCH), 0, VOCAB, dtype=jnp.int64 if jax.config.jax_enable_x64 else jnp.int32)
    # nn.Embedding weight reinitialized with normal_(mean=0, std=initializer_range)
    # (padding row is overwritten too, matching the torch module's _reset_parameters)
    table = jax.random.normal(k_tab, (VOCAB, HIDDEN), dtype=jnp.float32) * INIT_RANGE
    return {"input_ids": input_ids, "table": table}


def reference(input_ids, table):
    # forward: embedding lookup -> [seq_len, batch, hidden]
    return jnp.take(table, input_ids, axis=0)

if __name__ == "__main__":
    import jax
    _d = setup_inputs()
    print(jax.jit(kernel)(*tuple(_d.values())))

</pallas_src>

<mosaic_0001>
#map = affine_map<(d0, d1) -> (0, 0)>
module attributes {stable_mosaic.version = 14 : i64} {
  func.func @_gather_body(%arg0: i32, %arg1: i32, %arg2: memref<200x4096xi32, #tpu.memory_space<hbm>>, %arg3: memref<1000000x128xf32, #tpu.memory_space<hbm>>, %arg4: memref<819200x64xf32, #tpu.memory_space<hbm>>, %arg5: memref<200x128xi32, #tpu.memory_space<vmem>>, %arg6: memref<128x128xf32, #tpu.memory_space<vmem>>, %arg7: memref<128x128xf32, #tpu.memory_space<vmem>>, %arg8: memref<128x128xf32, #tpu.memory_space<vmem>>, %arg9: memref<128x128xf32, #tpu.memory_space<vmem>>, %arg10: memref<128x64xf32, #tpu.memory_space<vmem>>, %arg11: memref<128x64xf32, #tpu.memory_space<vmem>>, %arg12: memref<!tpu.dma_semaphore, #tpu.memory_space<semaphore_mem>>, %arg13: memref<!tpu.dma_semaphore, #tpu.memory_space<semaphore_mem>>, %arg14: memref<!tpu.dma_semaphore, #tpu.memory_space<semaphore_mem>>, %arg15: memref<!tpu.dma_semaphore, #tpu.memory_space<semaphore_mem>>, %arg16: memref<!tpu.dma_semaphore, #tpu.memory_space<semaphore_mem>>, %arg17: memref<!tpu.dma_semaphore, #tpu.memory_space<semaphore_mem>>) attributes {dimension_semantics = [#tpu.dimension_semantics<core_parallel>, #tpu.dimension_semantics<subcore_parallel>], iteration_bounds = array<i64: 2, 16>, scalar_prefetch = 0 : i64, scratch_operands = 13 : i64, tpu.core_type = #tpu.core_type<sc_vector_subcore>, window_params = [{transform_indices = #map}, {transform_indices = #map}, {transform_indices = #map}]} {
    %mul3A = arith.constant 2 : i32
    %mul3A_0 = arith.muli %arg1, %mul3A : i32
    %add3A = arith.addi %mul3A_0, %arg0 : i32
    %mul3A_1 = arith.constant 128 : i32
    %mul3A_2 = arith.muli %add3A, %mul3A_1 : i32
    "tpu.region"() ({
      %run_scoped3A = tpu.sem_alloc : memref<!tpu.dma_semaphore, #tpu.memory_space<semaphore_mem>>
      %dma_start3A_39 = arith.constant 0 : i32
      %dma_start3A_40 = tpu.memref_slice %arg2[%dma_start3A_39, %mul3A_2] : memref<200x4096xi32, #tpu.memory_space<hbm>> -> memref<200x128xi32, #tpu.memory_space<hbm>>
      %dma_start3A_41 = arith.constant 0 : i32
      %dma_start3A_42 = tpu.memref_slice %arg2[%dma_start3A_41, %mul3A_2] : memref<200x4096xi32, #tpu.memory_space<hbm>> -> memref<200x128xi32, #tpu.memory_space<hbm>>
      tpu.enqueue_dma source(%dma_start3A_42 : memref<200x128xi32, #tpu.memory_space<hbm>>) target(%arg5 : memref<200x128xi32, #tpu.memory_space<vmem>>) target_semaphore(%run_scoped3A : memref<!tpu.dma_semaphore, #tpu.memory_space<semaphore_mem>>)
      %dma_wait3A_43 = arith.constant 0 : i32
      %dma_wait3A_44 = tpu.memref_slice %arg2[%dma_wait3A_43, %mul3A_2] : memref<200x4096xi32, #tpu.memory_space<hbm>> -> memref<200x128xi32, #tpu.memory_space<hbm>>
      %dma_wait3A_45 = arith.constant 0 : i32
      %dma_wait3A_46 = tpu.memref_slice %arg2[%dma_wait3A_45, %mul3A_2] : memref<200x4096xi32, #tpu.memory_space<hbm>> -> memref<200x128xi32, #tpu.memory_space<hbm>>
      tpu.wait_dma2 semaphore(%run_scoped3A : memref<!tpu.dma_semaphore, #tpu.memory_space<semaphore_mem>>) src(%dma_wait3A_46 : memref<200x128xi32, #tpu.memory_space<hbm>>) dst(%arg5 : memref<200x128xi32, #tpu.memory_space<vmem>>)
      tpu.yield
    }) : () -> ()
    %dma_start3A = arith.constant 0 : i32
    %dma_start3A_3 = arith.constant 0 : i32
    %dma_start3A_4 = tpu.memref_slice %arg5[%dma_start3A, %dma_start3A_3] : memref<200x128xi32, #tpu.memory_space<vmem>> -> memref<1x128xi32, #tpu.memory_space<vmem>>
    %dma_start3A_5 = tpu.memref_squeeze %dma_start3A_4 : memref<1x128xi32, #tpu.memory_space<vmem>> -> memref<128xi32, #tpu.memory_space<vmem>>
    %dma_start3A_6 = arith.constant 0 : i32
    %dma_start3A_7 = arith.constant 0 : i32
    %dma_start3A_8 = tpu.memref_slice %arg3[%dma_start3A_6, %dma_start3A_7] : memref<1000000x128xf32, #tpu.memory_space<hbm>> -> memref<1000000x128xf32, #tpu.memory_space<hbm>>
    tpu.enqueue_indirect_dma source(%dma_start3A_8 : memref<1000000x128xf32, #tpu.memory_space<hbm>>) target(%arg6 : memref<128x128xf32, #tpu.memory_space<vmem>>) offsets(%dma_start3A_5 : memref<128xi32, #tpu.memory_space<vmem>>) semaphore(%arg12 : memref<!tpu.dma_semaphore, #tpu.memory_space<semaphore_mem>>)
    %dma_start3A_9 = arith.constant 1 : i32
    %dma_start3A_10 = arith.constant 0 : i32
    %dma_start3A_11 = tpu.memref_slice %arg5[%dma_start3A_9, %dma_start3A_10] : memref<200x128xi32, #tpu.memory_space<vmem>> -> memref<1x128xi32, #tpu.memory_space<vmem>>
    %dma_start3A_12 = tpu.memref_squeeze %dma_start3A_11 : memref<1x128xi32, #tpu.memory_space<vmem>> -> memref<128xi32, #tpu.memory_space<vmem>>
    %dma_start3A_13 = arith.constant 0 : i32
    %dma_start3A_14 = arith.constant 0 : i32
    %dma_start3A_15 = tpu.memref_slice %arg3[%dma_start3A_13, %dma_start3A_14] : memref<1000000x128xf32, #tpu.memory_space<hbm>> -> memref<1000000x128xf32, #tpu.memory_space<hbm>>
    tpu.enqueue_indirect_dma source(%dma_start3A_15 : memref<1000000x128xf32, #tpu.memory_space<hbm>>) target(%arg7 : memref<128x128xf32, #tpu.memory_space<vmem>>) offsets(%dma_start3A_12 : memref<128xi32, #tpu.memory_space<vmem>>) semaphore(%arg13 : memref<!tpu.dma_semaphore, #tpu.memory_space<semaphore_mem>>)
    %dma_start3A_16 = arith.constant 2 : i32
    %dma_start3A_17 = arith.constant 0 : i32
    %dma_start3A_18 = tpu.memref_slice %arg5[%dma_start3A_16, %dma_start3A_17] : memref<200x128xi32, #tpu.memory_space<vmem>> -> memref<1x128xi32, #tpu.memory_space<vmem>>
    %dma_start3A_19 = tpu.memref_squeeze %dma_start3A_18 : memref<1x128xi32, #tpu.memory_space<vmem>> -> memref<128xi32, #tpu.memory_space<vmem>>
    %dma_start3A_20 = arith.constant 0 : i32
    %dma_start3A_21 = arith.constant 0 : i32
    %dma_start3A_22 = tpu.memref_slice %arg3[%dma_start3A_20, %dma_start3A_21] : memref<1000000x128xf32, #tpu.memory_space<hbm>> -> memref<1000000x128xf32, #tpu.memory_space<hbm>>
    tpu.enqueue_indirect_dma source(%dma_start3A_22 : memref<1000000x128xf32, #tpu.memory_space<hbm>>) target(%arg8 : memref<128x128xf32, #tpu.memory_space<vmem>>) offsets(%dma_start3A_19 : memref<128xi32, #tpu.memory_space<vmem>>) semaphore(%arg14 : memref<!tpu.dma_semaphore, #tpu.memory_space<semaphore_mem>>)
    %scan3A = arith.constant 0 : i32
    %scan3A_23 = arith.constant 0 : i32
    %scan3A_24 = arith.constant 50 : i32
    %scan3A_25 = arith.addi %scan3A_23, %scan3A_24 : i32
    %scan3A_26 = arith.constant 1 : i32
    scf.for %scan3A_39 = %scan3A_23 to %scan3A_25 step %scan3A_26  : i32 {
      %mul3A_40 = arith.constant 4 : i32
      %mul3A_41 = arith.muli %scan3A_39, %mul3A_40 : i32
      %add3A_42 = arith.constant 0 : i32
      %add3A_43 = arith.addi %mul3A_41, %add3A_42 : i32
      %add3A_44 = arith.constant 3 : i32
      %add3A_45 = arith.addi %add3A_43, %add3A_44 : i32
      %lt3A = arith.constant 200 : i32
      %lt3A_46 = arith.cmpi slt, %add3A_45, %lt3A : i32
      %convert_element_type3A = arith.extui %lt3A_46 : i1 to i32
      %cond3A = arith.constant 0 : i32
      %cond3A_47 = arith.cmpi ne, %convert_element_type3A, %cond3A : i32
      scf.if %cond3A_47 {
        %add3A_176 = arith.constant 3 : i32
        %add3A_177 = arith.addi %add3A_43, %add3A_176 : i32
        %dma_start3A_178 = arith.constant 0 : i32
        %dma_start3A_179 = tpu.memref_slice %arg5[%add3A_177, %dma_start3A_178] : memref<200x128xi32, #tpu.memory_space<vmem>> -> memref<1x128xi32, #tpu.memory_space<vmem>>
        %dma_start3A_180 = tpu.memref_squeeze %dma_start3A_179 : memref<1x128xi32, #tpu.memory_space<vmem>> -> memref<128xi32, #tpu.memory_space<vmem>>
        %dma_start3A_181 = arith.constant 0 : i32
        %dma_start3A_182 = arith.constant 0 : i32
        %dma_start3A_183 = tpu.memref_slice %arg3[%dma_start3A_181, %dma_start3A_182] : memref<1000000x128xf32, #tpu.memory_space<hbm>> -> memref<1000000x128xf32, #tpu.memory_space<hbm>>
        tpu.enqueue_indirect_dma source(%dma_start3A_183 : memref<1000000x128xf32, #tpu.memory_space<hbm>>) target(%arg9 : memref<128x128xf32, #tpu.memory_space<vmem>>) offsets(%dma_start3A_180 : memref<128xi32, #tpu.memory_space<vmem>>) semaphore(%arg15 : memref<!tpu.dma_semaphore, #tpu.memory_space<semaphore_mem>>)
      } else {
      }
      %dma_wait3A_48 = arith.constant 0 : i32
      %dma_wait3A_49 = tpu.memref_slice %arg5[%add3A_43, %dma_wait3A_48] : memref<200x128xi32, #tpu.memory_space<vmem>> -> memref<1x128xi32, #tpu.memory_space<vmem>>
      %dma_wait3A_50 = tpu.memref_squeeze %dma_wait3A_49 : memref<1x128xi32, #tpu.memory_space<vmem>> -> memref<128xi32, #tpu.memory_space<vmem>>
      %dma_wait3A_51 = arith.constant 0 : i32
      %dma_wait3A_52 = arith.constant 0 : i32
      %dma_wait3A_53 = tpu.memref_slice %arg3[%dma_wait3A_51, %dma_wait3A_52] : memref<1000000x128xf32, #tpu.memory_space<hbm>> -> memref<1000000x128xf32, #tpu.memory_space<hbm>>
      tpu.wait_indirect_dma semaphore(%arg12 : memref<!tpu.dma_semaphore, #tpu.memory_space<semaphore_mem>>) src(%dma_wait3A_53 : memref<1000000x128xf32, #tpu.memory_space<hbm>>) dst(%arg6 : memref<128x128xf32, #tpu.memory_space<vmem>>)
      %ge3A = arith.constant 2 : i32
      %ge3A_54 = arith.cmpi sge, %add3A_43, %ge3A : i32
      %convert_element_type3A_55 = arith.extui %ge3A_54 : i1 to i32
      %cond3A_56 = arith.constant 0 : i32
      %cond3A_57 = arith.cmpi ne, %convert_element_type3A_55, %cond3A_56 : i32
      scf.if %cond3A_57 {
        %sub3A = arith.constant 2 : i32
        %sub3A_176 = arith.subi %add3A_43, %sub3A : i32
        %mul3A_177 = arith.constant 4096 : i32
        %mul3A_178 = arith.muli %sub3A_176, %mul3A_177 : i32
        %add3A_179 = arith.addi %mul3A_178, %mul3A_2 : i32
        %dma_wait3A_180 = arith.constant 0 : i32
        %dma_wait3A_181 = tpu.memref_slice %arg4[%add3A_179, %dma_wait3A_180] : memref<819200x64xf32, #tpu.memory_space<hbm>> -> memref<128x64xf32, #tpu.memory_space<hbm>>
        %dma_wait3A_182 = arith.constant 0 : i32
        %dma_wait3A_183 = tpu.memref_slice %arg4[%add3A_179, %dma_wait3A_182] : memref<819200x64xf32, #tpu.memory_space<hbm>> -> memref<128x64xf32, #tpu.memory_space<hbm>>
        tpu.wait_dma2 semaphore(%arg16 : memref<!tpu.dma_semaphore, #tpu.memory_space<semaphore_mem>>) src(%arg10 : memref<128x64xf32, #tpu.memory_space<vmem>>) dst(%dma_wait3A_183 : memref<128x64xf32, #tpu.memory_space<hbm>>)
      } else {
      }
      %scan3A_58 = arith.constant 0 : i32
      %scan3A_59 = arith.constant 0 : i32
      %scan3A_60 = arith.constant 16 : i32
      %scan3A_61 = arith.addi %scan3A_59, %scan3A_60 : i32
      %scan3A_62 = arith.constant 1 : i32
      scf.for %scan3A_176 = %scan3A_59 to %scan3A_61 step %scan3A_62  : i32 {
        %mul3A_177 = arith.constant 8 : i32
        %mul3A_178 = arith.muli %scan3A_176, %mul3A_177 : i32
        %add3A_179 = arith.constant 0 : i32
        %add3A_180 = arith.addi %mul3A_178, %add3A_179 : i32
        %get3A = arith.index_cast %add3A_180 : i32 to index
        %get3A_181 = arith.constant 0 : index
        %get3A_182 = tpu.vector_load %arg6[%get3A, %get3A_181] {strides = array<i32>} : memref<128x128xf32, #tpu.memory_space<vmem>>, vector<1x16xf32>,
        %get3A_183 = vector.shape_cast %get3A_182 : vector<1x16xf32> to vector<16xf32>
        %swap3A = arith.index_cast %add3A_180 : i32 to index
        %swap3A_184 = arith.constant 0 : index
        %swap3A_185 = tpu.vector_load %arg10[%swap3A, %swap3A_184] {strides = array<i32>} : memref<128x64xf32, #tpu.memory_space<vmem>>, vector<1x16xf32>,
        %swap3A_186 = vector.shape_cast %swap3A_185 : vector<1x16xf32> to vector<16xf32>
        %swap3A_187 = vector.shape_cast %get3A_183 : vector<16xf32> to vector<1x16xf32>
        tpu.vector_store %arg10[%swap3A, %swap3A_184], %swap3A_187 {strides = array<i32>} : memref<128x64xf32, #tpu.memory_space<vmem>>, vector<1x16xf32>,
        %get3A_188 = arith.index_cast %add3A_180 : i32 to index
        %get3A_189 = arith.constant 16 : index
        %get3A_190 = tpu.vector_load %arg6[%get3A_188, %get3A_189] {strides = array<i32>} : memref<128x128xf32, #tpu.memory_space<vmem>>, vector<1x16xf32>,
        %get3A_191 = vector.shape_cast %get3A_190 : vector<1x16xf32> to vector<16xf32>
        %swap3A_192 = arith.index_cast %add3A_180 : i32 to index
        %swap3A_193 = arith.constant 16 : index
        %swap3A_194 = tpu.vector_load %arg10[%swap3A_192, %swap3A_193] {strides = array<i32>} : memref<128x64xf32, #tpu.memory_space<vmem>>, vector<1x16xf32>,
        %swap3A_195 = vector.shape_cast %swap3A_194 : vector<1x16xf32> to vector<16xf32>
        %swap3A_196 = vector.shape_cast %get3A_191 : vector<16xf32> to vector<1x16xf32>
        tpu.vector_store %arg10[%swap3A_192, %swap3A_193], %swap3A_196 {strides = array<i32>} : memref<128x64xf32, #tpu.memory_space<vmem>>, vector<1x16xf32>,
        %get3A_197 = arith.index_cast %add3A_180 : i32 to index
        %get3A_198 = arith.constant 32 : index
        %get3A_199 = tpu.vector_load %arg6[%get3A_197, %get3A_198] {strides = array<i32>} : memref<128x128xf32, #tpu.memory_space<vmem>>, vector<1x16xf32>,
        %get3A_200 = vector.shape_cast %get3A_199 : vector<1x16xf32> to vector<16xf32>
        %swap3A_201 = arith.index_cast %add3A_180 : i32 to index
        %swap3A_202 = arith.constant 32 : index
        %swap3A_203 = tpu.vector_load %arg10[%swap3A_201, %swap3A_202] {strides = array<i32>} : memref<128x64xf32, #tpu.memory_space<vmem>>, vector<1x16xf32>,
        %swap3A_204 = vector.shape_cast %swap3A_203 : vector<1x16xf32> to vector<16xf32>
        %swap3A_205 = vector.shape_cast %get3A_200 : vector<16xf32> to vector<1x16xf32>
        tpu.vector_store %arg10[%swap3A_201, %swap3A_202], %swap3A_205 {strides = array<i32>} : memref<128x64xf32, #tpu.memory_space<vmem>>, vector<1x16xf32>,
        %get3A_206 = arith.index_cast %add3A_180 : i32 to index
        %get3A_207 = arith.constant 48 : index
        %get3A_208 = tpu.vector_load %arg6[%get3A_206, %get3A_207] {strides = array<i32>} : memref<128x128xf32, #tpu.memory_space<vmem>>, vector<1x16xf32>,
        %get3A_209 = vector.shape_cast %get3A_208 : vector<1x16xf32> to vector<16xf32>
        %swap3A_210 = arith.index_cast %add3A_180 : i32 to index
        %swap3A_211 = arith.constant 48 : index
        %swap3A_212 = tpu.vector_load %arg10[%swap3A_210, %swap3A_211] {strides = array<i32>} : memref<128x64xf32, #tpu.memory_space<vmem>>, vector<1x16xf32>,
        %swap3A_213 = vector.shape_cast %swap3A_212 : vector<1x16xf32> to vector<16xf32>
        %swap3A_214 = vector.shape_cast %get3A_209 : vector<16xf32> to vector<1x16xf32>
        tpu.vector_store %arg10[%swap3A_210, %swap3A_211], %swap3A_214 {strides = array<i32>} : memref<128x64xf32, #tpu.memory_space<vmem>>, vector<1x16xf32>,
        %mul3A_215 = arith.constant 8 : i32
        %mul3A_216 = arith.muli %scan3A_176, %mul3A_215 : i32
        %add3A_217 = arith.constant 1 : i32
        %add3A_218 = arith.addi %mul3A_216, %add3A_217 : i32
        %get3A_219 = arith.index_cast %add3A_218 : i32 to index
        %get3A_220 = arith.constant 0 : index
        %get3A_221 = tpu.vector_load %arg6[%get3A_219, %get3A_220] {strides = array<i32>} : memref<128x128xf32, #tpu.memory_space<vmem>>, vector<1x16xf32>,
        %get3A_222 = vector.shape_cast %get3A_221 : vector<1x16xf32> to vector<16xf32>
        %swap3A_223 = arith.index_cast %add3A_218 : i32 to index
        %swap3A_224 = arith.constant 0 : index
        %swap3A_225 = tpu.vector_load %arg10[%swap3A_223, %swap3A_224] {strides = array<i32>} : memref<128x64xf32, #tpu.memory_space<vmem>>, vector<1x16xf32>,
        %swap3A_226 = vector.shape_cast %swap3A_225 : vector<1x16xf32> to vector<16xf32>
        %swap3A_227 = vector.shape_cast %get3A_222 : vector<16xf32> to vector<1x16xf32>
        tpu.vector_store %arg10[%swap3A_223, %swap3A_224], %swap3A_227 {strides = array<i32>} : memref<128x64xf32, #tpu.memory_space<vmem>>, vector<1x16xf32>,
        %get3A_228 = arith.index_cast %add3A_218 : i32 to index
        %get3A_229 = arith.constant 16 : index
        %get3A_230 = tpu.vector_load %arg6[%get3A_228, %get3A_229] {strides = array<i32>} : memref<128x128xf32, #tpu.memory_space<vmem>>, vector<1x16xf32>,
        %get3A_231 = vector.shape_cast %get3A_230 : vector<1x16xf32> to vector<16xf32>
        %swap3A_232 = arith.index_cast %add3A_218 : i32 to index
        %swap3A_233 = arith.constant 16 : index
        %swap3A_234 = tpu.vector_load %arg10[%swap3A_232, %swap3A_233] {strides = array<i32>} : memref<128x64xf32, #tpu.memory_space<vmem>>, vector<1x16xf32>,
        %swap3A_235 = vector.shape_cast %swap3A_234 : vector<1x16xf32> to vector<16xf32>
        %swap3A_236 = vector.shape_cast %get3A_231 : vector<16xf32> to vector<1x16xf32>
        tpu.vector_store %arg10[%swap3A_232, %swap3A_233], %swap3A_236 {strides = array<i32>} : memref<128x64xf32, #tpu.memory_space<vmem>>, vector<1x16xf32>,
        %get3A_237 = arith.index_cast %add3A_218 : i32 to index
        %get3A_238 = arith.constant 32 : index
        %get3A_239 = tpu.vector_load %arg6[%get3A_237, %get3A_238] {strides = array<i32>} : memref<128x128xf32, #tpu.memory_space<vmem>>, vector<1x16xf32>,
        %get3A_240 = vector.shape_cast %get3A_239 : vector<1x16xf32> to vector<16xf32>
        %swap3A_241 = arith.index_cast %add3A_218 : i32 to index
        %swap3A_242 = arith.constant 32 : index
        %swap3A_243 = tpu.vector_load %arg10[%swap3A_241, %swap3A_242] {strides = array<i32>} : memref<128x64xf32, #tpu.memory_space<vmem>>, vector<1x16xf32>,
        %swap3A_244 = vector.shape_cast %swap3A_243 : vector<1x16xf32> to vector<16xf32>
        %swap3A_245 = vector.shape_cast %get3A_240 : vector<16xf32> to vector<1x16xf32>
        tpu.vector_store %arg10[%swap3A_241, %swap3A_242], %swap3A_245 {strides = array<i32>} : memref<128x64xf32, #tpu.memory_space<vmem>>, vector<1x16xf32>,
        %get3A_246 = arith.index_cast %add3A_218 : i32 to index
        %get3A_247 = arith.constant 48 : index
        %get3A_248 = tpu.vector_load %arg6[%get3A_246, %get3A_247] {strides = array<i32>} : memref<128x128xf32, #tpu.memory_space<vmem>>, vector<1x16xf32>,
        %get3A_249 = vector.shape_cast %get3A_248 : vector<1x16xf32> to vector<16xf32>
        %swap3A_250 = arith.index_cast %add3A_218 : i32 to index
        %swap3A_251 = arith.constant 48 : index
        %swap3A_252 = tpu.vector_load %arg10[%swap3A_250, %swap3A_251] {strides = array<i32>} : memref<128x64xf32, #tpu.memory_space<vmem>>, vector<1x16xf32>,
        %swap3A_253 = vector.shape_cast %swap3A_252 : vector<1x16xf32> to vector<16xf32>
        %swap3A_254 = vector.shape_cast %get3A_249 : vector<16xf32> to vector<1x16xf32>
        tpu.vector_store %arg10[%swap3A_250, %swap3A_251], %swap3A_254 {strides = array<i32>} : memref<128x64xf32, #tpu.memory_space<vmem>>, vector<1x16xf32>,
        %mul3A_255 = arith.constant 8 : i32
        %mul3A_256 = arith.muli %scan3A_176, %mul3A_255 : i32
        %add3A_257 = arith.constant 2 : i32
        %add3A_258 = arith.addi %mul3A_256, %add3A_257 : i32
        %get3A_259 = arith.index_cast %add3A_258 : i32 to index
        %get3A_260 = arith.constant 0 : index
        %get3A_261 = tpu.vector_load %arg6[%get3A_259, %get3A_260] {strides = array<i32>} : memref<128x128xf32, #tpu.memory_space<vmem>>, vector<1x16xf32>,
        %get3A_262 = vector.shape_cast %get3A_261 : vector<1x16xf32> to vector<16xf32>
        %swap3A_263 = arith.index_cast %add3A_258 : i32 to index
        %swap3A_264 = arith.constant 0 : index
        %swap3A_265 = tpu.vector_load %arg10[%swap3A_263, %swap3A_264] {strides = array<i32>} : memref<128x64xf32, #tpu.memory_space<vmem>>, vector<1x16xf32>,
        %swap3A_266 = vector.shape_cast %swap3A_265 : vector<1x16xf32> to vector<16xf32>
        %swap3A_267 = vector.shape_cast %get3A_262 : vector<16xf32> to vector<1x16xf32>
        tpu.vector_store %arg10[%swap3A_263, %swap3A_264], %swap3A_267 {strides = array<i32>} : memref<128x64xf32, #tpu.memory_space<vmem>>, vector<1x16xf32>,
        %get3A_268 = arith.index_cast %add3A_258 : i32 to index
        %get3A_269 = arith.constant 16 : index
        %get3A_270 = tpu.vector_load %arg6[%get3A_268, %get3A_269] {strides = array<i32>} : memref<128x128xf32, #tpu.memory_space<vmem>>, vector<1x16xf32>,
        %get3A_271 = vector.shape_cast %get3A_270 : vector<1x16xf32> to vector<16xf32>
        %swap3A_272 = arith.index_cast %add3A_258 : i32 to index
        %swap3A_273 = arith.constant 16 : index
        %swap3A_274 = tpu.vector_load %arg10[%swap3A_272, %swap3A_273] {strides = array<i32>} : memref<128x64xf32, #tpu.memory_space<vmem>>, vector<1x16xf32>,
        %swap3A_275 = vector.shape_cast %swap3A_274 : vector<1x16xf32> to vector<16xf32>
        %swap3A_276 = vector.shape_cast %get3A_271 : vector<16xf32> to vector<1x16xf32>
        tpu.vector_store %arg10[%swap3A_272, %swap3A_273], %swap3A_276 {strides = array<i32>} : memref<128x64xf32, #tpu.memory_space<vmem>>, vector<1x16xf32>,
        %get3A_277 = arith.index_cast %add3A_258 : i32 to index
        %get3A_278 = arith.constant 32 : index
        %get3A_279 = tpu.vector_load %arg6[%get3A_277, %get3A_278] {strides = array<i32>} : memref<128x128xf32, #tpu.memory_space<vmem>>, vector<1x16xf32>,
        %get3A_280 = vector.shape_cast %get3A_279 : vector<1x16xf32> to vector<16xf32>
        %swap3A_281 = arith.index_cast %add3A_258 : i32 to index
        %swap3A_282 = arith.constant 32 : index
        %swap3A_283 = tpu.vector_load %arg10[%swap3A_281, %swap3A_282] {strides = array<i32>} : memref<128x64xf32, #tpu.memory_space<vmem>>, vector<1x16xf32>,
        %swap3A_284 = vector.shape_cast %swap3A_283 : vector<1x16xf32> to vector<16xf32>
        %swap3A_285 = vector.shape_cast %get3A_280 : vector<16xf32> to vector<1x16xf32>
        tpu.vector_store %arg10[%swap3A_281, %swap3A_282], %swap3A_285 {strides = array<i32>} : memref<128x64xf32, #tpu.memory_space<vmem>>, vector<1x16xf32>,
        %get3A_286 = arith.index_cast %add3A_258 : i32 to index
        %get3A_287 = arith.constant 48 : index
        %get3A_288 = tpu.vector_load %arg6[%get3A_286, %get3A_287] {strides = array<i32>} : memref<128x128xf32, #tpu.memory_space<vmem>>, vector<1x16xf32>,
        %get3A_289 = vector.shape_cast %get3A_288 : vector<1x16xf32> to vector<16xf32>
        %swap3A_290 = arith.index_cast %add3A_258 : i32 to index
        %swap3A_291 = arith.constant 48 : index
        %swap3A_292 = tpu.vector_load %arg10[%swap3A_290, %swap3A_291] {strides = array<i32>} : memref<128x64xf32, #tpu.memory_space<vmem>>, vector<1x16xf32>,
        %swap3A_293 = vector.shape_cast %swap3A_292 : vector<1x16xf32> to vector<16xf32>
        %swap3A_294 = vector.shape_cast %get3A_289 : vector<16xf32> to vector<1x16xf32>
        tpu.vector_store %arg10[%swap3A_290, %swap3A_291], %swap3A_294 {strides = array<i32>} : memref<128x64xf32, #tpu.memory_space<vmem>>, vector<1x16xf32>,
        %mul3A_295 = arith.constant 8 : i32
        %mul3A_296 = arith.muli %scan3A_176, %mul3A_295 : i32
        %add3A_297 = arith.constant 3 : i32
        %add3A_298 = arith.addi %mul3A_296, %add3A_297 : i32
        %get3A_299 = arith.index_cast %add3A_298 : i32 to index
        %get3A_300 = arith.constant 0 : index
        %get3A_301 = tpu.vector_load %arg6[%get3A_299, %get3A_300] {strides = array<i32>} : memref<128x128xf32, #tpu.memory_space<vmem>>, vector<1x16xf32>,
        %get3A_302 = vector.shape_cast %get3A_301 : vector<1x16xf32> to vector<16xf32>
        %swap3A_303 = arith.index_cast %add3A_298 : i32 to index
        %swap3A_304 = arith.constant 0 : index
        %swap3A_305 = tpu.vector_load %arg10[%swap3A_303, %swap3A_304] {strides = array<i32>} : memref<128x64xf32, #tpu.memory_space<vmem>>, vector<1x16xf32>,
        %swap3A_306 = vector.shape_cast %swap3A_305 : vector<1x16xf32> to vector<16xf32>
        %swap3A_307 = vector.shape_cast %get3A_302 : vector<16xf32> to vector<1x16xf32>
        tpu.vector_store %arg10[%swap3A_303, %swap3A_304], %swap3A_307 {strides = array<i32>} : memref<128x64xf32, #tpu.memory_space<vmem>>, vector<1x16xf32>,
        %get3A_308 = arith.index_cast %add3A_298 : i32 to index
        %get3A_309 = arith.constant 16 : index
        %get3A_310 = tpu.vector_load %arg6[%get3A_308, %get3A_309] {strides = array<i32>} : memref<128x128xf32, #tpu.memory_space<vmem>>, vector<1x16xf32>,
        %get3A_311 = vector.shape_cast %get3A_310 : vector<1x16xf32> to vector<16xf32>
        %swap3A_312 = arith.index_cast %add3A_298 : i32 to index
        %swap3A_313 = arith.constant 16 : index
        %swap3A_314 = tpu.vector_load %arg10[%swap3A_312, %swap3A_313] {strides = array<i32>} : memref<128x64xf32, #tpu.memory_space<vmem>>, vector<1x16xf32>,
        %swap3A_315 = vector.shape_cast %swap3A_314 : vector<1x16xf32> to vector<16xf32>
        %swap3A_316 = vector.shape_cast %get3A_311 : vector<16xf32> to vector<1x16xf32>
        tpu.vector_store %arg10[%swap3A_312, %swap3A_313], %swap3A_316 {strides = array<i32>} : memref<128x64xf32, #tpu.memory_space<vmem>>, vector<1x16xf32>,
        %get3A_317 = arith.index_cast %add3A_298 : i32 to index
        %get3A_318 = arith.constant 32 : index
        %get3A_319 = tpu.vector_load %arg6[%get3A_317, %get3A_318] {strides = array<i32>} : memref<128x128xf32, #tpu.memory_space<vmem>>, vector<1x16xf32>,
        %get3A_320 = vector.shape_cast %get3A_319 : vector<1x16xf32> to vector<16xf32>
        %swap3A_321 = arith.index_cast %add3A_298 : i32 to index
        %swap3A_322 = arith.constant 32 : index
        %swap3A_323 = tpu.vector_load %arg10[%swap3A_321, %swap3A_322] {strides = array<i32>} : memref<128x64xf32, #tpu.memory_space<vmem>>, vector<1x16xf32>,
        %swap3A_324 = vector.shape_cast %swap3A_323 : vector<1x16xf32> to vector<16xf32>
        %swap3A_325 = vector.shape_cast %get3A_320 : vector<16xf32> to vector<1x16xf32>
        tpu.vector_store %arg10[%swap3A_321, %swap3A_322], %swap3A_325 {strides = array<i32>} : memref<128x64xf32, #tpu.memory_space<vmem>>, vector<1x16xf32>,
        %get3A_326 = arith.index_cast %add3A_298 : i32 to index
        %get3A_327 = arith.constant 48 : index
        %get3A_328 = tpu.vector_load %arg6[%get3A_326, %get3A_327] {strides = array<i32>} : memref<128x128xf32, #tpu.memory_space<vmem>>, vector<1x16xf32>,
        %get3A_329 = vector.shape_cast %get3A_328 : vector<1x16xf32> to vector<16xf32>
        %swap3A_330 = arith.index_cast %add3A_298 : i32 to index
        %swap3A_331 = arith.constant 48 : index
        %swap3A_332 = tpu.vector_load %arg10[%swap3A_330, %swap3A_331] {strides = array<i32>} : memref<128x64xf32, #tpu.memory_space<vmem>>, vector<1x16xf32>,
        %swap3A_333 = vector.shape_cast %swap3A_332 : vector<1x16xf32> to vector<16xf32>
        %swap3A_334 = vector.shape_cast %get3A_329 : vector<16xf32> to vector<1x16xf32>
        tpu.vector_store %arg10[%swap3A_330, %swap3A_331], %swap3A_334 {strides = array<i32>} : memref<128x64xf32, #tpu.memory_space<vmem>>, vector<1x16xf32>,
        %mul3A_335 = arith.constant 8 : i32
        %mul3A_336 = arith.muli %scan3A_176, %mul3A_335 : i32
        %add3A_337 = arith.constant 4 : i32
        %add3A_338 = arith.addi %mul3A_336, %add3A_337 : i32
        %get3A_339 = arith.index_cast %add3A_338 : i32 to index
        %get3A_340 = arith.constant 0 : index
        %get3A_341 = tpu.vector_load %arg6[%get3A_339, %get3A_340] {strides = array<i32>} : memref<128x128xf32, #tpu.memory_space<vmem>>, vector<1x16xf32>,
        %get3A_342 = vector.shape_cast %get3A_341 : vector<1x16xf32> to vector<16xf32>
        %swap3A_343 = arith.index_cast %add3A_338 : i32 to index
        %swap3A_344 = arith.constant 0 : index
        %swap3A_345 = tpu.vector_load %arg10[%swap3A_343, %swap3A_344] {strides = array<i32>} : memref<128x64xf32, #tpu.memory_space<vmem>>, vector<1x16xf32>,
        %swap3A_346 = vector.shape_cast %swap3A_345 : vector<1x16xf32> to vector<16xf32>
        %swap3A_347 = vector.shape_cast %get3A_342 : vector<16xf32> to vector<1x16xf32>
        tpu.vector_store %arg10[%swap3A_343, %swap3A_344], %swap3A_347 {strides = array<i32>} : memref<128x64xf32, #tpu.memory_space<vmem>>, vector<1x16xf32>,
        %get3A_348 = arith.index_cast %add3A_338 : i32 to index
        %get3A_349 = arith.constant 16 : index
        %get3A_350 = tpu.vector_load %arg6[%get3A_348, %get3A_349] {strides = array<i32>} : memref<128x128xf32, #tpu.memory_space<vmem>>, vector<1x16xf32>,
        %get3A_351 = vector.shape_cast %get3A_350 : vector<1x16xf32> to vector<16xf32>
        %swap3A_352 = arith.index_cast %add3A_338 : i32 to index
        %swap3A_353 = arith.constant 16 : index
        %swap3A_354 = tpu.vector_load %arg10[%swap3A_352, %swap3A_353] {strides = array<i32>} : memref<128x64xf32, #tpu.memory_space<vmem>>, vector<1x16xf32>,
        %swap3A_355 = vector.shape_cast %swap3A_354 : vector<1x16xf32> to vector<16xf32>
        %swap3A_356 = vector.shape_cast %get3A_351 : vector<16xf32> to vector<1x16xf32>
        tpu.vector_store %arg10[%swap3A_352, %swap3A_353], %swap3A_356 {strides = array<i32>} : memref<128x64xf32, #tpu.memory_space<vmem>>, vector<1x16xf32>,
        %get3A_357 = arith.index_cast %add3A_338 : i32 to index
        %get3A_358 = arith.constant 32 : index
        %get3A_359 = tpu.vector_load %arg6[%get3A_357, %get3A_358] {strides = array<i32>} : memref<128x128xf32, #tpu.memory_space<vmem>>, vector<1x16xf32>,
        %get3A_360 = vector.shape_cast %get3A_359 : vector<1x16xf32> to vector<16xf32>
        %swap3A_361 = arith.index_cast %add3A_338 : i32 to index
        %swap3A_362 = arith.constant 32 : index
        %swap3A_363 = tpu.vector_load %arg10[%swap3A_361, %swap3A_362] {strides = array<i32>} : memref<128x64xf32, #tpu.memory_space<vmem>>, vector<1x16xf32>,
        %swap3A_364 = vector.shape_cast %swap3A_363 : vector<1x16xf32> to vector<16xf32>
        %swap3A_365 = vector.shape_cast %get3A_360 : vector<16xf32> to vector<1x16xf32>
        tpu.vector_store %arg10[%swap3A_361, %swap3A_362], %swap3A_365 {strides = array<i32>} : memref<128x64xf32, #tpu.memory_space<vmem>>, vector<1x16xf32>,
        %get3A_366 = arith.index_cast %add3A_338 : i32 to index
        %get3A_367 = arith.constant 48 : index
        %get3A_368 = tpu.vector_load %arg6[%get3A_366, %get3A_367] {strides = array<i32>} : memref<128x128xf32, #tpu.memory_space<vmem>>, vector<1x16xf32>,
        %get3A_369 = vector.shape_cast %get3A_368 : vector<1x16xf32> to vector<16xf32>
        %swap3A_370 = arith.index_cast %add3A_338 : i32 to index
        %swap3A_371 = arith.constant 48 : index
        %swap3A_372 = tpu.vector_load %arg10[%swap3A_370, %swap3A_371] {strides = array<i32>} : memref<128x64xf32, #tpu.memory_space<vmem>>, vector<1x16xf32>,
        %swap3A_373 = vector.shape_cast %swap3A_372 : vector<1x16xf32> to vector<16xf32>
        %swap3A_374 = vector.shape_cast %get3A_369 : vector<16xf32> to vector<1x16xf32>
        tpu.vector_store %arg10[%swap3A_370, %swap3A_371], %swap3A_374 {strides = array<i32>} : memref<128x64xf32, #tpu.memory_space<vmem>>, vector<1x16xf32>,
        %mul3A_375 = arith.constant 8 : i32
        %mul3A_376 = arith.muli %scan3A_176, %mul3A_375 : i32
        %add3A_377 = arith.constant 5 : i32
        %add3A_378 = arith.addi %mul3A_376, %add3A_377 : i32
        %get3A_379 = arith.index_cast %add3A_378 : i32 to index
        %get3A_380 = arith.constant 0 : index
        %get3A_381 = tpu.vector_load %arg6[%get3A_379, %get3A_380] {strides = array<i32>} : memref<128x128xf32, #tpu.memory_space<vmem>>, vector<1x16xf32>,
        %get3A_382 = vector.shape_cast %get3A_381 : vector<1x16xf32> to vector<16xf32>
        %swap3A_383 = arith.index_cast %add3A_378 : i32 to index
        %swap3A_384 = arith.constant 0 : index
        %swap3A_385 = tpu.vector_load %arg10[%swap3A_383, %swap3A_384] {strides = array<i32>} : memref<128x64xf32, #tpu.memory_space<vmem>>, vector<1x16xf32>,
        %swap3A_386 = vector.shape_cast %swap3A_385 : vector<1x16xf32> to vector<16xf32>
        %swap3A_387 = vector.shape_cast %get3A_382 : vector<16xf32> to vector<1x16xf32>
        tpu.vector_store %arg10[%swap3A_383, %swap3A_384], %swap3A_387 {strides = array<i32>} : memref<128x64xf32, #tpu.memory_space<vmem>>, vector<1x16xf32>,
        %get3A_388 = arith.index_cast %add3A_378 : i32 to index
        %get3A_389 = arith.constant 16 : index
        %get3A_390 = tpu.vector_load %arg6[%get3A_388, %get3A_389] {strides = array<i32>} : memref<128x128xf32, #tpu.memory_space<vmem>>, vector<1x16xf32>,
        %get3A_391 = vector.shape_cast %get3A_390 : vector<1x16xf32> to vector<16xf32>
        %swap3A_392 = arith.index_cast %add3A_378 : i32 to index
        %swap3A_393 = arith.constant 16 : index
        %swap3A_394 = tpu.vector_load %arg10[%swap3A_392, %swap3A_393] {strides = array<i32>} : memref<128x64xf32, #tpu.memory_space<vmem>>, vector<1x16xf32>,
        %swap3A_395 = vector.shape_cast %swap3A_394 : vector<1x16xf32> to vector<16xf32>
        %swap3A_396 = vector.shape_cast %get3A_391 : vector<16xf32> to vector<1x16xf32>
        tpu.vector_store %arg10[%swap3A_392, %swap3A_393], %swap3A_396 {strides = array<i32>} : memref<128x64xf32, #tpu.memory_space<vmem>>, vector<1x16xf32>,
        %get3A_397 = arith.index_cast %add3A_378 : i32 to index
        %get3A_398 = arith.constant 32 : index
        %get3A_399 = tpu.vector_load %arg6[%get3A_397, %get3A_398] {strides = array<i32>} : memref<128x128xf32, #tpu.memory_space<vmem>>, vector<1x16xf32>,
        %get3A_400 = vector.shape_cast %get3A_399 : vector<1x16xf32> to vector<16xf32>
        %swap3A_401 = arith.index_cast %add3A_378 : i32 to index
        %swap3A_402 = arith.constant 32 : index
        %swap3A_403 = tpu.vector_load %arg10[%swap3A_401, %swap3A_402] {strides = array<i32>} : memref<128x64xf32, #tpu.memory_space<vmem>>, vector<1x16xf32>,
        %swap3A_404 = vector.shape_cast %swap3A_403 : vector<1x16xf32> to vector<16xf32>
        %swap3A_405 = vector.shape_cast %get3A_400 : vector<16xf32> to vector<1x16xf32>
        tpu.vector_store %arg10[%swap3A_401, %swap3A_402], %swap3A_405 {strides = array<i32>} : memref<128x64xf32, #tpu.memory_space<vmem>>, vector<1x16xf32>,
        %get3A_406 = arith.index_cast %add3A_378 : i32 to index
        %get3A_407 = arith.constant 48 : index
        %get3A_408 = tpu.vector_load %arg6[%get3A_406, %get3A_407] {strides = array<i32>} : memref<128x128xf32, #tpu.memory_space<vmem>>, vector<1x16xf32>,
        %get3A_409 = vector.shape_cast %get3A_408 : vector<1x16xf32> to vector<16xf32>
        %swap3A_410 = arith.index_cast %add3A_378 : i32 to index
        %swap3A_411 = arith.constant 48 : index
        %swap3A_412 = tpu.vector_load %arg10[%swap3A_410, %swap3A_411] {strides = array<i32>} : memref<128x64xf32, #tpu.memory_space<vmem>>, vector<1x16xf32>,
        %swap3A_413 = vector.shape_cast %swap3A_412 : vector<1x16xf32> to vector<16xf32>
        %swap3A_414 = vector.shape_cast %get3A_409 : vector<16xf32> to vector<1x16xf32>
        tpu.vector_store %arg10[%swap3A_410, %swap3A_411], %swap3A_414 {strides = array<i32>} : memref<128x64xf32, #tpu.memory_space<vmem>>, vector<1x16xf32>,
        %mul3A_415 = arith.constant 8 : i32
        %mul3A_416 = arith.muli %scan3A_176, %mul3A_415 : i32
        %add3A_417 = arith.constant 6 : i32
        %add3A_418 = arith.addi %mul3A_416, %add3A_417 : i32
        %get3A_419 = arith.index_cast %add3A_418 : i32 to index
        %get3A_420 = arith.constant 0 : index
        %get3A_421 = tpu.vector_load %arg6[%get3A_419, %get3A_420] {strides = array<i32>} : memref<128x128xf32, #tpu.memory_space<vmem>>, vector<1x16xf32>,
        %get3A_422 = vector.shape_cast %get3A_421 : vector<1x16xf32> to vector<16xf32>
        %swap3A_423 = arith.index_cast %add3A_418 : i32 to index
        %swap3A_424 = arith.constant 0 : index
        %swap3A_425 = tpu.vector_load %arg10[%swap3A_423, %swap3A_424] {strides = array<i32>} : memref<128x64xf32, #tpu.memory_space<vmem>>, vector<1x16xf32>,
        %swap3A_426 = vector.shape_cast %swap3A_425 : vector<1x16xf32> to vector<16xf32>
        %swap3A_427 = vector.shape_cast %get3A_422 : vector<16xf32> to vector<1x16xf32>
        tpu.vector_store %arg10[%swap3A_423, %swap3A_424], %swap3A_427 {strides = array<i32>} : memref<128x64xf32, #tpu.memory_space<vmem>>, vector<1x16xf32>,
        %get3A_428 = arith.index_cast %add3A_418 : i32 to index
        %get3A_429 = arith.constant 16 : index
        %get3A_430 = tpu.vector_load %arg6[%get3A_428, %get3A_429] {strides = array<i32>} : memref<128x128xf32, #tpu.memory_space<vmem>>, vector<1x16xf32>,
        %get3A_431 = vector.shape_cast %get3A_430 : vector<1x16xf32> to vector<16xf32>
        %swap3A_432 = arith.index_cast %add3A_418 : i32 to index
        %swap3A_433 = arith.constant 16 : index
        %swap3A_434 = tpu.vector_load %arg10[%swap3A_432, %swap3A_433] {strides = array<i32>} : memref<128x64xf32, #tpu.memory_space<vmem>>, vector<1x16xf32>,
        %swap3A_435 = vector.shape_cast %swap3A_434 : vector<1x16xf32> to vector<16xf32>
        %swap3A_436 = vector.shape_cast %get3A_431 : vector<16xf32> to vector<1x16xf32>
        tpu.vector_store %arg10[%swap3A_432, %swap3A_433], %swap3A_436 {strides = array<i32>} : memref<128x64xf32, #tpu.memory_space<vmem>>, vector<1x16xf32>,
        %get3A_437 = arith.index_cast %add3A_418 : i32 to index
        %get3A_438 = arith.constant 32 : index
        %get3A_439 = tpu.vector_load %arg6[%get3A_437, %get3A_438] {strides = array<i32>} : memref<128x128xf32, #tpu.memory_space<vmem>>, vector<1x16xf32>,
        %get3A_440 = vector.shape_cast %get3A_439 : vector<1x16xf32> to vector<16xf32>
        %swap3A_441 = arith.index_cast %add3A_418 : i32 to index
        %swap3A_442 = arith.constant 32 : index
        %swap3A_443 = tpu.vector_load %arg10[%swap3A_441, %swap3A_442] {strides = array<i32>} : memref<128x64xf32, #tpu.memory_space<vmem>>, vector<1x16xf32>,
        %swap3A_444 = vector.shape_cast %swap3A_443 : vector<1x16xf32> to vector<16xf32>
        %swap3A_445 = vector.shape_cast %get3A_440 : vector<16xf32> to vector<1x16xf32>
        tpu.vector_store %arg10[%swap3A_441, %swap3A_442], %swap3A_445 {strides = array<i32>} : memref<128x64xf32, #tpu.memory_space<vmem>>, vector<1x16xf32>,
        %get3A_446 = arith.index_cast %add3A_418 : i32 to index
        %get3A_447 = arith.constant 48 : index
        %get3A_448 = tpu.vector_load %arg6[%get3A_446, %get3A_447] {strides = array<i32>} : memref<128x128xf32, #tpu.memory_space<vmem>>, vector<1x16xf32>,
        %get3A_449 = vector.shape_cast %get3A_448 : vector<1x16xf32> to vector<16xf32>
        %swap3A_450 = arith.index_cast %add3A_418 : i32 to index
        %swap3A_451 = arith.constant 48 : index
        %swap3A_452 = tpu.vector_load %arg10[%swap3A_450, %swap3A_451] {strides = array<i32>} : memref<128x64xf32, #tpu.memory_space<vmem>>, vector<1x16xf32>,
        %swap3A_453 = vector.shape_cast %swap3A_452 : vector<1x16xf32> to vector<16xf32>
        %swap3A_454 = vector.shape_cast %get3A_449 : vector<16xf32> to vector<1x16xf32>
        tpu.vector_store %arg10[%swap3A_450, %swap3A_451], %swap3A_454 {strides = array<i32>} : memref<128x64xf32, #tpu.memory_space<vmem>>, vector<1x16xf32>,
        %mul3A_455 = arith.constant 8 : i32
        %mul3A_456 = arith.muli %scan3A_176, %mul3A_455 : i32
        %add3A_457 = arith.constant 7 : i32
        %add3A_458 = arith.addi %mul3A_456, %add3A_457 : i32
        %get3A_459 = arith.index_cast %add3A_458 : i32 to index
        %get3A_460 = arith.constant 0 : index
        %get3A_461 = tpu.vector_load %arg6[%get3A_459, %get3A_460] {strides = array<i32>} : memref<128x128xf32, #tpu.memory_space<vmem>>, vector<1x16xf32>,
        %get3A_462 = vector.shape_cast %get3A_461 : vector<1x16xf32> to vector<16xf32>
        %swap3A_463 = arith.index_cast %add3A_458 : i32 to index
        %swap3A_464 = arith.constant 0 : index
        %swap3A_465 = tpu.vector_load %arg10[%swap3A_463, %swap3A_464] {strides = array<i32>} : memref<128x64xf32, #tpu.memory_space<vmem>>, vector<1x16xf32>,
        %swap3A_466 = vector.shape_cast %swap3A_465 : vector<1x16xf32> to vector<16xf32>
        %swap3A_467 = vector.shape_cast %get3A_462 : vector<16xf32> to vector<1x16xf32>
        tpu.vector_store %arg10[%swap3A_463, %swap3A_464], %swap3A_467 {strides = array<i32>} : memref<128x64xf32, #tpu.memory_space<vmem>>, vector<1x16xf32>,
        %get3A_468 = arith.index_cast %add3A_458 : i32 to index
        %get3A_469 = arith.constant 16 : index
        %get3A_470 = tpu.vector_load %arg6[%get3A_468, %get3A_469] {strides = array<i32>} : memref<128x128xf32, #tpu.memory_space<vmem>>, vector<1x16xf32>,
        %get3A_471 = vector.shape_cast %get3A_470 : vector<1x16xf32> to vector<16xf32>
        %swap3A_472 = arith.index_cast %add3A_458 : i32 to index
        %swap3A_473 = arith.constant 16 : index
        %swap3A_474 = tpu.vector_load %arg10[%swap3A_472, %swap3A_473] {strides = array<i32>} : memref<128x64xf32, #tpu.memory_space<vmem>>, vector<1x16xf32>,
        %swap3A_475 = vector.shape_cast %swap3A_474 : vector<1x16xf32> to vector<16xf32>
        %swap3A_476 = vector.shape_cast %get3A_471 : vector<16xf32> to vector<1x16xf32>
        tpu.vector_store %arg10[%swap3A_472, %swap3A_473], %swap3A_476 {strides = array<i32>} : memref<128x64xf32, #tpu.memory_space<vmem>>, vector<1x16xf32>,
        %get3A_477 = arith.index_cast %add3A_458 : i32 to index
        %get3A_478 = arith.constant 32 : index
        %get3A_479 = tpu.vector_load %arg6[%get3A_477, %get3A_478] {strides = array<i32>} : memref<128x128xf32, #tpu.memory_space<vmem>>, vector<1x16xf32>,
        %get3A_480 = vector.shape_cast %get3A_479 : vector<1x16xf32> to vector<16xf32>
        %swap3A_481 = arith.index_cast %add3A_458 : i32 to index
        %swap3A_482 = arith.constant 32 : index
        %swap3A_483 = tpu.vector_load %arg10[%swap3A_481, %swap3A_482] {strides = array<i32>} : memref<128x64xf32, #tpu.memory_space<vmem>>, vector<1x16xf32>,
        %swap3A_484 = vector.shape_cast %swap3A_483 : vector<1x16xf32> to vector<16xf32>
        %swap3A_485 = vector.shape_cast %get3A_480 : vector<16xf32> to vector<1x16xf32>
        tpu.vector_store %arg10[%swap3A_481, %swap3A_482], %swap3A_485 {strides = array<i32>} : memref<128x64xf32, #tpu.memory_space<vmem>>, vector<1x16xf32>,
        %get3A_486 = arith.index_cast %add3A_458 : i32 to index
        %get3A_487 = arith.constant 48 : index
        %get3A_488 = tpu.vector_load %arg6[%get3A_486, %get3A_487] {strides = array<i32>} : memref<128x128xf32, #tpu.memory_space<vmem>>, vector<1x16xf32>,
        %get3A_489 = vector.shape_cast %get3A_488 : vector<1x16xf32> to vector<16xf32>
        %swap3A_490 = arith.index_cast %add3A_458 : i32 to index
        %swap3A_491 = arith.constant 48 : index
        %swap3A_492 = tpu.vector_load %arg10[%swap3A_490, %swap3A_491] {strides = array<i32>} : memref<128x64xf32, #tpu.memory_space<vmem>>, vector<1x16xf32>,
        %swap3A_493 = vector.shape_cast %swap3A_492 : vector<1x16xf32> to vector<16xf32>
        %swap3A_494 = vector.shape_cast %get3A_489 : vector<16xf32> to vector<1x16xf32>
        tpu.vector_store %arg10[%swap3A_490, %swap3A_491], %swap3A_494 {strides = array<i32>} : memref<128x64xf32, #tpu.memory_space<vmem>>, vector<1x16xf32>,
      }
      %scan3A_63 = arith.constant 16 : i32
      %mul3A_64 = arith.constant 4096 : i32
      %mul3A_65 = arith.muli %add3A_43, %mul3A_64 : i32
      %add3A_66 = arith.addi %mul3A_65, %mul3A_2 : i32
      %dma_start3A_67 = arith.constant 0 : i32
      %dma_start3A_68 = tpu.memref_slice %arg4[%add3A_66, %dma_start3A_67] : memref<819200x64xf32, #tpu.memory_space<hbm>> -> memref<128x64xf32, #tpu.memory_space<hbm>>
      %dma_start3A_69 = arith.constant 0 : i32
      %dma_start3A_70 = tpu.memref_slice %arg4[%add3A_66, %dma_start3A_69] : memref<819200x64xf32, #tpu.memory_space<hbm>> -> memref<128x64xf32, #tpu.memory_space<hbm>>
      tpu.enqueue_dma source(%arg10 : memref<128x64xf32, #tpu.memory_space<vmem>>) target(%dma_start3A_70 : memref<128x64xf32, #tpu.memory_space<hbm>>) target_semaphore(%arg16 : memref<!tpu.dma_semaphore, #tpu.memory_space<semaphore_mem>>)
      %mul3A_71 = arith.constant 4 : i32
      %mul3A_72 = arith.muli %scan3A_39, %mul3A_71 : i32
      %add3A_73 = arith.constant 1 : i32
      %add3A_74 = arith.addi %mul3A_72, %add3A_73 : i32
      %add3A_75 = arith.constant 3 : i32
      %add3A_76 = arith.addi %add3A_74, %add3A_75 : i32
      %lt3A_77 = arith.constant 200 : i32
      %lt3A_78 = arith.cmpi slt, %add3A_76, %lt3A_77 : i32
      %convert_element_type3A_79 = arith.extui %lt3A_78 : i1 to i32
      %cond3A_80 = arith.constant 0 : i32
      %cond3A_81 = arith.cmpi ne, %convert_element_type3A_79, %cond3A_80 : i32
      scf.if %cond3A_81 {
        %add3A_176 = arith.constant 3 : i32
        %add3A_177 = arith.addi %add3A_74, %add3A_176 : i32
        %dma_start3A_178 = arith.constant 0 : i32
        %dma_start3A_179 = tpu.memref_slice %arg5[%add3A_177, %dma_start3A_178] : memref<200x128xi32, #tpu.memory_space<vmem>> -> memref<1x128xi32, #tpu.memory_space<vmem>>
        %dma_start3A_180 = tpu.memref_squeeze %dma_start3A_179 : memref<1x128xi32, #tpu.memory_space<vmem>> -> memref<128xi32, #tpu.memory_space<vmem>>
        %dma_start3A_181 = arith.constant 0 : i32
        %dma_start3A_182 = arith.constant 0 : i32
        %dma_start3A_183 = tpu.memref_slice %arg3[%dma_start3A_181, %dma_start3A_182] : memref<1000000x128xf32, #tpu.memory_space<hbm>> -> memref<1000000x128xf32, #tpu.memory_space<hbm>>
        tpu.enqueue_indirect_dma source(%dma_start3A_183 : memref<1000000x128xf32, #tpu.memory_space<hbm>>) target(%arg6 : memref<128x128xf32, #tpu.memory_space<vmem>>) offsets(%dma_start3A_180 : memref<128xi32, #tpu.memory_space<vmem>>) semaphore(%arg12 : memref<!tpu.dma_semaphore, #tpu.memory_space<semaphore_mem>>)
      } else {
      }
      %dma_wait3A_82 = arith.constant 0 : i32
      %dma_wait3A_83 = tpu.memref_slice %arg5[%add3A_74, %dma_wait3A_82] : memref<200x128xi32, #tpu.memory_space<vmem>> -> memref<1x128xi32, #tpu.memory_space<vmem>>
      %dma_wait3A_84 = tpu.memref_squeeze %dma_wait3A_83 : memref<1x128xi32, #tpu.memory_space<vmem>> -> memref<128xi32, #tpu.memory_space<vmem>>
      %dma_wait3A_85 = arith.constant 0 : i32
      %dma_wait3A_86 = arith.constant 0 : i32
      %dma_wait3A_87 = tpu.memref_slice %arg3[%dma_wait3A_85, %dma_wait3A_86] : memref<1000000x128xf32, #tpu.memory_space<hbm>> -> memref<1000000x128xf32, #tpu.memory_space<hbm>>
      tpu.wait_indirect_dma semaphore(%arg13 : memref<!tpu.dma_semaphore, #tpu.memory_space<semaphore_mem>>) src(%dma_wait3A_87 : memref<1000000x128xf32, #tpu.memory_space<hbm>>) dst(%arg7 : memref<128x128xf32, #tpu.memory_space<vmem>>)
      %ge3A_88 = arith.constant 2 : i32
      %ge3A_89 = arith.cmpi sge, %add3A_74, %ge3A_88 : i32
      %convert_element_type3A_90 = arith.extui %ge3A_89 : i1 to i32
      %cond3A_91 = arith.constant 0 : i32
      %cond3A_92 = arith.cmpi ne, %convert_element_type3A_90, %cond3A_91 : i32
      scf.if %cond3A_92 {
        %sub3A = arith.constant 2 : i32
        %sub3A_176 = arith.subi %add3A_74, %sub3A : i32
        %mul3A_177 = arith.constant 4096 : i32
        %mul3A_178 = arith.muli %sub3A_176, %mul3A_177 : i32
        %add3A_179 = arith.addi %mul3A_178, %mul3A_2 : i32
        %dma_wait3A_180 = arith.constant 0 : i32
        %dma_wait3A_181 = tpu.memref_slice %arg4[%add3A_179, %dma_wait3A_180] : memref<819200x64xf32, #tpu.memory_space<hbm>> -> memref<128x64xf32, #tpu.memory_space<hbm>>
        %dma_wait3A_182 = arith.constant 0 : i32
        %dma_wait3A_183 = tpu.memref_slice %arg4[%add3A_179, %dma_wait3A_182] : memref<819200x64xf32, #tpu.memory_space<hbm>> -> memref<128x64xf32, #tpu.memory_space<hbm>>
        tpu.wait_dma2 semaphore(%arg17 : memref<!tpu.dma_semaphore, #tpu.memory_space<semaphore_mem>>) src(%arg11 : memref<128x64xf32, #tpu.memory_space<vmem>>) dst(%dma_wait3A_183 : memref<128x64xf32, #tpu.memory_space<hbm>>)
      } else {
      }
      %scan3A_93 = arith.constant 0 : i32
      %scan3A_94 = arith.constant 0 : i32
      %scan3A_95 = arith.constant 16 : i32
      %scan3A_96 = arith.addi %scan3A_94, %scan3A_95 : i32
      %scan3A_97 = arith.constant 1 : i32
      scf.for %scan3A_176 = %scan3A_94 to %scan3A_96 step %scan3A_97  : i32 {
        %mul3A_177 = arith.constant 8 : i32
        %mul3A_178 = arith.muli %scan3A_176, %mul3A_177 : i32
        %add3A_179 = arith.constant 0 : i32
        %add3A_180 = arith.addi %mul3A_178, %add3A_179 : i32
        %get3A = arith.index_cast %add3A_180 : i32 to index
        %get3A_181 = arith.constant 0 : index
        %get3A_182 = tpu.vector_load %arg7[%get3A, %get3A_181] {strides = array<i32>} : memref<128x128xf32, #tpu.memory_space<vmem>>, vector<1x16xf32>,
        %get3A_183 = vector.shape_cast %get3A_182 : vector<1x16xf32> to vector<16xf32>
        %swap3A = arith.index_cast %add3A_180 : i32 to index
        %swap3A_184 = arith.constant 0 : index
        %swap3A_185 = tpu.vector_load %arg11[%swap3A, %swap3A_184] {strides = array<i32>} : memref<128x64xf32, #tpu.memory_space<vmem>>, vector<1x16xf32>,
        %swap3A_186 = vector.shape_cast %swap3A_185 : vector<1x16xf32> to vector<16xf32>
        %swap3A_187 = vector.shape_cast %get3A_183 : vector<16xf32> to vector<1x16xf32>
        tpu.vector_store %arg11[%swap3A, %swap3A_184], %swap3A_187 {strides = array<i32>} : memref<128x64xf32, #tpu.memory_space<vmem>>, vector<1x16xf32>,
        %get3A_188 = arith.index_cast %add3A_180 : i32 to index
        %get3A_189 = arith.constant 16 : index
        %get3A_190 = tpu.vector_load %arg7[%get3A_188, %get3A_189] {strides = array<i32>} : memref<128x128xf32, #tpu.memory_space<vmem>>, vector<1x16xf32>,
        %get3A_191 = vector.shape_cast %get3A_190 : vector<1x16xf32> to vector<16xf32>
        %swap3A_192 = arith.index_cast %add3A_180 : i32 to index
        %swap3A_193 = arith.constant 16 : index
        %swap3A_194 = tpu.vector_load %arg11[%swap3A_192, %swap3A_193] {strides = array<i32>} : memref<128x64xf32, #tpu.memory_space<vmem>>, vector<1x16xf32>,
        %swap3A_195 = vector.shape_cast %swap3A_194 : vector<1x16xf32> to vector<16xf32>
        %swap3A_196 = vector.shape_cast %get3A_191 : vector<16xf32> to vector<1x16xf32>
        tpu.vector_store %arg11[%swap3A_192, %swap3A_193], %swap3A_196 {strides = array<i32>} : memref<128x64xf32, #tpu.memory_space<vmem>>, vector<1x16xf32>,
        %get3A_197 = arith.index_cast %add3A_180 : i32 to index
        %get3A_198 = arith.constant 32 : index
        %get3A_199 = tpu.vector_load %arg7[%get3A_197, %get3A_198] {strides = array<i32>} : memref<128x128xf32, #tpu.memory_space<vmem>>, vector<1x16xf32>,
        %get3A_200 = vector.shape_cast %get3A_199 : vector<1x16xf32> to vector<16xf32>
        %swap3A_201 = arith.index_cast %add3A_180 : i32 to index
        %swap3A_202 = arith.constant 32 : index
        %swap3A_203 = tpu.vector_load %arg11[%swap3A_201, %swap3A_202] {strides = array<i32>} : memref<128x64xf32, #tpu.memory_space<vmem>>, vector<1x16xf32>,
        %swap3A_204 = vector.shape_cast %swap3A_203 : vector<1x16xf32> to vector<16xf32>
        %swap3A_205 = vector.shape_cast %get3A_200 : vector<16xf32> to vector<1x16xf32>
        tpu.vector_store %arg11[%swap3A_201, %swap3A_202], %swap3A_205 {strides = array<i32>} : memref<128x64xf32, #tpu.memory_space<vmem>>, vector<1x16xf32>,
        %get3A_206 = arith.index_cast %add3A_180 : i32 to index
        %get3A_207 = arith.constant 48 : index
        %get3A_208 = tpu.vector_load %arg7[%get3A_206, %get3A_207] {strides = array<i32>} : memref<128x128xf32, #tpu.memory_space<vmem>>, vector<1x16xf32>,
        %get3A_209 = vector.shape_cast %get3A_208 : vector<1x16xf32> to vector<16xf32>
        %swap3A_210 = arith.index_cast %add3A_180 : i32 to index
        %swap3A_211 = arith.constant 48 : index
        %swap3A_212 = tpu.vector_load %arg11[%swap3A_210, %swap3A_211] {strides = array<i32>} : memref<128x64xf32, #tpu.memory_space<vmem>>, vector<1x16xf32>,
        %swap3A_213 = vector.shape_cast %swap3A_212 : vector<1x16xf32> to vector<16xf32>
        %swap3A_214 = vector.shape_cast %get3A_209 : vector<16xf32> to vector<1x16xf32>
        tpu.vector_store %arg11[%swap3A_210, %swap3A_211], %swap3A_214 {strides = array<i32>} : memref<128x64xf32, #tpu.memory_space<vmem>>, vector<1x16xf32>,
        %mul3A_215 = arith.constant 8 : i32
        %mul3A_216 = arith.muli %scan3A_176, %mul3A_215 : i32
        %add3A_217 = arith.constant 1 : i32
        %add3A_218 = arith.addi %mul3A_216, %add3A_217 : i32
        %get3A_219 = arith.index_cast %add3A_218 : i32 to index
        %get3A_220 = arith.constant 0 : index
        %get3A_221 = tpu.vector_load %arg7[%get3A_219, %get3A_220] {strides = array<i32>} : memref<128x128xf32, #tpu.memory_space<vmem>>, vector<1x16xf32>,
        %get3A_222 = vector.shape_cast %get3A_221 : vector<1x16xf32> to vector<16xf32>
        %swap3A_223 = arith.index_cast %add3A_218 : i32 to index
        %swap3A_224 = arith.constant 0 : index
        %swap3A_225 = tpu.vector_load %arg11[%swap3A_223, %swap3A_224] {strides = array<i32>} : memref<128x64xf32, #tpu.memory_space<vmem>>, vector<1x16xf32>,
        %swap3A_226 = vector.shape_cast %swap3A_225 : vector<1x16xf32> to vector<16xf32>
        %swap3A_227 = vector.shape_cast %get3A_222 : vector<16xf32> to vector<1x16xf32>
        tpu.vector_store %arg11[%swap3A_223, %swap3A_224], %swap3A_227 {strides = array<i32>} : memref<128x64xf32, #tpu.memory_space<vmem>>, vector<1x16xf32>,
        %get3A_228 = arith.index_cast %add3A_218 : i32 to index
        %get3A_229 = arith.constant 16 : index
        %get3A_230 = tpu.vector_load %arg7[%get3A_228, %get3A_229] {strides = array<i32>} : memref<128x128xf32, #tpu.memory_space<vmem>>, vector<1x16xf32>,
        %get3A_231 = vector.shape_cast %get3A_230 : vector<1x16xf32> to vector<16xf32>
        %swap3A_232 = arith.index_cast %add3A_218 : i32 to index
        %swap3A_233 = arith.constant 16 : index
        %swap3A_234 = tpu.vector_load %arg11[%swap3A_232, %swap3A_233] {strides = array<i32>} : memref<128x64xf32, #tpu.memory_space<vmem>>, vector<1x16xf32>,
        %swap3A_235 = vector.shape_cast %swap3A_234 : vector<1x16xf32> to vector<16xf32>
        %swap3A_236 = vector.shape_cast %get3A_231 : vector<16xf32> to vector<1x16xf32>
        tpu.vector_store %arg11[%swap3A_232, %swap3A_233], %swap3A_236 {strides = array<i32>} : memref<128x64xf32, #tpu.memory_space<vmem>>, vector<1x16xf32>,
        %get3A_237 = arith.index_cast %add3A_218 : i32 to index
        %get3A_238 = arith.constant 32 : index
        %get3A_239 = tpu.vector_load %arg7[%get3A_237, %get3A_238] {strides = array<i32>} : memref<128x128xf32, #tpu.memory_space<vmem>>, vector<1x16xf32>,
        %get3A_240 = vector.shape_cast %get3A_239 : vector<1x16xf32> to vector<16xf32>
        %swap3A_241 = arith.index_cast %add3A_218 : i32 to index
        %swap3A_242 = arith.constant 32 : index
        %swap3A_243 = tpu.vector_load %arg11[%swap3A_241, %swap3A_242] {strides = array<i32>} : memref<128x64xf32, #tpu.memory_space<vmem>>, vector<1x16xf32>,
        %swap3A_244 = vector.shape_cast %swap3A_243 : vector<1x16xf32> to vector<16xf32>
        %swap3A_245 = vector.shape_cast %get3A_240 : vector<16xf32> to vector<1x16xf32>
        tpu.vector_store %arg11[%swap3A_241, %swap3A_242], %swap3A_245 {strides = array<i32>} : memref<128x64xf32, #tpu.memory_space<vmem>>, vector<1x16xf32>,
        %get3A_246 = arith.index_cast %add3A_218 : i32 to index
        %get3A_247 = arith.constant 48 : index
        %get3A_248 = tpu.vector_load %arg7[%get3A_246, %get3A_247] {strides = array<i32>} : memref<128x128xf32, #tpu.memory_space<vmem>>, vector<1x16xf32>,
        %get3A_249 = vector.shape_cast %get3A_248 : vector<1x16xf32> to vector<16xf32>
        %swap3A_250 = arith.index_cast %add3A_218 : i32 to index
        %swap3A_251 = arith.constant 48 : index
        %swap3A_252 = tpu.vector_load %arg11[%swap3A_250, %swap3A_251] {strides = array<i32>} : memref<128x64xf32, #tpu.memory_space<vmem>>, vector<1x16xf32>,
        %swap3A_253 = vector.shape_cast %swap3A_252 : vector<1x16xf32> to vector<16xf32>
        %swap3A_254 = vector.shape_cast %get3A_249 : vector<16xf32> to vector<1x16xf32>
        tpu.vector_store %arg11[%swap3A_250, %swap3A_251], %swap3A_254 {strides = array<i32>} : memref<128x64xf32, #tpu.memory_space<vmem>>, vector<1x16xf32>,
        %mul3A_255 = arith.constant 8 : i32
        %mul3A_256 = arith.muli %scan3A_176, %mul3A_255 : i32
        %add3A_257 = arith.constant 2 : i32
        %add3A_258 = arith.addi %mul3A_256, %add3A_257 : i32
        %get3A_259 = arith.index_cast %add3A_258 : i32 to index
        %get3A_260 = arith.constant 0 : index
        %get3A_261 = tpu.vector_load %arg7[%get3A_259, %get3A_260] {strides = array<i32>} : memref<128x128xf32, #tpu.memory_space<vmem>>, vector<1x16xf32>,
        %get3A_262 = vector.shape_cast %get3A_261 : vector<1x16xf32> to vector<16xf32>
        %swap3A_263 = arith.index_cast %add3A_258 : i32 to index
        %swap3A_264 = arith.constant 0 : index
        %swap3A_265 = tpu.vector_load %arg11[%swap3A_263, %swap3A_264] {strides = array<i32>} : memref<128x64xf32, #tpu.memory_space<vmem>>, vector<1x16xf32>,
        %swap3A_266 = vector.shape_cast %swap3A_265 : vector<1x16xf32> to vector<16xf32>
        %swap3A_267 = vector.shape_cast %get3A_262 : vector<16xf32> to vector<1x16xf32>
        tpu.vector_store %arg11[%swap3A_263, %swap3A_264], %swap3A_267 {strides = array<i32>} : memref<128x64xf32, #tpu.memory_space<vmem>>, vector<1x16xf32>,
        %get3A_268 = arith.index_cast %add3A_258 : i32 to index
        %get3A_269 = arith.constant 16 : index
        %get3A_270 = tpu.vector_load %arg7[%get3A_268, %get3A_269] {strides = array<i32>} : memref<128x128xf32, #tpu.memory_space<vmem>>, vector<1x16xf32>,
        %get3A_271 = vector.shape_cast %get3A_270 : vector<1x16xf32> to vector<16xf32>
        %swap3A_272 = arith.index_cast %add3A_258 : i32 to index
        %swap3A_273 = arith.constant 16 : index
        %swap3A_274 = tpu.vector_load %arg11[%swap3A_272, %swap3A_273] {strides = array<i32>} : memref<128x64xf32, #tpu.memory_space<vmem>>, vector<1x16xf32>,
        %swap3A_275 = vector.shape_cast %swap3A_274 : vector<1x16xf32> to vector<16xf32>
        %swap3A_276 = vector.shape_cast %get3A_271 : vector<16xf32> to vector<1x16xf32>
        tpu.vector_store %arg11[%swap3A_272, %swap3A_273], %swap3A_276 {strides = array<i32>} : memref<128x64xf32, #tpu.memory_space<vmem>>, vector<1x16xf32>,
        %get3A_277 = arith.index_cast %add3A_258 : i32 to index
        %get3A_278 = arith.constant 32 : index
        %get3A_279 = tpu.vector_load %arg7[%get3A_277, %get3A_278] {strides = array<i32>} : memref<128x128xf32, #tpu.memory_space<vmem>>, vector<1x16xf32>,
        %get3A_280 = vector.shape_cast %get3A_279 : vector<1x16xf32> to vector<16xf32>
        %swap3A_281 = arith.index_cast %add3A_258 : i32 to index
        %swap3A_282 = arith.constant 32 : index
        %swap3A_283 = tpu.vector_load %arg11[%swap3A_281, %swap3A_282] {strides = array<i32>} : memref<128x64xf32, #tpu.memory_space<vmem>>, vector<1x16xf32>,
        %swap3A_284 = vector.shape_cast %swap3A_283 : vector<1x16xf32> to vector<16xf32>
        %swap3A_285 = vector.shape_cast %get3A_280 : vector<16xf32> to vector<1x16xf32>
        tpu.vector_store %arg11[%swap3A_281, %swap3A_282], %swap3A_285 {strides = array<i32>} : memref<128x64xf32, #tpu.memory_space<vmem>>, vector<1x16xf32>,
        %get3A_286 = arith.index_cast %add3A_258 : i32 to index
        %get3A_287 = arith.constant 48 : index
        %get3A_288 = tpu.vector_load %arg7[%get3A_286, %get3A_287] {strides = array<i32>} : memref<128x128xf32, #tpu.memory_space<vmem>>, vector<1x16xf32>,
        %get3A_289 = vector.shape_cast %get3A_288 : vector<1x16xf32> to vector<16xf32>
        %swap3A_290 = arith.index_cast %add3A_258 : i32 to index
        %swap3A_291 = arith.constant 48 : index
        %swap3A_292 = tpu.vector_load %arg11[%swap3A_290, %swap3A_291] {strides = array<i32>} : memref<128x64xf32, #tpu.memory_space<vmem>>, vector<1x16xf32>,
        %swap3A_293 = vector.shape_cast %swap3A_292 : vector<1x16xf32> to vector<16xf32>
        %swap3A_294 = vector.shape_cast %get3A_289 : vector<16xf32> to vector<1x16xf32>
        tpu.vector_store %arg11[%swap3A_290, %swap3A_291], %swap3A_294 {strides = array<i32>} : memref<128x64xf32, #tpu.memory_space<vmem>>, vector<1x16xf32>,
        %mul3A_295 = arith.constant 8 : i32
        %mul3A_296 = arith.muli %scan3A_176, %mul3A_295 : i32
        %add3A_297 = arith.constant 3 : i32
        %add3A_298 = arith.addi %mul3A_296, %add3A_297 : i32
        %get3A_299 = arith.index_cast %add3A_298 : i32 to index
        %get3A_300 = arith.constant 0 : index
        %get3A_301 = tpu.vector_load %arg7[%get3A_299, %get3A_300] {strides = array<i32>} : memref<128x128xf32, #tpu.memory_space<vmem>>, vector<1x16xf32>,
        %get3A_302 = vector.shape_cast %get3A_301 : vector<1x16xf32> to vector<16xf32>
        %swap3A_303 = arith.index_cast %add3A_298 : i32 to index
        %swap3A_304 = arith.constant 0 : index
        %swap3A_305 = tpu.vector_load %arg11[%swap3A_303, %swap3A_304] {strides = array<i32>} : memref<128x64xf32, #tpu.memory_space<vmem>>, vector<1x16xf32>,
        %swap3A_306 = vector.shape_cast %swap3A_305 : vector<1x16xf32> to vector<16xf32>
        %swap3A_307 = vector.shape_cast %get3A_302 : vector<16xf32> to vector<1x16xf32>
        tpu.vector_store %arg11[%swap3A_303, %swap3A_304], %swap3A_307 {strides = array<i32>} : memref<128x64xf32, #tpu.memory_space<vmem>>, vector<1x16xf32>,
        %get3A_308 = arith.index_cast %add3A_298 : i32 to index
        %get3A_309 = arith.constant 16 : index
        %get3A_310 = tpu.vector_load %arg7[%get3A_308, %get3A_309] {strides = array<i32>} : memref<128x128xf32, #tpu.memory_space<vmem>>, vector<1x16xf32>,
        %get3A_311 = vector.shape_cast %get3A_310 : vector<1x16xf32> to vector<16xf32>
        %swap3A_312 = arith.index_cast %add3A_298 : i32 to index
        %swap3A_313 = arith.constant 16 : index
        %swap3A_314 = tpu.vector_load %arg11[%swap3A_312, %swap3A_313] {strides = array<i32>} : memref<128x64xf32, #tpu.memory_space<vmem>>, vector<1x16xf32>,
        %swap3A_315 = vector.shape_cast %swap3A_314 : vector<1x16xf32> to vector<16xf32>
        %swap3A_316 = vector.shape_cast %get3A_311 : vector<16xf32> to vector<1x16xf32>
        tpu.vector_store %arg11[%swap3A_312, %swap3A_313], %swap3A_316 {strides = array<i32>} : memref<128x64xf32, #tpu.memory_space<vmem>>, vector<1x16xf32>,
        %get3A_317 = arith.index_cast %add3A_298 : i32 to index
        %get3A_318 = arith.constant 32 : index
        %get3A_319 = tpu.vector_load %arg7[%get3A_317, %get3A_318] {strides = array<i32>} : memref<128x128xf32, #tpu.memory_space<vmem>>, vector<1x16xf32>,
        %get3A_320 = vector.shape_cast %get3A_319 : vector<1x16xf32> to vector<16xf32>
        %swap3A_321 = arith.index_cast %add3A_298 : i32 to index
        %swap3A_322 = arith.constant 32 : index
        %swap3A_323 = tpu.vector_load %arg11[%swap3A_321, %swap3A_322] {strides = array<i32>} : memref<128x64xf32, #tpu.memory_space<vmem>>, vector<1x16xf32>,
        %swap3A_324 = vector.shape_cast %swap3A_323 : vector<1x16xf32> to vector<16xf32>
        %swap3A_325 = vector.shape_cast %get3A_320 : vector<16xf32> to vector<1x16xf32>
        tpu.vector_store %arg11[%swap3A_321, %swap3A_322], %swap3A_325 {strides = array<i32>} : memref<128x64xf32, #tpu.memory_space<vmem>>, vector<1x16xf32>,
        %get3A_326 = arith.index_cast %add3A_298 : i32 to index
        %get3A_327 = arith.constant 48 : index
        %get3A_328 = tpu.vector_load %arg7[%get3A_326, %get3A_327] {strides = array<i32>} : memref<128x128xf32, #tpu.memory_space<vmem>>, vector<1x16xf32>,
        %get3A_329 = vector.shape_cast %get3A_328 : vector<1x16xf32> to vector<16xf32>
        %swap3A_330 = arith.index_cast %add3A_298 : i32 to index
        %swap3A_331 = arith.constant 48 : index
        %swap3A_332 = tpu.vector_load %arg11[%swap3A_330, %swap3A_331] {strides = array<i32>} : memref<128x64xf32, #tpu.memory_space<vmem>>, vector<1x16xf32>,
        %swap3A_333 = vector.shape_cast %swap3A_332 : vector<1x16xf32> to vector<16xf32>
        %swap3A_334 = vector.shape_cast %get3A_329 : vector<16xf32> to vector<1x16xf32>
        tpu.vector_store %arg11[%swap3A_330, %swap3A_331], %swap3A_334 {strides = array<i32>} : memref<128x64xf32, #tpu.memory_space<vmem>>, vector<1x16xf32>,
        %mul3A_335 = arith.constant 8 : i32
        %mul3A_336 = arith.muli %scan3A_176, %mul3A_335 : i32
        %add3A_337 = arith.constant 4 : i32
        %add3A_338 = arith.addi %mul3A_336, %add3A_337 : i32
        %get3A_339 = arith.index_cast %add3A_338 : i32 to index
        %get3A_340 = arith.constant 0 : index
        %get3A_341 = tpu.vector_load %arg7[%get3A_339, %get3A_340] {strides = array<i32>} : memref<128x128xf32, #tpu.memory_space<vmem>>, vector<1x16xf32>,
        %get3A_342 = vector.shape_cast %get3A_341 : vector<1x16xf32> to vector<16xf32>
        %swap3A_343 = arith.index_cast %add3A_338 : i32 to index
        %swap3A_344 = arith.constant 0 : index
        %swap3A_345 = tpu.vector_load %arg11[%swap3A_343, %swap3A_344] {strides = array<i32>} : memref<128x64xf32, #tpu.memory_space<vmem>>, vector<1x16xf32>,
        %swap3A_346 = vector.shape_cast %swap3A_345 : vector<1x16xf32> to vector<16xf32>
        %swap3A_347 = vector.shape_cast %get3A_342 : vector<16xf32> to vector<1x16xf32>
        tpu.vector_store %arg11[%swap3A_343, %swap3A_344], %swap3A_347 {strides = array<i32>} : memref<128x64xf32, #tpu.memory_space<vmem>>, vector<1x16xf32>,
        %get3A_348 = arith.index_cast %add3A_338 : i32 to index
        %get3A_349 = arith.constant 16 : index
        %get3A_350 = tpu.vector_load %arg7[%get3A_348, %get3A_349] {strides = array<i32>} : memref<128x128xf32, #tpu.memory_space<vmem>>, vector<1x16xf32>,
        %get3A_351 = vector.shape_cast %get3A_350 : vector<1x16xf32> to vector<16xf32>
        %swap3A_352 = arith.index_cast %add3A_338 : i32 to index
        %swap3A_353 = arith.constant 16 : index
        %swap3A_354 = tpu.vector_load %arg11[%swap3A_352, %swap3A_353] {strides = array<i32>} : memref<128x64xf32, #tpu.memory_space<vmem>>, vector<1x16xf32>,
        %swap3A_355 = vector.shape_cast %swap3A_354 : vector<1x16xf32> to vector<16xf32>
        %swap3A_356 = vector.shape_cast %get3A_351 : vector<16xf32> to vector<1x16xf32>
        tpu.vector_store %arg11[%swap3A_352, %swap3A_353], %swap3A_356 {strides = array<i32>} : memref<128x64xf32, #tpu.memory_space<vmem>>, vector<1x16xf32>,
        %get3A_357 = arith.index_cast %add3A_338 : i32 to index
        %get3A_358 = arith.constant 32 : index
        %get3A_359 = tpu.vector_load %arg7[%get3A_357, %get3A_358] {strides = array<i32>} : memref<128x128xf32, #tpu.memory_space<vmem>>, vector<1x16xf32>,
        %get3A_360 = vector.shape_cast %get3A_359 : vector<1x16xf32> to vector<16xf32>
        %swap3A_361 = arith.index_cast %add3A_338 : i32 to index
        %swap3A_362 = arith.constant 32 : index
        %swap3A_363 = tpu.vector_load %arg11[%swap3A_361, %swap3A_362] {strides = array<i32>} : memref<128x64xf32, #tpu.memory_space<vmem>>, vector<1x16xf32>,
        %swap3A_364 = vector.shape_cast %swap3A_363 : vector<1x16xf32> to vector<16xf32>
        %swap3A_365 = vector.shape_cast %get3A_360 : vector<16xf32> to vector<1x16xf32>
        tpu.vector_store %arg11[%swap3A_361, %swap3A_362], %swap3A_365 {strides = array<i32>} : memref<128x64xf32, #tpu.memory_space<vmem>>, vector<1x16xf32>,
        %get3A_366 = arith.index_cast %add3A_338 : i32 to index
        %get3A_367 = arith.constant 48 : index
        %get3A_368 = tpu.vector_load %arg7[%get3A_366, %get3A_367] {strides = array<i32>} : memref<128x128xf32, #tpu.memory_space<vmem>>, vector<1x16xf32>,
        %get3A_369 = vector.shape_cast %get3A_368 : vector<1x16xf32> to vector<16xf32>
        %swap3A_370 = arith.index_cast %add3A_338 : i32 to index
        %swap3A_371 = arith.constant 48 : index
        %swap3A_372 = tpu.vector_load %arg11[%swap3A_370, %swap3A_371] {strides = array<i32>} : memref<128x64xf32, #tpu.memory_space<vmem>>, vector<1x16xf32>,
        %swap3A_373 = vector.shape_cast %swap3A_372 : vector<1x16xf32> to vector<16xf32>
        %swap3A_374 = vector.shape_cast %get3A_369 : vector<16xf32> to vector<1x16xf32>
        tpu.vector_store %arg11[%swap3A_370, %swap3A_371], %swap3A_374 {strides = array<i32>} : memref<128x64xf32, #tpu.memory_space<vmem>>, vector<1x16xf32>,
        %mul3A_375 = arith.constant 8 : i32
        %mul3A_376 = arith.muli %scan3A_176, %mul3A_375 : i32
        %add3A_377 = arith.constant 5 : i32
        %add3A_378 = arith.addi %mul3A_376, %add3A_377 : i32
        %get3A_379 = arith.index_cast %add3A_378 : i32 to index
        %get3A_380 = arith.constant 0 : index
        %get3A_381 = tpu.vector_load %arg7[%get3A_379, %get3A_380] {strides = array<i32>} : memref<128x128xf32, #tpu.memory_space<vmem>>, vector<1x16xf32>,
        %get3A_382 = vector.shape_cast %get3A_381 : vector<1x16xf32> to vector<16xf32>
        %swap3A_383 = arith.index_cast %add3A_378 : i32 to index
        %swap3A_384 = arith.constant 0 : index
        %swap3A_385 = tpu.vector_load %arg11[%swap3A_383, %swap3A_384] {strides = array<i32>} : memref<128x64xf32, #tpu.memory_space<vmem>>, vector<1x16xf32>,
        %swap3A_386 = vector.shape_cast %swap3A_385 : vector<1x16xf32> to vector<16xf32>
        %swap3A_387 = vector.shape_cast %get3A_382 : vector<16xf32> to vector<1x16xf32>
        tpu.vector_store %arg11[%swap3A_383, %swap3A_384], %swap3A_387 {strides = array<i32>} : memref<128x64xf32, #tpu.memory_space<vmem>>, vector<1x16xf32>,
        %get3A_388 = arith.index_cast %add3A_378 : i32 to index
        %get3A_389 = arith.constant 16 : index
        %get3A_390 = tpu.vector_load %arg7[%get3A_388, %get3A_389] {strides = array<i32>} : memref<128x128xf32, #tpu.memory_space<vmem>>, vector<1x16xf32>,
        %get3A_391 = vector.shape_cast %get3A_390 : vector<1x16xf32> to vector<16xf32>
        %swap3A_392 = arith.index_cast %add3A_378 : i32 to index
        %swap3A_393 = arith.constant 16 : index
        %swap3A_394 = tpu.vector_load %arg11[%swap3A_392, %swap3A_393] {strides = array<i32>} : memref<128x64xf32, #tpu.memory_space<vmem>>, vector<1x16xf32>,
        %swap3A_395 = vector.shape_cast %swap3A_394 : vector<1x16xf32> to vector<16xf32>
        %swap3A_396 = vector.shape_cast %get3A_391 : vector<16xf32> to vector<1x16xf32>
        tpu.vector_store %arg11[%swap3A_392, %swap3A_393], %swap3A_396 {strides = array<i32>} : memref<128x64xf32, #tpu.memory_space<vmem>>, vector<1x16xf32>,
        %get3A_397 = arith.index_cast %add3A_378 : i32 to index
        %get3A_398 = arith.constant 32 : index
        %get3A_399 = tpu.vector_load %arg7[%get3A_397, %get3A_398] {strides = array<i32>} : memref<128x128xf32, #tpu.memory_space<vmem>>, vector<1x16xf32>,
        %get3A_400 = vector.shape_cast %get3A_399 : vector<1x16xf32> to vector<16xf32>
        %swap3A_401 = arith.index_cast %add3A_378 : i32 to index
        %swap3A_402 = arith.constant 32 : index
        %swap3A_403 = tpu.vector_load %arg11[%swap3A_401, %swap3A_402] {strides = array<i32>} : memref<128x64xf32, #tpu.memory_space<vmem>>, vector<1x16xf32>,
        %swap3A_404 = vector.shape_cast %swap3A_403 : vector<1x16xf32> to vector<16xf32>
        %swap3A_405 = vector.shape_cast %get3A_400 : vector<16xf32> to vector<1x16xf32>
        tpu.vector_store %arg11[%swap3A_401, %swap3A_402], %swap3A_405 {strides = array<i32>} : memref<128x64xf32, #tpu.memory_space<vmem>>, vector<1x16xf32>,
        %get3A_406 = arith.index_cast %add3A_378 : i32 to index
        %get3A_407 = arith.constant 48 : index
        %get3A_408 = tpu.vector_load %arg7[%get3A_406, %get3A_407] {strides = array<i32>} : memref<128x128xf32, #tpu.memory_space<vmem>>, vector<1x16xf32>,
        %get3A_409 = vector.shape_cast %get3A_408 : vector<1x16xf32> to vector<16xf32>
        %swap3A_410 = arith.index_cast %add3A_378 : i32 to index
        %swap3A_411 = arith.constant 48 : index
        %swap3A_412 = tpu.vector_load %arg11[%swap3A_410, %swap3A_411] {strides = array<i32>} : memref<128x64xf32, #tpu.memory_space<vmem>>, vector<1x16xf32>,
        %swap3A_413 = vector.shape_cast %swap3A_412 : vector<1x16xf32> to vector<16xf32>
        %swap3A_414 = vector.shape_cast %get3A_409 : vector<16xf32> to vector<1x16xf32>
        tpu.vector_store %arg11[%swap3A_410, %swap3A_411], %swap3A_414 {strides = array<i32>} : memref<128x64xf32, #tpu.memory_space<vmem>>, vector<1x16xf32>,
        %mul3A_415 = arith.constant 8 : i32
        %mul3A_416 = arith.muli %scan3A_176, %mul3A_415 : i32
        %add3A_417 = arith.constant 6 : i32
        %add3A_418 = arith.addi %mul3A_416, %add3A_417 : i32
        %get3A_419 = arith.index_cast %add3A_418 : i32 to index
        %get3A_420 = arith.constant 0 : index
        %get3A_421 = tpu.vector_load %arg7[%get3A_419, %get3A_420] {strides = array<i32>} : memref<128x128xf32, #tpu.memory_space<vmem>>, vector<1x16xf32>,
        %get3A_422 = vector.shape_cast %get3A_421 : vector<1x16xf32> to vector<16xf32>
        %swap3A_423 = arith.index_cast %add3A_418 : i32 to index
        %swap3A_424 = arith.constant 0 : index
        %swap3A_425 = tpu.vector_load %arg11[%swap3A_423, %swap3A_424] {strides = array<i32>} : memref<128x64xf32, #tpu.memory_space<vmem>>, vector<1x16xf32>,
        %swap3A_426 = vector.shape_cast %swap3A_425 : vector<1x16xf32> to vector<16xf32>
        %swap3A_427 = vector.shape_cast %get3A_422 : vector<16xf32> to vector<1x16xf32>
        tpu.vector_store %arg11[%swap3A_423, %swap3A_424], %swap3A_427 {strides = array<i32>} : memref<128x64xf32, #tpu.memory_space<vmem>>, vector<1x16xf32>,
        %get3A_428 = arith.index_cast %add3A_418 : i32 to index
        %get3A_429 = arith.constant 16 : index
        %get3A_430 = tpu.vector_load %arg7[%get3A_428, %get3A_429] {strides = array<i32>} : memref<128x128xf32, #tpu.memory_space<vmem>>, vector<1x16xf32>,
        %get3A_431 = vector.shape_cast %get3A_430 : vector<1x16xf32> to vector<16xf32>
        %swap3A_432 = arith.index_cast %add3A_418 : i32 to index
        %swap3A_433 = arith.constant 16 : index
        %swap3A_434 = tpu.vector_load %arg11[%swap3A_432, %swap3A_433] {strides = array<i32>} : memref<128x64xf32, #tpu.memory_space<vmem>>, vector<1x16xf32>,
        %swap3A_435 = vector.shape_cast %swap3A_434 : vector<1x16xf32> to vector<16xf32>
        %swap3A_436 = vector.shape_cast %get3A_431 : vector<16xf32> to vector<1x16xf32>
        tpu.vector_store %arg11[%swap3A_432, %swap3A_433], %swap3A_436 {strides = array<i32>} : memref<128x64xf32, #tpu.memory_space<vmem>>, vector<1x16xf32>,
        %get3A_437 = arith.index_cast %add3A_418 : i32 to index
        %get3A_438 = arith.constant 32 : index
        %get3A_439 = tpu.vector_load %arg7[%get3A_437, %get3A_438] {strides = array<i32>} : memref<128x128xf32, #tpu.memory_space<vmem>>, vector<1x16xf32>,
        %get3A_440 = vector.shape_cast %get3A_439 : vector<1x16xf32> to vector<16xf32>
        %swap3A_441 = arith.index_cast %add3A_418 : i32 to index
        %swap3A_442 = arith.constant 32 : index
        %swap3A_443 = tpu.vector_load %arg11[%swap3A_441, %swap3A_442] {strides = array<i32>} : memref<128x64xf32, #tpu.memory_space<vmem>>, vector<1x16xf32>,
        %swap3A_444 = vector.shape_cast %swap3A_443 : vector<1x16xf32> to vector<16xf32>
        %swap3A_445 = vector.shape_cast %get3A_440 : vector<16xf32> to vector<1x16xf32>
        tpu.vector_store %arg11[%swap3A_441, %swap3A_442], %swap3A_445 {strides = array<i32>} : memref<128x64xf32, #tpu.memory_space<vmem>>, vector<1x16xf32>,
        %get3A_446 = arith.index_cast %add3A_418 : i32 to index
        %get3A_447 = arith.constant 48 : index
        %get3A_448 = tpu.vector_load %arg7[%get3A_446, %get3A_447] {strides = array<i32>} : memref<128x128xf32, #tpu.memory_space<vmem>>, vector<1x16xf32>,
        %get3A_449 = vector.shape_cast %get3A_448 : vector<1x16xf32> to vector<16xf32>
        %swap3A_450 = arith.index_cast %add3A_418 : i32 to index
        %swap3A_451 = arith.constant 48 : index
        %swap3A_452 = tpu.vector_load %arg11[%swap3A_450, %swap3A_451] {strides = array<i32>} : memref<128x64xf32, #tpu.memory_space<vmem>>, vector<1x16xf32>,
        %swap3A_453 = vector.shape_cast %swap3A_452 : vector<1x16xf32> to vector<16xf32>
        %swap3A_454 = vector.shape_cast %get3A_449 : vector<16xf32> to vector<1x16xf32>
        tpu.vector_store %arg11[%swap3A_450, %swap3A_451], %swap3A_454 {strides = array<i32>} : memref<128x64xf32, #tpu.memory_space<vmem>>, vector<1x16xf32>,
        %mul3A_455 = arith.constant 8 : i32
        %mul3A_456 = arith.muli %scan3A_176, %mul3A_455 : i32
        %add3A_457 = arith.constant 7 : i32
        %add3A_458 = arith.addi %mul3A_456, %add3A_457 : i32
        %get3A_459 = arith.index_cast %add3A_458 : i32 to index
        %get3A_460 = arith.constant 0 : index
        %get3A_461 = tpu.vector_load %arg7[%get3A_459, %get3A_460] {strides = array<i32>} : memref<128x128xf32, #tpu.memory_space<vmem>>, vector<1x16xf32>,
        %get3A_462 = vector.shape_cast %get3A_461 : vector<1x16xf32> to vector<16xf32>
        %swap3A_463 = arith.index_cast %add3A_458 : i32 to index
        %swap3A_464 = arith.constant 0 : index
        %swap3A_465 = tpu.vector_load %arg11[%swap3A_463, %swap3A_464] {strides = array<i32>} : memref<128x64xf32, #tpu.memory_space<vmem>>, vector<1x16xf32>,
        %swap3A_466 = vector.shape_cast %swap3A_465 : vector<1x16xf32> to vector<16xf32>
        %swap3A_467 = vector.shape_cast %get3A_462 : vector<16xf32> to vector<1x16xf32>
        tpu.vector_store %arg11[%swap3A_463, %swap3A_464], %swap3A_467 {strides = array<i32>} : memref<128x64xf32, #tpu.memory_space<vmem>>, vector<1x16xf32>,
        %get3A_468 = arith.index_cast %add3A_458 : i32 to index
        %get3A_469 = arith.constant 16 : index
        %get3A_470 = tpu.vector_load %arg7[%get3A_468, %get3A_469] {strides = array<i32>} : memref<128x128xf32, #tpu.memory_space<vmem>>, vector<1x16xf32>,
        %get3A_471 = vector.shape_cast %get3A_470 : vector<1x16xf32> to vector<16xf32>
        %swap3A_472 = arith.index_cast %add3A_458 : i32 to index
        %swap3A_473 = arith.constant 16 : index
        %swap3A_474 = tpu.vector_load %arg11[%swap3A_472, %swap3A_473] {strides = array<i32>} : memref<128x64xf32, #tpu.memory_space<vmem>>, vector<1x16xf32>,
        %swap3A_475 = vector.shape_cast %swap3A_474 : vector<1x16xf32> to vector<16xf32>
        %swap3A_476 = vector.shape_cast %get3A_471 : vector<16xf32> to vector<1x16xf32>
        tpu.vector_store %arg11[%swap3A_472, %swap3A_473], %swap3A_476 {strides = array<i32>} : memref<128x64xf32, #tpu.memory_space<vmem>>, vector<1x16xf32>,
        %get3A_477 = arith.index_cast %add3A_458 : i32 to index
        %get3A_478 = arith.constant 32 : index
        %get3A_479 = tpu.vector_load %arg7[%get3A_477, %get3A_478] {strides = array<i32>} : memref<128x128xf32, #tpu.memory_space<vmem>>, vector<1x16xf32>,
        %get3A_480 = vector.shape_cast %get3A_479 : vector<1x16xf32> to vector<16xf32>
        %swap3A_481 = arith.index_cast %add3A_458 : i32 to index
        %swap3A_482 = arith.constant 32 : index
        %swap3A_483 = tpu.vector_load %arg11[%swap3A_481, %swap3A_482] {strides = array<i32>} : memref<128x64xf32, #tpu.memory_space<vmem>>, vector<1x16xf32>,
        %swap3A_484 = vector.shape_cast %swap3A_483 : vector<1x16xf32> to vector<16xf32>
        %swap3A_485 = vector.shape_cast %get3A_480 : vector<16xf32> to vector<1x16xf32>
        tpu.vector_store %arg11[%swap3A_481, %swap3A_482], %swap3A_485 {strides = array<i32>} : memref<128x64xf32, #tpu.memory_space<vmem>>, vector<1x16xf32>,
        %get3A_486 = arith.index_cast %add3A_458 : i32 to index
        %get3A_487 = arith.constant 48 : index
        %get3A_488 = tpu.vector_load %arg7[%get3A_486, %get3A_487] {strides = array<i32>} : memref<128x128xf32, #tpu.memory_space<vmem>>, vector<1x16xf32>,
        %get3A_489 = vector.shape_cast %get3A_488 : vector<1x16xf32> to vector<16xf32>
        %swap3A_490 = arith.index_cast %add3A_458 : i32 to index
        %swap3A_491 = arith.constant 48 : index
        %swap3A_492 = tpu.vector_load %arg11[%swap3A_490, %swap3A_491] {strides = array<i32>} : memref<128x64xf32, #tpu.memory_space<vmem>>, vector<1x16xf32>,
        %swap3A_493 = vector.shape_cast %swap3A_492 : vector<1x16xf32> to vector<16xf32>
        %swap3A_494 = vector.shape_cast %get3A_489 : vector<16xf32> to vector<1x16xf32>
        tpu.vector_store %arg11[%swap3A_490, %swap3A_491], %swap3A_494 {strides = array<i32>} : memref<128x64xf32, #tpu.memory_space<vmem>>, vector<1x16xf32>,
      }
      %scan3A_98 = arith.constant 16 : i32
      %mul3A_99 = arith.constant 4096 : i32
      %mul3A_100 = arith.muli %add3A_74, %mul3A_99 : i32
      %add3A_101 = arith.addi %mul3A_100, %mul3A_2 : i32
      %dma_start3A_102 = arith.constant 0 : i32
      %dma_start3A_103 = tpu.memref_slice %arg4[%add3A_101, %dma_start3A_102] : memref<819200x64xf32, #tpu.memory_space<hbm>> -> memref<128x64xf32, #tpu.memory_space<hbm>>
      %dma_start3A_104 = arith.constant 0 : i32
      %dma_start3A_105 = tpu.memref_slice %arg4[%add3A_101, %dma_start3A_104] : memref<819200x64xf32, #tpu.memory_space<hbm>> -> memref<128x64xf32, #tpu.memory_space<hbm>>
      tpu.enqueue_dma source(%arg11 : memref<128x64xf32, #tpu.memory_space<vmem>>) target(%dma_start3A_105 : memref<128x64xf32, #tpu.memory_space<hbm>>) target_semaphore(%arg17 : memref<!tpu.dma_semaphore, #tpu.memory_space<semaphore_mem>>)
      %mul3A_106 = arith.constant 4 : i32
      %mul3A_107 = arith.muli %scan3A_39, %mul3A_106 : i32
      %add3A_108 = arith.constant 2 : i32
      %add3A_109 = arith.addi %mul3A_107, %add3A_108 : i32
      %add3A_110 = arith.constant 3 : i32
      %add3A_111 = arith.addi %add3A_109, %add3A_110 : i32
      %lt3A_112 = arith.constant 200 : i32
      %lt3A_113 = arith.cmpi slt, %add3A_111, %lt3A_112 : i32
      %convert_element_type3A_114 = arith.extui %lt3A_113 : i1 to i32
      %cond3A_115 = arith.constant 0 : i32
      %cond3A_116 = arith.cmpi ne, %convert_element_type3A_114, %cond3A_115 : i32
      scf.if %cond3A_116 {
        %add3A_176 = arith.constant 3 : i32
        %add3A_177 = arith.addi %add3A_109, %add3A_176 : i32
        %dma_start3A_178 = arith.constant 0 : i32
        %dma_start3A_179 = tpu.memref_slice %arg5[%add3A_177, %dma_start3A_178] : memref<200x128xi32, #tpu.memory_space<vmem>> -> memref<1x128xi32, #tpu.memory_space<vmem>>
        %dma_start3A_180 = tpu.memref_squeeze %dma_start3A_179 : memref<1x128xi32, #tpu.memory_space<vmem>> -> memref<128xi32, #tpu.memory_space<vmem>>
        %dma_start3A_181 = arith.constant 0 : i32
        %dma_start3A_182 = arith.constant 0 : i32
        %dma_start3A_183 = tpu.memref_slice %arg3[%dma_start3A_181, %dma_start3A_182] : memref<1000000x128xf32, #tpu.memory_space<hbm>> -> memref<1000000x128xf32, #tpu.memory_space<hbm>>
        tpu.enqueue_indirect_dma source(%dma_start3A_183 : memref<1000000x128xf32, #tpu.memory_space<hbm>>) target(%arg7 : memref<128x128xf32, #tpu.memory_space<vmem>>) offsets(%dma_start3A_180 : memref<128xi32, #tpu.memory_space<vmem>>) semaphore(%arg13 : memref<!tpu.dma_semaphore, #tpu.memory_space<semaphore_mem>>)
      } else {
      }
      %dma_wait3A_117 = arith.constant 0 : i32
      %dma_wait3A_118 = tpu.memref_slice %arg5[%add3A_109, %dma_wait3A_117] : memref<200x128xi32, #tpu.memory_space<vmem>> -> memref<1x128xi32, #tpu.memory_space<vmem>>
      %dma_wait3A_119 = tpu.memref_squeeze %dma_wait3A_118 : memref<1x128xi32, #tpu.memory_space<vmem>> -> memref<128xi32, #tpu.memory_space<vmem>>
      %dma_wait3A_120 = arith.constant 0 : i32
      %dma_wait3A_121 = arith.constant 0 : i32
      %dma_wait3A_122 = tpu.memref_slice %arg3[%dma_wait3A_120, %dma_wait3A_121] : memref<1000000x128xf32, #tpu.memory_space<hbm>> -> memref<1000000x128xf32, #tpu.memory_space<hbm>>
      tpu.wait_indirect_dma semaphore(%arg14 : memref<!tpu.dma_semaphore, #tpu.memory_space<semaphore_mem>>) src(%dma_wait3A_122 : memref<1000000x128xf32, #tpu.memory_space<hbm>>) dst(%arg8 : memref<128x128xf32, #tpu.memory_space<vmem>>)
      %ge3A_123 = arith.constant 2 : i32
      %ge3A_124 = arith.cmpi sge, %add3A_109, %ge3A_123 : i32
      %convert_element_type3A_125 = arith.extui %ge3A_124 : i1 to i32
      %cond3A_126 = arith.constant 0 : i32
      %cond3A_127 = arith.cmpi ne, %convert_element_type3A_125, %cond3A_126 : i32
      scf.if %cond3A_127 {
        %sub3A = arith.constant 2 : i32
        %sub3A_176 = arith.subi %add3A_109, %sub3A : i32
        %mul3A_177 = arith.constant 4096 : i32
        %mul3A_178 = arith.muli %sub3A_176, %mul3A_177 : i32
        %add3A_179 = arith.addi %mul3A_178, %mul3A_2 : i32
        %dma_wait3A_180 = arith.constant 0 : i32
        %dma_wait3A_181 = tpu.memref_slice %arg4[%add3A_179, %dma_wait3A_180] : memref<819200x64xf32, #tpu.memory_space<hbm>> -> memref<128x64xf32, #tpu.memory_space<hbm>>
        %dma_wait3A_182 = arith.constant 0 : i32
        %dma_wait3A_183 = tpu.memref_slice %arg4[%add3A_179, %dma_wait3A_182] : memref<819200x64xf32, #tpu.memory_space<hbm>> -> memref<128x64xf32, #tpu.memory_space<hbm>>
        tpu.wait_dma2 semaphore(%arg16 : memref<!tpu.dma_semaphore, #tpu.memory_space<semaphore_mem>>) src(%arg10 : memref<128x64xf32, #tpu.memory_space<vmem>>) dst(%dma_wait3A_183 : memref<128x64xf32, #tpu.memory_space<hbm>>)
      } else {
      }
      %scan3A_128 = arith.constant 0 : i32
      %scan3A_129 = arith.constant 0 : i32
      %scan3A_130 = arith.constant 16 : i32
      %scan3A_131 = arith.addi %scan3A_129, %scan3A_130 : i32
      %scan3A_132 = arith.constant 1 : i32
      scf.for %scan3A_176 = %scan3A_129 to %scan3A_131 step %scan3A_132  : i32 {
        %mul3A_177 = arith.constant 8 : i32
        %mul3A_178 = arith.muli %scan3A_176, %mul3A_177 : i32
        %add3A_179 = arith.constant 0 : i32
        %add3A_180 = arith.addi %mul3A_178, %add3A_179 : i32
        %get3A = arith.index_cast %add3A_180 : i32 to index
        %get3A_181 = arith.constant 0 : index
        %get3A_182 = tpu.vector_load %arg8[%get3A, %get3A_181] {strides = array<i32>} : memref<128x128xf32, #tpu.memory_space<vmem>>, vector<1x16xf32>,
        %get3A_183 = vector.shape_cast %get3A_182 : vector<1x16xf32> to vector<16xf32>
        %swap3A = arith.index_cast %add3A_180 : i32 to index
        %swap3A_184 = arith.constant 0 : index
        %swap3A_185 = tpu.vector_load %arg10[%swap3A, %swap3A_184] {strides = array<i32>} : memref<128x64xf32, #tpu.memory_space<vmem>>, vector<1x16xf32>,
        %swap3A_186 = vector.shape_cast %swap3A_185 : vector<1x16xf32> to vector<16xf32>
        %swap3A_187 = vector.shape_cast %get3A_183 : vector<16xf32> to vector<1x16xf32>
        tpu.vector_store %arg10[%swap3A, %swap3A_184], %swap3A_187 {strides = array<i32>} : memref<128x64xf32, #tpu.memory_space<vmem>>, vector<1x16xf32>,
        %get3A_188 = arith.index_cast %add3A_180 : i32 to index
        %get3A_189 = arith.constant 16 : index
        %get3A_190 = tpu.vector_load %arg8[%get3A_188, %get3A_189] {strides = array<i32>} : memref<128x128xf32, #tpu.memory_space<vmem>>, vector<1x16xf32>,
        %get3A_191 = vector.shape_cast %get3A_190 : vector<1x16xf32> to vector<16xf32>
        %swap3A_192 = arith.index_cast %add3A_180 : i32 to index
        %swap3A_193 = arith.constant 16 : index
        %swap3A_194 = tpu.vector_load %arg10[%swap3A_192, %swap3A_193] {strides = array<i32>} : memref<128x64xf32, #tpu.memory_space<vmem>>, vector<1x16xf32>,
        %swap3A_195 = vector.shape_cast %swap3A_194 : vector<1x16xf32> to vector<16xf32>
        %swap3A_196 = vector.shape_cast %get3A_191 : vector<16xf32> to vector<1x16xf32>
        tpu.vector_store %arg10[%swap3A_192, %swap3A_193], %swap3A_196 {strides = array<i32>} : memref<128x64xf32, #tpu.memory_space<vmem>>, vector<1x16xf32>,
        %get3A_197 = arith.index_cast %add3A_180 : i32 to index
        %get3A_198 = arith.constant 32 : index
        %get3A_199 = tpu.vector_load %arg8[%get3A_197, %get3A_198] {strides = array<i32>} : memref<128x128xf32, #tpu.memory_space<vmem>>, vector<1x16xf32>,
        %get3A_200 = vector.shape_cast %get3A_199 : vector<1x16xf32> to vector<16xf32>
        %swap3A_201 = arith.index_cast %add3A_180 : i32 to index
        %swap3A_202 = arith.constant 32 : index
        %swap3A_203 = tpu.vector_load %arg10[%swap3A_201, %swap3A_202] {strides = array<i32>} : memref<128x64xf32, #tpu.memory_space<vmem>>, vector<1x16xf32>,
        %swap3A_204 = vector.shape_cast %swap3A_203 : vector<1x16xf32> to vector<16xf32>
        %swap3A_205 = vector.shape_cast %get3A_200 : vector<16xf32> to vector<1x16xf32>
        tpu.vector_store %arg10[%swap3A_201, %swap3A_202], %swap3A_205 {strides = array<i32>} : memref<128x64xf32, #tpu.memory_space<vmem>>, vector<1x16xf32>,
        %get3A_206 = arith.index_cast %add3A_180 : i32 to index
        %get3A_207 = arith.constant 48 : index
        %get3A_208 = tpu.vector_load %arg8[%get3A_206, %get3A_207] {strides = array<i32>} : memref<128x128xf32, #tpu.memory_space<vmem>>, vector<1x16xf32>,
        %get3A_209 = vector.shape_cast %get3A_208 : vector<1x16xf32> to vector<16xf32>
        %swap3A_210 = arith.index_cast %add3A_180 : i32 to index
        %swap3A_211 = arith.constant 48 : index
        %swap3A_212 = tpu.vector_load %arg10[%swap3A_210, %swap3A_211] {strides = array<i32>} : memref<128x64xf32, #tpu.memory_space<vmem>>, vector<1x16xf32>,
        %swap3A_213 = vector.shape_cast %swap3A_212 : vector<1x16xf32> to vector<16xf32>
        %swap3A_214 = vector.shape_cast %get3A_209 : vector<16xf32> to vector<1x16xf32>
        tpu.vector_store %arg10[%swap3A_210, %swap3A_211], %swap3A_214 {strides = array<i32>} : memref<128x64xf32, #tpu.memory_space<vmem>>, vector<1x16xf32>,
        %mul3A_215 = arith.constant 8 : i32
        %mul3A_216 = arith.muli %scan3A_176, %mul3A_215 : i32
        %add3A_217 = arith.constant 1 : i32
        %add3A_218 = arith.addi %mul3A_216, %add3A_217 : i32
        %get3A_219 = arith.index_cast %add3A_218 : i32 to index
        %get3A_220 = arith.constant 0 : index
        %get3A_221 = tpu.vector_load %arg8[%get3A_219, %get3A_220] {strides = array<i32>} : memref<128x128xf32, #tpu.memory_space<vmem>>, vector<1x16xf32>,
        %get3A_222 = vector.shape_cast %get3A_221 : vector<1x16xf32> to vector<16xf32>
        %swap3A_223 = arith.index_cast %add3A_218 : i32 to index
        %swap3A_224 = arith.constant 0 : index
        %swap3A_225 = tpu.vector_load %arg10[%swap3A_223, %swap3A_224] {strides = array<i32>} : memref<128x64xf32, #tpu.memory_space<vmem>>, vector<1x16xf32>,
        %swap3A_226 = vector.shape_cast %swap3A_225 : vector<1x16xf32> to vector<16xf32>
        %swap3A_227 = vector.shape_cast %get3A_222 : vector<16xf32> to vector<1x16xf32>
        tpu.vector_store %arg10[%swap3A_223, %swap3A_224], %swap3A_227 {strides = array<i32>} : memref<128x64xf32, #tpu.memory_space<vmem>>, vector<1x16xf32>,
        %get3A_228 = arith.index_cast %add3A_218 : i32 to index
        %get3A_229 = arith.constant 16 : index
        %get3A_230 = tpu.vector_load %arg8[%get3A_228, %get3A_229] {strides = array<i32>} : memref<128x128xf32, #tpu.memory_space<vmem>>, vector<1x16xf32>,
        %get3A_231 = vector.shape_cast %get3A_230 : vector<1x16xf32> to vector<16xf32>
        %swap3A_232 = arith.index_cast %add3A_218 : i32 to index
        %swap3A_233 = arith.constant 16 : index
        %swap3A_234 = tpu.vector_load %arg10[%swap3A_232, %swap3A_233] {strides = array<i32>} : memref<128x64xf32, #tpu.memory_space<vmem>>, vector<1x16xf32>,
        %swap3A_235 = vector.shape_cast %swap3A_234 : vector<1x16xf32> to vector<16xf32>
        %swap3A_236 = vector.shape_cast %get3A_231 : vector<16xf32> to vector<1x16xf32>
        tpu.vector_store %arg10[%swap3A_232, %swap3A_233], %swap3A_236 {strides = array<i32>} : memref<128x64xf32, #tpu.memory_space<vmem>>, vector<1x16xf32>,
        %get3A_237 = arith.index_cast %add3A_218 : i32 to index
        %get3A_238 = arith.constant 32 : index
        %get3A_239 = tpu.vector_load %arg8[%get3A_237, %get3A_238] {strides = array<i32>} : memref<128x128xf32, #tpu.memory_space<vmem>>, vector<1x16xf32>,
        %get3A_240 = vector.shape_cast %get3A_239 : vector<1x16xf32> to vector<16xf32>
        %swap3A_241 = arith.index_cast %add3A_218 : i32 to index
        %swap3A_242 = arith.constant 32 : index
        %swap3A_243 = tpu.vector_load %arg10[%swap3A_241, %swap3A_242] {strides = array<i32>} : memref<128x64xf32, #tpu.memory_space<vmem>>, vector<1x16xf32>,
        %swap3A_244 = vector.shape_cast %swap3A_243 : vector<1x16xf32> to vector<16xf32>
        %swap3A_245 = vector.shape_cast %get3A_240 : vector<16xf32> to vector<1x16xf32>
        tpu.vector_store %arg10[%swap3A_241, %swap3A_242], %swap3A_245 {strides = array<i32>} : memref<128x64xf32, #tpu.memory_space<vmem>>, vector<1x16xf32>,
        %get3A_246 = arith.index_cast %add3A_218 : i32 to index
        %get3A_247 = arith.constant 48 : index
        %get3A_248 = tpu.vector_load %arg8[%get3A_246, %get3A_247] {strides = array<i32>} : memref<128x128xf32, #tpu.memory_space<vmem>>, vector<1x16xf32>,
        %get3A_249 = vector.shape_cast %get3A_248 : vector<1x16xf32> to vector<16xf32>
        %swap3A_250 = arith.index_cast %add3A_218 : i32 to index
        %swap3A_251 = arith.constant 48 : index
        %swap3A_252 = tpu.vector_load %arg10[%swap3A_250, %swap3A_251] {strides = array<i32>} : memref<128x64xf32, #tpu.memory_space<vmem>>, vector<1x16xf32>,
        %swap3A_253 = vector.shape_cast %swap3A_252 : vector<1x16xf32> to vector<16xf32>
        %swap3A_254 = vector.shape_cast %get3A_249 : vector<16xf32> to vector<1x16xf32>
        tpu.vector_store %arg10[%swap3A_250, %swap3A_251], %swap3A_254 {strides = array<i32>} : memref<128x64xf32, #tpu.memory_space<vmem>>, vector<1x16xf32>,
        %mul3A_255 = arith.constant 8 : i32
        %mul3A_256 = arith.muli %scan3A_176, %mul3A_255 : i32
        %add3A_257 = arith.constant 2 : i32
        %add3A_258 = arith.addi %mul3A_256, %add3A_257 : i32
        %get3A_259 = arith.index_cast %add3A_258 : i32 to index
        %get3A_260 = arith.constant 0 : index
        %get3A_261 = tpu.vector_load %arg8[%get3A_259, %get3A_260] {strides = array<i32>} : memref<128x128xf32, #tpu.memory_space<vmem>>, vector<1x16xf32>,
        %get3A_262 = vector.shape_cast %get3A_261 : vector<1x16xf32> to vector<16xf32>
        %swap3A_263 = arith.index_cast %add3A_258 : i32 to index
        %swap3A_264 = arith.constant 0 : index
        %swap3A_265 = tpu.vector_load %arg10[%swap3A_263, %swap3A_264] {strides = array<i32>} : memref<128x64xf32, #tpu.memory_space<vmem>>, vector<1x16xf32>,
        %swap3A_266 = vector.shape_cast %swap3A_265 : vector<1x16xf32> to vector<16xf32>
        %swap3A_267 = vector.shape_cast %get3A_262 : vector<16xf32> to vector<1x16xf32>
        tpu.vector_store %arg10[%swap3A_263, %swap3A_264], %swap3A_267 {strides = array<i32>} : memref<128x64xf32, #tpu.memory_space<vmem>>, vector<1x16xf32>,
        %get3A_268 = arith.index_cast %add3A_258 : i32 to index
        %get3A_269 = arith.constant 16 : index
        %get3A_270 = tpu.vector_load %arg8[%get3A_268, %get3A_269] {strides = array<i32>} : memref<128x128xf32, #tpu.memory_space<vmem>>, vector<1x16xf32>,
        %get3A_271 = vector.shape_cast %get3A_270 : vector<1x16xf32> to vector<16xf32>
        %swap3A_272 = arith.index_cast %add3A_258 : i32 to index
        %swap3A_273 = arith.constant 16 : index
        %swap3A_274 = tpu.vector_load %arg10[%swap3A_272, %swap3A_273] {strides = array<i32>} : memref<128x64xf32, #tpu.memory_space<vmem>>, vector<1x16xf32>,
        %swap3A_275 = vector.shape_cast %swap3A_274 : vector<1x16xf32> to vector<16xf32>
        %swap3A_276 = vector.shape_cast %get3A_271 : vector<16xf32> to vector<1x16xf32>
        tpu.vector_store %arg10[%swap3A_272, %swap3A_273], %swap3A_276 {strides = array<i32>} : memref<128x64xf32, #tpu.memory_space<vmem>>, vector<1x16xf32>,
        %get3A_277 = arith.index_cast %add3A_258 : i32 to index
        %get3A_278 = arith.constant 32 : index
        %get3A_279 = tpu.vector_load %arg8[%get3A_277, %get3A_278] {strides = array<i32>} : memref<128x128xf32, #tpu.memory_space<vmem>>, vector<1x16xf32>,
        %get3A_280 = vector.shape_cast %get3A_279 : vector<1x16xf32> to vector<16xf32>
        %swap3A_281 = arith.index_cast %add3A_258 : i32 to index
        %swap3A_282 = arith.constant 32 : index
        %swap3A_283 = tpu.vector_load %arg10[%swap3A_281, %swap3A_282] {strides = array<i32>} : memref<128x64xf32, #tpu.memory_space<vmem>>, vector<1x16xf32>,
        %swap3A_284 = vector.shape_cast %swap3A_283 : vector<1x16xf32> to vector<16xf32>
        %swap3A_285 = vector.shape_cast %get3A_280 : vector<16xf32> to vector<1x16xf32>
        tpu.vector_store %arg10[%swap3A_281, %swap3A_282], %swap3A_285 {strides = array<i32>} : memref<128x64xf32, #tpu.memory_space<vmem>>, vector<1x16xf32>,
        %get3A_286 = arith.index_cast %add3A_258 : i32 to index
        %get3A_287 = arith.constant 48 : index
        %get3A_288 = tpu.vector_load %arg8[%get3A_286, %get3A_287] {strides = array<i32>} : memref<128x128xf32, #tpu.memory_space<vmem>>, vector<1x16xf32>,
        %get3A_289 = vector.shape_cast %get3A_288 : vector<1x16xf32> to vector<16xf32>
        %swap3A_290 = arith.index_cast %add3A_258 : i32 to index
        %swap3A_291 = arith.constant 48 : index
        %swap3A_292 = tpu.vector_load %arg10[%swap3A_290, %swap3A_291] {strides = array<i32>} : memref<128x64xf32, #tpu.memory_space<vmem>>, vector<1x16xf32>,
        %swap3A_293 = vector.shape_cast %swap3A_292 : vector<1x16xf32> to vector<16xf32>
        %swap3A_294 = vector.shape_cast %get3A_289 : vector<16xf32> to vector<1x16xf32>
        tpu.vector_store %arg10[%swap3A_290, %swap3A_291], %swap3A_294 {strides = array<i32>} : memref<128x64xf32, #tpu.memory_space<vmem>>, vector<1x16xf32>,
        %mul3A_295 = arith.constant 8 : i32
        %mul3A_296 = arith.muli %scan3A_176, %mul3A_295 : i32
        %add3A_297 = arith.constant 3 : i32
        %add3A_298 = arith.addi %mul3A_296, %add3A_297 : i32
        %get3A_299 = arith.index_cast %add3A_298 : i32 to index
        %get3A_300 = arith.constant 0 : index
        %get3A_301 = tpu.vector_load %arg8[%get3A_299, %get3A_300] {strides = array<i32>} : memref<128x128xf32, #tpu.memory_space<vmem>>, vector<1x16xf32>,
        %get3A_302 = vector.shape_cast %get3A_301 : vector<1x16xf32> to vector<16xf32>
        %swap3A_303 = arith.index_cast %add3A_298 : i32 to index
        %swap3A_304 = arith.constant 0 : index
        %swap3A_305 = tpu.vector_load %arg10[%swap3A_303, %swap3A_304] {strides = array<i32>} : memref<128x64xf32, #tpu.memory_space<vmem>>, vector<1x16xf32>,
        %swap3A_306 = vector.shape_cast %swap3A_305 : vector<1x16xf32> to vector<16xf32>
        %swap3A_307 = vector.shape_cast %get3A_302 : vector<16xf32> to vector<1x16xf32>
        tpu.vector_store %arg10[%swap3A_303, %swap3A_304], %swap3A_307 {strides = array<i32>} : memref<128x64xf32, #tpu.memory_space<vmem>>, vector<1x16xf32>,
        %get3A_308 = arith.index_cast %add3A_298 : i32 to index
        %get3A_309 = arith.constant 16 : index
        %get3A_310 = tpu.vector_load %arg8[%get3A_308, %get3A_309] {strides = array<i32>} : memref<128x128xf32, #tpu.memory_space<vmem>>, vector<1x16xf32>,
        %get3A_311 = vector.shape_cast %get3A_310 : vector<1x16xf32> to vector<16xf32>
        %swap3A_312 = arith.index_cast %add3A_298 : i32 to index
        %swap3A_313 = arith.constant 16 : index
        %swap3A_314 = tpu.vector_load %arg10[%swap3A_312, %swap3A_313] {strides = array<i32>} : memref<128x64xf32, #tpu.memory_space<vmem>>, vector<1x16xf32>,
        %swap3A_315 = vector.shape_cast %swap3A_314 : vector<1x16xf32> to vector<16xf32>
        %swap3A_316 = vector.shape_cast %get3A_311 : vector<16xf32> to vector<1x16xf32>
        tpu.vector_store %arg10[%swap3A_312, %swap3A_313], %swap3A_316 {strides = array<i32>} : memref<128x64xf32, #tpu.memory_space<vmem>>, vector<1x16xf32>,
        %get3A_317 = arith.index_cast %add3A_298 : i32 to index
        %get3A_318 = arith.constant 32 : index
        %get3A_319 = tpu.vector_load %arg8[%get3A_317, %get3A_318] {strides = array<i32>} : memref<128x128xf32, #tpu.memory_space<vmem>>, vector<1x16xf32>,
        %get3A_320 = vector.shape_cast %get3A_319 : vector<1x16xf32> to vector<16xf32>
        %swap3A_321 = arith.index_cast %add3A_298 : i32 to index
        %swap3A_322 = arith.constant 32 : index
        %swap3A_323 = tpu.vector_load %arg10[%swap3A_321, %swap3A_322] {strides = array<i32>} : memref<128x64xf32, #tpu.memory_space<vmem>>, vector<1x16xf32>,
        %swap3A_324 = vector.shape_cast %swap3A_323 : vector<1x16xf32> to vector<16xf32>
        %swap3A_325 = vector.shape_cast %get3A_320 : vector<16xf32> to vector<1x16xf32>
        tpu.vector_store %arg10[%swap3A_321, %swap3A_322], %swap3A_325 {strides = array<i32>} : memref<128x64xf32, #tpu.memory_space<vmem>>, vector<1x16xf32>,
        %get3A_326 = arith.index_cast %add3A_298 : i32 to index
        %get3A_327 = arith.constant 48 : index
        %get3A_328 = tpu.vector_load %arg8[%get3A_326, %get3A_327] {strides = array<i32>} : memref<128x128xf32, #tpu.memory_space<vmem>>, vector<1x16xf32>,
        %get3A_329 = vector.shape_cast %get3A_328 : vector<1x16xf32> to vector<16xf32>
        %swap3A_330 = arith.index_cast %add3A_298 : i32 to index
        %swap3A_331 = arith.constant 48 : index
        %swap3A_332 = tpu.vector_load %arg10[%swap3A_330, %swap3A_331] {strides = array<i32>} : memref<128x64xf32, #tpu.memory_space<vmem>>, vector<1x16xf32>,
        %swap3A_333 = vector.shape_cast %swap3A_332 : vector<1x16xf32> to vector<16xf32>
        %swap3A_334 = vector.shape_cast %get3A_329 : vector<16xf32> to vector<1x16xf32>
        tpu.vector_store %arg10[%swap3A_330, %swap3A_331], %swap3A_334 {strides = array<i32>} : memref<128x64xf32, #tpu.memory_space<vmem>>, vector<1x16xf32>,
        %mul3A_335 = arith.constant 8 : i32
        %mul3A_336 = arith.muli %scan3A_176, %mul3A_335 : i32
        %add3A_337 = arith.constant 4 : i32
        %add3A_338 = arith.addi %mul3A_336, %add3A_337 : i32
        %get3A_339 = arith.index_cast %add3A_338 : i32 to index
        %get3A_340 = arith.constant 0 : index
        %get3A_341 = tpu.vector_load %arg8[%get3A_339, %get3A_340] {strides = array<i32>} : memref<128x128xf32, #tpu.memory_space<vmem>>, vector<1x16xf32>,
        %get3A_342 = vector.shape_cast %get3A_341 : vector<1x16xf32> to vector<16xf32>
        %swap3A_343 = arith.index_cast %add3A_338 : i32 to index
        %swap3A_344 = arith.constant 0 : index
        %swap3A_345 = tpu.vector_load %arg10[%swap3A_343, %swap3A_344] {strides = array<i32>} : memref<128x64xf32, #tpu.memory_space<vmem>>, vector<1x16xf32>,
        %swap3A_346 = vector.shape_cast %swap3A_345 : vector<1x16xf32> to vector<16xf32>
        %swap3A_347 = vector.shape_cast %get3A_342 : vector<16xf32> to vector<1x16xf32>
        tpu.vector_store %arg10[%swap3A_343, %swap3A_344], %swap3A_347 {strides = array<i32>} : memref<128x64xf32, #tpu.memory_space<vmem>>, vector<1x16xf32>,
        %get3A_348 = arith.index_cast %add3A_338 : i32 to index
        %get3A_349 = arith.constant 16 : index
        %get3A_350 = tpu.vector_load %arg8[%get3A_348, %get3A_349] {strides = array<i32>} : memref<128x128xf32, #tpu.memory_space<vmem>>, vector<1x16xf32>,
        %get3A_351 = vector.shape_cast %get3A_350 : vector<1x16xf32> to vector<16xf32>
        %swap3A_352 = arith.index_cast %add3A_338 : i32 to index
        %swap3A_353 = arith.constant 16 : index
        %swap3A_354 = tpu.vector_load %arg10[%swap3A_352, %swap3A_353] {strides = array<i32>} : memref<128x64xf32, #tpu.memory_space<vmem>>, vector<1x16xf32>,
        %swap3A_355 = vector.shape_cast %swap3A_354 : vector<1x16xf32> to vector<16xf32>
        %swap3A_356 = vector.shape_cast %get3A_351 : vector<16xf32> to vector<1x16xf32>
        tpu.vector_store %arg10[%swap3A_352, %swap3A_353], %swap3A_356 {strides = array<i32>} : memref<128x64xf32, #tpu.memory_space<vmem>>, vector<1x16xf32>,
        %get3A_357 = arith.index_cast %add3A_338 : i32 to index
        %get3A_358 = arith.constant 32 : index
        %get3A_359 = tpu.vector_load %arg8[%get3A_357, %get3A_358] {strides = array<i32>} : memref<128x128xf32, #tpu.memory_space<vmem>>, vector<1x16xf32>,
        %get3A_360 = vector.shape_cast %get3A_359 : vector<1x16xf32> to vector<16xf32>
        %swap3A_361 = arith.index_cast %add3A_338 : i32 to index
        %swap3A_362 = arith.constant 32 : index
        %swap3A_363 = tpu.vector_load %arg10[%swap3A_361, %swap3A_362] {strides = array<i32>} : memref<128x64xf32, #tpu.memory_space<vmem>>, vector<1x16xf32>,
        %swap3A_364 = vector.shape_cast %swap3A_363 : vector<1x16xf32> to vector<16xf32>
        %swap3A_365 = vector.shape_cast %get3A_360 : vector<16xf32> to vector<1x16xf32>
        tpu.vector_store %arg10[%swap3A_361, %swap3A_362], %swap3A_365 {strides = array<i32>} : memref<128x64xf32, #tpu.memory_space<vmem>>, vector<1x16xf32>,
        %get3A_366 = arith.index_cast %add3A_338 : i32 to index
        %get3A_367 = arith.constant 48 : index
        %get3A_368 = tpu.vector_load %arg8[%get3A_366, %get3A_367] {strides = array<i32>} : memref<128x128xf32, #tpu.memory_space<vmem>>, vector<1x16xf32>,
        %get3A_369 = vector.shape_cast %get3A_368 : vector<1x16xf32> to vector<16xf32>
        %swap3A_370 = arith.index_cast %add3A_338 : i32 to index
        %swap3A_371 = arith.constant 48 : index
        %swap3A_372 = tpu.vector_load %arg10[%swap3A_370, %swap3A_371] {strides = array<i32>} : memref<128x64xf32, #tpu.memory_space<vmem>>, vector<1x16xf32>,
        %swap3A_373 = vector.shape_cast %swap3A_372 : vector<1x16xf32> to vector<16xf32>
        %swap3A_374 = vector.shape_cast %get3A_369 : vector<16xf32> to vector<1x16xf32>
        tpu.vector_store %arg10[%swap3A_370, %swap3A_371], %swap3A_374 {strides = array<i32>} : memref<128x64xf32, #tpu.memory_space<vmem>>, vector<1x16xf32>,
        %mul3A_375 = arith.constant 8 : i32
        %mul3A_376 = arith.muli %scan3A_176, %mul3A_375 : i32
        %add3A_377 = arith.constant 5 : i32
        %add3A_378 = arith.addi %mul3A_376, %add3A_377 : i32
        %get3A_379 = arith.index_cast %add3A_378 : i32 to index
        %get3A_380 = arith.constant 0 : index
        %get3A_381 = tpu.vector_load %arg8[%get3A_379, %get3A_380] {strides = array<i32>} : memref<128x128xf32, #tpu.memory_space<vmem>>, vector<1x16xf32>,
        %get3A_382 = vector.shape_cast %get3A_381 : vector<1x16xf32> to vector<16xf32>
        %swap3A_383 = arith.index_cast %add3A_378 : i32 to index
        %swap3A_384 = arith.constant 0 : index
        %swap3A_385 = tpu.vector_load %arg10[%swap3A_383, %swap3A_384] {strides = array<i32>} : memref<128x64xf32, #tpu.memory_space<vmem>>, vector<1x16xf32>,
        %swap3A_386 = vector.shape_cast %swap3A_385 : vector<1x16xf32> to vector<16xf32>
        %swap3A_387 = vector.shape_cast %get3A_382 : vector<16xf32> to vector<1x16xf32>
        tpu.vector_store %arg10[%swap3A_383, %swap3A_384], %swap3A_387 {strides = array<i32>} : memref<128x64xf32, #tpu.memory_space<vmem>>, vector<1x16xf32>,
        %get3A_388 = arith.index_cast %add3A_378 : i32 to index
        %get3A_389 = arith.constant 16 : index
        %get3A_390 = tpu.vector_load %arg8[%get3A_388, %get3A_389] {strides = array<i32>} : memref<128x128xf32, #tpu.memory_space<vmem>>, vector<1x16xf32>,
        %get3A_391 = vector.shape_cast %get3A_390 : vector<1x16xf32> to vector<16xf32>
        %swap3A_392 = arith.index_cast %add3A_378 : i32 to index
        %swap3A_393 = arith.constant 16 : index
        %swap3A_394 = tpu.vector_load %arg10[%swap3A_392, %swap3A_393] {strides = array<i32>} : memref<128x64xf32, #tpu.memory_space<vmem>>, vector<1x16xf32>,
        %swap3A_395 = vector.shape_cast %swap3A_394 : vector<1x16xf32> to vector<16xf32>
        %swap3A_396 = vector.shape_cast %get3A_391 : vector<16xf32> to vector<1x16xf32>
        tpu.vector_store %arg10[%swap3A_392, %swap3A_393], %swap3A_396 {strides = array<i32>} : memref<128x64xf32, #tpu.memory_space<vmem>>, vector<1x16xf32>,
        %get3A_397 = arith.index_cast %add3A_378 : i32 to index
        %get3A_398 = arith.constant 32 : index
        %get3A_399 = tpu.vector_load %arg8[%get3A_397, %get3A_398] {strides = array<i32>} : memref<128x128xf32, #tpu.memory_space<vmem>>, vector<1x16xf32>,
        %get3A_400 = vector.shape_cast %get3A_399 : vector<1x16xf32> to vector<16xf32>
        %swap3A_401 = arith.index_cast %add3A_378 : i32 to index
        %swap3A_402 = arith.constant 32 : index
        %swap3A_403 = tpu.vector_load %arg10[%swap3A_401, %swap3A_402] {strides = array<i32>} : memref<128x64xf32, #tpu.memory_space<vmem>>, vector<1x16xf32>,
        %swap3A_404 = vector.shape_cast %swap3A_403 : vector<1x16xf32> to vector<16xf32>
        %swap3A_405 = vector.shape_cast %get3A_400 : vector<16xf32> to vector<1x16xf32>
        tpu.vector_store %arg10[%swap3A_401, %swap3A_402], %swap3A_405 {strides = array<i32>} : memref<128x64xf32, #tpu.memory_space<vmem>>, vector<1x16xf32>,
        %get3A_406 = arith.index_cast %add3A_378 : i32 to index
        %get3A_407 = arith.constant 48 : index
        %get3A_408 = tpu.vector_load %arg8[%get3A_406, %get3A_407] {strides = array<i32>} : memref<128x128xf32, #tpu.memory_space<vmem>>, vector<1x16xf32>,
        %get3A_409 = vector.shape_cast %get3A_408 : vector<1x16xf32> to vector<16xf32>
        %swap3A_410 = arith.index_cast %add3A_378 : i32 to index
        %swap3A_411 = arith.constant 48 : index
        %swap3A_412 = tpu.vector_load %arg10[%swap3A_410, %swap3A_411] {strides = array<i32>} : memref<128x64xf32, #tpu.memory_space<vmem>>, vector<1x16xf32>,
        %swap3A_413 = vector.shape_cast %swap3A_412 : vector<1x16xf32> to vector<16xf32>
        %swap3A_414 = vector.shape_cast %get3A_409 : vector<16xf32> to vector<1x16xf32>
        tpu.vector_store %arg10[%swap3A_410, %swap3A_411], %swap3A_414 {strides = array<i32>} : memref<128x64xf32, #tpu.memory_space<vmem>>, vector<1x16xf32>,
        %mul3A_415 = arith.constant 8 : i32
        %mul3A_416 = arith.muli %scan3A_176, %mul3A_415 : i32
        %add3A_417 = arith.constant 6 : i32
        %add3A_418 = arith.addi %mul3A_416, %add3A_417 : i32
        %get3A_419 = arith.index_cast %add3A_418 : i32 to index
        %get3A_420 = arith.constant 0 : index
        %get3A_421 = tpu.vector_load %arg8[%get3A_419, %get3A_420] {strides = array<i32>} : memref<128x128xf32, #tpu.memory_space<vmem>>, vector<1x16xf32>,
        %get3A_422 = vector.shape_cast %get3A_421 : vector<1x16xf32> to vector<16xf32>
        %swap3A_423 = arith.index_cast %add3A_418 : i32 to index
        %swap3A_424 = arith.constant 0 : index
        %swap3A_425 = tpu.vector_load %arg10[%swap3A_423, %swap3A_424] {strides = array<i32>} : memref<128x64xf32, #tpu.memory_space<vmem>>, vector<1x16xf32>,
        %swap3A_426 = vector.shape_cast %swap3A_425 : vector<1x16xf32> to vector<16xf32>
        %swap3A_427 = vector.shape_cast %get3A_422 : vector<16xf32> to vector<1x16xf32>
        tpu.vector_store %arg10[%swap3A_423, %swap3A_424], %swap3A_427 {strides = array<i32>} : memref<128x64xf32, #tpu.memory_space<vmem>>, vector<1x16xf32>,
        %get3A_428 = arith.index_cast %add3A_418 : i32 to index
        %get3A_429 = arith.constant 16 : index
        %get3A_430 = tpu.vector_load %arg8[%get3A_428, %get3A_429] {strides = array<i32>} : memref<128x128xf32, #tpu.memory_space<vmem>>, vector<1x16xf32>,
        %get3A_431 = vector.shape_cast %get3A_430 : vector<1x16xf32> to vector<16xf32>
        %swap3A_432 = arith.index_cast %add3A_418 : i32 to index
        %swap3A_433 = arith.constant 16 : index
        %swap3A_434 = tpu.vector_load %arg10[%swap3A_432, %swap3A_433] {strides = array<i32>} : memref<128x64xf32, #tpu.memory_space<vmem>>, vector<1x16xf32>,
        %swap3A_435 = vector.shape_cast %swap3A_434 : vector<1x16xf32> to vector<16xf32>
        %swap3A_436 = vector.shape_cast %get3A_431 : vector<16xf32> to vector<1x16xf32>
        tpu.vector_store %arg10[%swap3A_432, %swap3A_433], %swap3A_436 {strides = array<i32>} : memref<128x64xf32, #tpu.memory_space<vmem>>, vector<1x16xf32>,
        %get3A_437 = arith.index_cast %add3A_418 : i32 to index
        %get3A_438 = arith.constant 32 : index
        %get3A_439 = tpu.vector_load %arg8[%get3A_437, %get3A_438] {strides = array<i32>} : memref<128x128xf32, #tpu.memory_space<vmem>>, vector<1x16xf32>,
        %get3A_440 = vector.shape_cast %get3A_439 : vector<1x16xf32> to vector<16xf32>
        %swap3A_441 = arith.index_cast %add3A_418 : i32 to index
        %swap3A_442 = arith.constant 32 : index
        %swap3A_443 = tpu.vector_load %arg10[%swap3A_441, %swap3A_442] {strides = array<i32>} : memref<128x64xf32, #tpu.memory_space<vmem>>, vector<1x16xf32>,
        %swap3A_444 = vector.shape_cast %swap3A_443 : vector<1x16xf32> to vector<16xf32>
        %swap3A_445 = vector.shape_cast %get3A_440 : vector<16xf32> to vector<1x16xf32>
        tpu.vector_store %arg10[%swap3A_441, %swap3A_442], %swap3A_445 {strides = array<i32>} : memref<128x64xf32, #tpu.memory_space<vmem>>, vector<1x16xf32>,
        %get3A_446 = arith.index_cast %add3A_418 : i32 to index
        %get3A_447 = arith.constant 48 : index
        %get3A_448 = tpu.vector_load %arg8[%get3A_446, %get3A_447] {strides = array<i32>} : memref<128x128xf32, #tpu.memory_space<vmem>>, vector<1x16xf32>,
        %get3A_449 = vector.shape_cast %get3A_448 : vector<1x16xf32> to vector<16xf32>
        %swap3A_450 = arith.index_cast %add3A_418 : i32 to index
        %swap3A_451 = arith.constant 48 : index
        %swap3A_452 = tpu.vector_load %arg10[%swap3A_450, %swap3A_451] {strides = array<i32>} : memref<128x64xf32, #tpu.memory_space<vmem>>, vector<1x16xf32>,
        %swap3A_453 = vector.shape_cast %swap3A_452 : vector<1x16xf32> to vector<16xf32>
        %swap3A_454 = vector.shape_cast %get3A_449 : vector<16xf32> to vector<1x16xf32>
        tpu.vector_store %arg10[%swap3A_450, %swap3A_451], %swap3A_454 {strides = array<i32>} : memref<128x64xf32, #tpu.memory_space<vmem>>, vector<1x16xf32>,
        %mul3A_455 = arith.constant 8 : i32
        %mul3A_456 = arith.muli %scan3A_176, %mul3A_455 : i32
        %add3A_457 = arith.constant 7 : i32
        %add3A_458 = arith.addi %mul3A_456, %add3A_457 : i32
        %get3A_459 = arith.index_cast %add3A_458 : i32 to index
        %get3A_460 = arith.constant 0 : index
        %get3A_461 = tpu.vector_load %arg8[%get3A_459, %get3A_460] {strides = array<i32>} : memref<128x128xf32, #tpu.memory_space<vmem>>, vector<1x16xf32>,
        %get3A_462 = vector.shape_cast %get3A_461 : vector<1x16xf32> to vector<16xf32>
        %swap3A_463 = arith.index_cast %add3A_458 : i32 to index
        %swap3A_464 = arith.constant 0 : index
        %swap3A_465 = tpu.vector_load %arg10[%swap3A_463, %swap3A_464] {strides = array<i32>} : memref<128x64xf32, #tpu.memory_space<vmem>>, vector<1x16xf32>,
        %swap3A_466 = vector.shape_cast %swap3A_465 : vector<1x16xf32> to vector<16xf32>
        %swap3A_467 = vector.shape_cast %get3A_462 : vector<16xf32> to vector<1x16xf32>
        tpu.vector_store %arg10[%swap3A_463, %swap3A_464], %swap3A_467 {strides = array<i32>} : memref<128x64xf32, #tpu.memory_space<vmem>>, vector<1x16xf32>,
        %get3A_468 = arith.index_cast %add3A_458 : i32 to index
        %get3A_469 = arith.constant 16 : index
        %get3A_470 = tpu.vector_load %arg8[%get3A_468, %get3A_469] {strides = array<i32>} : memref<128x128xf32, #tpu.memory_space<vmem>>, vector<1x16xf32>,
        %get3A_471 = vector.shape_cast %get3A_470 : vector<1x16xf32> to vector<16xf32>
        %swap3A_472 = arith.index_cast %add3A_458 : i32 to index
        %swap3A_473 = arith.constant 16 : index
        %swap3A_474 = tpu.vector_load %arg10[%swap3A_472, %swap3A_473] {strides = array<i32>} : memref<128x64xf32, #tpu.memory_space<vmem>>, vector<1x16xf32>,
        %swap3A_475 = vector.shape_cast %swap3A_474 : vector<1x16xf32> to vector<16xf32>
        %swap3A_476 = vector.shape_cast %get3A_471 : vector<16xf32> to vector<1x16xf32>
        tpu.vector_store %arg10[%swap3A_472, %swap3A_473], %swap3A_476 {strides = array<i32>} : memref<128x64xf32, #tpu.memory_space<vmem>>, vector<1x16xf32>,
        %get3A_477 = arith.index_cast %add3A_458 : i32 to index
        %get3A_478 = arith.constant 32 : index
        %get3A_479 = tpu.vector_load %arg8[%get3A_477, %get3A_478] {strides = array<i32>} : memref<128x128xf32, #tpu.memory_space<vmem>>, vector<1x16xf32>,
        %get3A_480 = vector.shape_cast %get3A_479 : vector<1x16xf32> to vector<16xf32>
        %swap3A_481 = arith.index_cast %add3A_458 : i32 to index
        %swap3A_482 = arith.constant 32 : index
        %swap3A_483 = tpu.vector_load %arg10[%swap3A_481, %swap3A_482] {strides = array<i32>} : memref<128x64xf32, #tpu.memory_space<vmem>>, vector<1x16xf32>,
        %swap3A_484 = vector.shape_cast %swap3A_483 : vector<1x16xf32> to vector<16xf32>
        %swap3A_485 = vector.shape_cast %get3A_480 : vector<16xf32> to vector<1x16xf32>
        tpu.vector_store %arg10[%swap3A_481, %swap3A_482], %swap3A_485 {strides = array<i32>} : memref<128x64xf32, #tpu.memory_space<vmem>>, vector<1x16xf32>,
        %get3A_486 = arith.index_cast %add3A_458 : i32 to index
        %get3A_487 = arith.constant 48 : index
        %get3A_488 = tpu.vector_load %arg8[%get3A_486, %get3A_487] {strides = array<i32>} : memref<128x128xf32, #tpu.memory_space<vmem>>, vector<1x16xf32>,
        %get3A_489 = vector.shape_cast %get3A_488 : vector<1x16xf32> to vector<16xf32>
        %swap3A_490 = arith.index_cast %add3A_458 : i32 to index
        %swap3A_491 = arith.constant 48 : index
        %swap3A_492 = tpu.vector_load %arg10[%swap3A_490, %swap3A_491] {strides = array<i32>} : memref<128x64xf32, #tpu.memory_space<vmem>>, vector<1x16xf32>,
        %swap3A_493 = vector.shape_cast %swap3A_492 : vector<1x16xf32> to vector<16xf32>
        %swap3A_494 = vector.shape_cast %get3A_489 : vector<16xf32> to vector<1x16xf32>
        tpu.vector_store %arg10[%swap3A_490, %swap3A_491], %swap3A_494 {strides = array<i32>} : memref<128x64xf32, #tpu.memory_space<vmem>>, vector<1x16xf32>,
      }
      %scan3A_133 = arith.constant 16 : i32
      %mul3A_134 = arith.constant 4096 : i32
      %mul3A_135 = arith.muli %add3A_109, %mul3A_134 : i32
      %add3A_136 = arith.addi %mul3A_135, %mul3A_2 : i32
      %dma_start3A_137 = arith.constant 0 : i32
      %dma_start3A_138 = tpu.memref_slice %arg4[%add3A_136, %dma_start3A_137] : memref<819200x64xf32, #tpu.memory_space<hbm>> -> memref<128x64xf32, #tpu.memory_space<hbm>>
      %dma_start3A_139 = arith.constant 0 : i32
      %dma_start3A_140 = tpu.memref_slice %arg4[%add3A_136, %dma_start3A_139] : memref<819200x64xf32, #tpu.memory_space<hbm>> -> memref<128x64xf32, #tpu.memory_space<hbm>>
      tpu.enqueue_dma source(%arg10 : memref<128x64xf32, #tpu.memory_space<vmem>>) target(%dma_start3A_140 : memref<128x64xf32, #tpu.memory_space<hbm>>) target_semaphore(%arg16 : memref<!tpu.dma_semaphore, #tpu.memory_space<semaphore_mem>>)
      %mul3A_141 = arith.constant 4 : i32
      %mul3A_142 = arith.muli %scan3A_39, %mul3A_141 : i32
      %add3A_143 = arith.constant 3 : i32
      %add3A_144 = arith.addi %mul3A_142, %add3A_143 : i32
      %add3A_145 = arith.constant 3 : i32
      %add3A_146 = arith.addi %add3A_144, %add3A_145 : i32
      %lt3A_147 = arith.constant 200 : i32
      %lt3A_148 = arith.cmpi slt, %add3A_146, %lt3A_147 : i32
      %convert_element_type3A_149 = arith.extui %lt3A_148 : i1 to i32
      %cond3A_150 = arith.constant 0 : i32
      %cond3A_151 = arith.cmpi ne, %convert_element_type3A_149, %cond3A_150 : i32
      scf.if %cond3A_151 {
        %add3A_176 = arith.constant 3 : i32
        %add3A_177 = arith.addi %add3A_144, %add3A_176 : i32
        %dma_start3A_178 = arith.constant 0 : i32
        %dma_start3A_179 = tpu.memref_slice %arg5[%add3A_177, %dma_start3A_178] : memref<200x128xi32, #tpu.memory_space<vmem>> -> memref<1x128xi32, #tpu.memory_space<vmem>>
        %dma_start3A_180 = tpu.memref_squeeze %dma_start3A_179 : memref<1x128xi32, #tpu.memory_space<vmem>> -> memref<128xi32, #tpu.memory_space<vmem>>
        %dma_start3A_181 = arith.constant 0 : i32
        %dma_start3A_182 = arith.constant 0 : i32
        %dma_start3A_183 = tpu.memref_slice %arg3[%dma_start3A_181, %dma_start3A_182] : memref<1000000x128xf32, #tpu.memory_space<hbm>> -> memref<1000000x128xf32, #tpu.memory_space<hbm>>
        tpu.enqueue_indirect_dma source(%dma_start3A_183 : memref<1000000x128xf32, #tpu.memory_space<hbm>>) target(%arg8 : memref<128x128xf32, #tpu.memory_space<vmem>>) offsets(%dma_start3A_180 : memref<128xi32, #tpu.memory_space<vmem>>) semaphore(%arg14 : memref<!tpu.dma_semaphore, #tpu.memory_space<semaphore_mem>>)
      } else {
      }
      %dma_wait3A_152 = arith.constant 0 : i32
      %dma_wait3A_153 = tpu.memref_slice %arg5[%add3A_144, %dma_wait3A_152] : memref<200x128xi32, #tpu.memory_space<vmem>> -> memref<1x128xi32, #tpu.memory_space<vmem>>
      %dma_wait3A_154 = tpu.memref_squeeze %dma_wait3A_153 : memref<1x128xi32, #tpu.memory_space<vmem>> -> memref<128xi32, #tpu.memory_space<vmem>>
      %dma_wait3A_155 = arith.constant 0 : i32
      %dma_wait3A_156 = arith.constant 0 : i32
      %dma_wait3A_157 = tpu.memref_slice %arg3[%dma_wait3A_155, %dma_wait3A_156] : memref<1000000x128xf32, #tpu.memory_space<hbm>> -> memref<1000000x128xf32, #tpu.memory_space<hbm>>
      tpu.wait_indirect_dma semaphore(%arg15 : memref<!tpu.dma_semaphore, #tpu.memory_space<semaphore_mem>>) src(%dma_wait3A_157 : memref<1000000x128xf32, #tpu.memory_space<hbm>>) dst(%arg9 : memref<128x128xf32, #tpu.memory_space<vmem>>)
      %ge3A_158 = arith.constant 2 : i32
      %ge3A_159 = arith.cmpi sge, %add3A_144, %ge3A_158 : i32
      %convert_element_type3A_160 = arith.extui %ge3A_159 : i1 to i32
      %cond3A_161 = arith.constant 0 : i32
      %cond3A_162 = arith.cmpi ne, %convert_element_type3A_160, %cond3A_161 : i32
      scf.if %cond3A_162 {
        %sub3A = arith.constant 2 : i32
        %sub3A_176 = arith.subi %add3A_144, %sub3A : i32
        %mul3A_177 = arith.constant 4096 : i32
        %mul3A_178 = arith.muli %sub3A_176, %mul3A_177 : i32
        %add3A_179 = arith.addi %mul3A_178, %mul3A_2 : i32
        %dma_wait3A_180 = arith.constant 0 : i32
        %dma_wait3A_181 = tpu.memref_slice %arg4[%add3A_179, %dma_wait3A_180] : memref<819200x64xf32, #tpu.memory_space<hbm>> -> memref<128x64xf32, #tpu.memory_space<hbm>>
        %dma_wait3A_182 = arith.constant 0 : i32
        %dma_wait3A_183 = tpu.memref_slice %arg4[%add3A_179, %dma_wait3A_182] : memref<819200x64xf32, #tpu.memory_space<hbm>> -> memref<128x64xf32, #tpu.memory_space<hbm>>
        tpu.wait_dma2 semaphore(%arg17 : memref<!tpu.dma_semaphore, #tpu.memory_space<semaphore_mem>>) src(%arg11 : memref<128x64xf32, #tpu.memory_space<vmem>>) dst(%dma_wait3A_183 : memref<128x64xf32, #tpu.memory_space<hbm>>)
      } else {
      }
      %scan3A_163 = arith.constant 0 : i32
      %scan3A_164 = arith.constant 0 : i32
      %scan3A_165 = arith.constant 16 : i32
      %scan3A_166 = arith.addi %scan3A_164, %scan3A_165 : i32
      %scan3A_167 = arith.constant 1 : i32
      scf.for %scan3A_176 = %scan3A_164 to %scan3A_166 step %scan3A_167  : i32 {
        %mul3A_177 = arith.constant 8 : i32
        %mul3A_178 = arith.muli %scan3A_176, %mul3A_177 : i32
        %add3A_179 = arith.constant 0 : i32
        %add3A_180 = arith.addi %mul3A_178, %add3A_179 : i32
        %get3A = arith.index_cast %add3A_180 : i32 to index
        %get3A_181 = arith.constant 0 : index
        %get3A_182 = tpu.vector_load %arg9[%get3A, %get3A_181] {strides = array<i32>} : memref<128x128xf32, #tpu.memory_space<vmem>>, vector<1x16xf32>,
        %get3A_183 = vector.shape_cast %get3A_182 : vector<1x16xf32> to vector<16xf32>
        %swap3A = arith.index_cast %add3A_180 : i32 to index
        %swap3A_184 = arith.constant 0 : index
        %swap3A_185 = tpu.vector_load %arg11[%swap3A, %swap3A_184] {strides = array<i32>} : memref<128x64xf32, #tpu.memory_space<vmem>>, vector<1x16xf32>,
        %swap3A_186 = vector.shape_cast %swap3A_185 : vector<1x16xf32> to vector<16xf32>
        %swap3A_187 = vector.shape_cast %get3A_183 : vector<16xf32> to vector<1x16xf32>
        tpu.vector_store %arg11[%swap3A, %swap3A_184], %swap3A_187 {strides = array<i32>} : memref<128x64xf32, #tpu.memory_space<vmem>>, vector<1x16xf32>,
        %get3A_188 = arith.index_cast %add3A_180 : i32 to index
        %get3A_189 = arith.constant 16 : index
        %get3A_190 = tpu.vector_load %arg9[%get3A_188, %get3A_189] {strides = array<i32>} : memref<128x128xf32, #tpu.memory_space<vmem>>, vector<1x16xf32>,
        %get3A_191 = vector.shape_cast %get3A_190 : vector<1x16xf32> to vector<16xf32>
        %swap3A_192 = arith.index_cast %add3A_180 : i32 to index
        %swap3A_193 = arith.constant 16 : index
        %swap3A_194 = tpu.vector_load %arg11[%swap3A_192, %swap3A_193] {strides = array<i32>} : memref<128x64xf32, #tpu.memory_space<vmem>>, vector<1x16xf32>,
        %swap3A_195 = vector.shape_cast %swap3A_194 : vector<1x16xf32> to vector<16xf32>
        %swap3A_196 = vector.shape_cast %get3A_191 : vector<16xf32> to vector<1x16xf32>
        tpu.vector_store %arg11[%swap3A_192, %swap3A_193], %swap3A_196 {strides = array<i32>} : memref<128x64xf32, #tpu.memory_space<vmem>>, vector<1x16xf32>,
        %get3A_197 = arith.index_cast %add3A_180 : i32 to index
        %get3A_198 = arith.constant 32 : index
        %get3A_199 = tpu.vector_load %arg9[%get3A_197, %get3A_198] {strides = array<i32>} : memref<128x128xf32, #tpu.memory_space<vmem>>, vector<1x16xf32>,
        %get3A_200 = vector.shape_cast %get3A_199 : vector<1x16xf32> to vector<16xf32>
        %swap3A_201 = arith.index_cast %add3A_180 : i32 to index
        %swap3A_202 = arith.constant 32 : index
        %swap3A_203 = tpu.vector_load %arg11[%swap3A_201, %swap3A_202] {strides = array<i32>} : memref<128x64xf32, #tpu.memory_space<vmem>>, vector<1x16xf32>,
        %swap3A_204 = vector.shape_cast %swap3A_203 : vector<1x16xf32> to vector<16xf32>
        %swap3A_205 = vector.shape_cast %get3A_200 : vector<16xf32> to vector<1x16xf32>
        tpu.vector_store %arg11[%swap3A_201, %swap3A_202], %swap3A_205 {strides = array<i32>} : memref<128x64xf32, #tpu.memory_space<vmem>>, vector<1x16xf32>,
        %get3A_206 = arith.index_cast %add3A_180 : i32 to index
        %get3A_207 = arith.constant 48 : index
        %get3A_208 = tpu.vector_load %arg9[%get3A_206, %get3A_207] {strides = array<i32>} : memref<128x128xf32, #tpu.memory_space<vmem>>, vector<1x16xf32>,
        %get3A_209 = vector.shape_cast %get3A_208 : vector<1x16xf32> to vector<16xf32>
        %swap3A_210 = arith.index_cast %add3A_180 : i32 to index
        %swap3A_211 = arith.constant 48 : index
        %swap3A_212 = tpu.vector_load %arg11[%swap3A_210, %swap3A_211] {strides = array<i32>} : memref<128x64xf32, #tpu.memory_space<vmem>>, vector<1x16xf32>,
        %swap3A_213 = vector.shape_cast %swap3A_212 : vector<1x16xf32> to vector<16xf32>
        %swap3A_214 = vector.shape_cast %get3A_209 : vector<16xf32> to vector<1x16xf32>
        tpu.vector_store %arg11[%swap3A_210, %swap3A_211], %swap3A_214 {strides = array<i32>} : memref<128x64xf32, #tpu.memory_space<vmem>>, vector<1x16xf32>,
        %mul3A_215 = arith.constant 8 : i32
        %mul3A_216 = arith.muli %scan3A_176, %mul3A_215 : i32
        %add3A_217 = arith.constant 1 : i32
        %add3A_218 = arith.addi %mul3A_216, %add3A_217 : i32
        %get3A_219 = arith.index_cast %add3A_218 : i32 to index
        %get3A_220 = arith.constant 0 : index
        %get3A_221 = tpu.vector_load %arg9[%get3A_219, %get3A_220] {strides = array<i32>} : memref<128x128xf32, #tpu.memory_space<vmem>>, vector<1x16xf32>,
        %get3A_222 = vector.shape_cast %get3A_221 : vector<1x16xf32> to vector<16xf32>
        %swap3A_223 = arith.index_cast %add3A_218 : i32 to index
        %swap3A_224 = arith.constant 0 : index
        %swap3A_225 = tpu.vector_load %arg11[%swap3A_223, %swap3A_224] {strides = array<i32>} : memref<128x64xf32, #tpu.memory_space<vmem>>, vector<1x16xf32>,
        %swap3A_226 = vector.shape_cast %swap3A_225 : vector<1x16xf32> to vector<16xf32>
        %swap3A_227 = vector.shape_cast %get3A_222 : vector<16xf32> to vector<1x16xf32>
        tpu.vector_store %arg11[%swap3A_223, %swap3A_224], %swap3A_227 {strides = array<i32>} : memref<128x64xf32, #tpu.memory_space<vmem>>, vector<1x16xf32>,
        %get3A_228 = arith.index_cast %add3A_218 : i32 to index
        %get3A_229 = arith.constant 16 : index
        %get3A_230 = tpu.vector_load %arg9[%get3A_228, %get3A_229] {strides = array<i32>} : memref<128x128xf32, #tpu.memory_space<vmem>>, vector<1x16xf32>,
        %get3A_231 = vector.shape_cast %get3A_230 : vector<1x16xf32> to vector<16xf32>
        %swap3A_232 = arith.index_cast %add3A_218 : i32 to index
        %swap3A_233 = arith.constant 16 : index
        %swap3A_234 = tpu.vector_load %arg11[%swap3A_232, %swap3A_233] {strides = array<i32>} : memref<128x64xf32, #tpu.memory_space<vmem>>, vector<1x16xf32>,
        %swap3A_235 = vector.shape_cast %swap3A_234 : vector<1x16xf32> to vector<16xf32>
        %swap3A_236 = vector.shape_cast %get3A_231 : vector<16xf32> to vector<1x16xf32>
        tpu.vector_store %arg11[%swap3A_232, %swap3A_233], %swap3A_236 {strides = array<i32>} : memref<128x64xf32, #tpu.memory_space<vmem>>, vector<1x16xf32>,
        %get3A_237 = arith.index_cast %add3A_218 : i32 to index
        %get3A_238 = arith.constant 32 : index
        %get3A_239 = tpu.vector_load %arg9[%get3A_237, %get3A_238] {strides = array<i32>} : memref<128x128xf32, #tpu.memory_space<vmem>>, vector<1x16xf32>,
        %get3A_240 = vector.shape_cast %get3A_239 : vector<1x16xf32> to vector<16xf32>
        %swap3A_241 = arith.index_cast %add3A_218 : i32 to index
        %swap3A_242 = arith.constant 32 : index
        %swap3A_243 = tpu.vector_load %arg11[%swap3A_241, %swap3A_242] {strides = array<i32>} : memref<128x64xf32, #tpu.memory_space<vmem>>, vector<1x16xf32>,
        %swap3A_244 = vector.shape_cast %swap3A_243 : vector<1x16xf32> to vector<16xf32>
        %swap3A_245 = vector.shape_cast %get3A_240 : vector<16xf32> to vector<1x16xf32>
        tpu.vector_store %arg11[%swap3A_241, %swap3A_242], %swap3A_245 {strides = array<i32>} : memref<128x64xf32, #tpu.memory_space<vmem>>, vector<1x16xf32>,
        %get3A_246 = arith.index_cast %add3A_218 : i32 to index
        %get3A_247 = arith.constant 48 : index
        %get3A_248 = tpu.vector_load %arg9[%get3A_246, %get3A_247] {strides = array<i32>} : memref<128x128xf32, #tpu.memory_space<vmem>>, vector<1x16xf32>,
        %get3A_249 = vector.shape_cast %get3A_248 : vector<1x16xf32> to vector<16xf32>
        %swap3A_250 = arith.index_cast %add3A_218 : i32 to index
        %swap3A_251 = arith.constant 48 : index
        %swap3A_252 = tpu.vector_load %arg11[%swap3A_250, %swap3A_251] {strides = array<i32>} : memref<128x64xf32, #tpu.memory_space<vmem>>, vector<1x16xf32>,
        %swap3A_253 = vector.shape_cast %swap3A_252 : vector<1x16xf32> to vector<16xf32>
        %swap3A_254 = vector.shape_cast %get3A_249 : vector<16xf32> to vector<1x16xf32>
        tpu.vector_store %arg11[%swap3A_250, %swap3A_251], %swap3A_254 {strides = array<i32>} : memref<128x64xf32, #tpu.memory_space<vmem>>, vector<1x16xf32>,
        %mul3A_255 = arith.constant 8 : i32
        %mul3A_256 = arith.muli %scan3A_176, %mul3A_255 : i32
        %add3A_257 = arith.constant 2 : i32
        %add3A_258 = arith.addi %mul3A_256, %add3A_257 : i32
        %get3A_259 = arith.index_cast %add3A_258 : i32 to index
        %get3A_260 = arith.constant 0 : index
        %get3A_261 = tpu.vector_load %arg9[%get3A_259, %get3A_260] {strides = array<i32>} : memref<128x128xf32, #tpu.memory_space<vmem>>, vector<1x16xf32>,
        %get3A_262 = vector.shape_cast %get3A_261 : vector<1x16xf32> to vector<16xf32>
        %swap3A_263 = arith.index_cast %add3A_258 : i32 to index
        %swap3A_264 = arith.constant 0 : index
        %swap3A_265 = tpu.vector_load %arg11[%swap3A_263, %swap3A_264] {strides = array<i32>} : memref<128x64xf32, #tpu.memory_space<vmem>>, vector<1x16xf32>,
        %swap3A_266 = vector.shape_cast %swap3A_265 : vector<1x16xf32> to vector<16xf32>
        %swap3A_267 = vector.shape_cast %get3A_262 : vector<16xf32> to vector<1x16xf32>
        tpu.vector_store %arg11[%swap3A_263, %swap3A_264], %swap3A_267 {strides = array<i32>} : memref<128x64xf32, #tpu.memory_space<vmem>>, vector<1x16xf32>,
        %get3A_268 = arith.index_cast %add3A_258 : i32 to index
        %get3A_269 = arith.constant 16 : index
        %get3A_270 = tpu.vector_load %arg9[%get3A_268, %get3A_269] {strides = array<i32>} : memref<128x128xf32, #tpu.memory_space<vmem>>, vector<1x16xf32>,
        %get3A_271 = vector.shape_cast %get3A_270 : vector<1x16xf32> to vector<16xf32>
        %swap3A_272 = arith.index_cast %add3A_258 : i32 to index
        %swap3A_273 = arith.constant 16 : index
        %swap3A_274 = tpu.vector_load %arg11[%swap3A_272, %swap3A_273] {strides = array<i32>} : memref<128x64xf32, #tpu.memory_space<vmem>>, vector<1x16xf32>,
        %swap3A_275 = vector.shape_cast %swap3A_274 : vector<1x16xf32> to vector<16xf32>
        %swap3A_276 = vector.shape_cast %get3A_271 : vector<16xf32> to vector<1x16xf32>
        tpu.vector_store %arg11[%swap3A_272, %swap3A_273], %swap3A_276 {strides = array<i32>} : memref<128x64xf32, #tpu.memory_space<vmem>>, vector<1x16xf32>,
        %get3A_277 = arith.index_cast %add3A_258 : i32 to index
        %get3A_278 = arith.constant 32 : index
        %get3A_279 = tpu.vector_load %arg9[%get3A_277, %get3A_278] {strides = array<i32>} : memref<128x128xf32, #tpu.memory_space<vmem>>, vector<1x16xf32>,
        %get3A_280 = vector.shape_cast %get3A_279 : vector<1x16xf32> to vector<16xf32>
        %swap3A_281 = arith.index_cast %add3A_258 : i32 to index
        %swap3A_282 = arith.constant 32 : index
        %swap3A_283 = tpu.vector_load %arg11[%swap3A_281, %swap3A_282] {strides = array<i32>} : memref<128x64xf32, #tpu.memory_space<vmem>>, vector<1x16xf32>,
        %swap3A_284 = vector.shape_cast %swap3A_283 : vector<1x16xf32> to vector<16xf32>
        %swap3A_285 = vector.shape_cast %get3A_280 : vector<16xf32> to vector<1x16xf32>
        tpu.vector_store %arg11[%swap3A_281, %swap3A_282], %swap3A_285 {strides = array<i32>} : memref<128x64xf32, #tpu.memory_space<vmem>>, vector<1x16xf32>,
        %get3A_286 = arith.index_cast %add3A_258 : i32 to index
        %get3A_287 = arith.constant 48 : index
        %get3A_288 = tpu.vector_load %arg9[%get3A_286, %get3A_287] {strides = array<i32>} : memref<128x128xf32, #tpu.memory_space<vmem>>, vector<1x16xf32>,
        %get3A_289 = vector.shape_cast %get3A_288 : vector<1x16xf32> to vector<16xf32>
        %swap3A_290 = arith.index_cast %add3A_258 : i32 to index
        %swap3A_291 = arith.constant 48 : index
        %swap3A_292 = tpu.vector_load %arg11[%swap3A_290, %swap3A_291] {strides = array<i32>} : memref<128x64xf32, #tpu.memory_space<vmem>>, vector<1x16xf32>,
        %swap3A_293 = vector.shape_cast %swap3A_292 : vector<1x16xf32> to vector<16xf32>
        %swap3A_294 = vector.shape_cast %get3A_289 : vector<16xf32> to vector<1x16xf32>
        tpu.vector_store %arg11[%swap3A_290, %swap3A_291], %swap3A_294 {strides = array<i32>} : memref<128x64xf32, #tpu.memory_space<vmem>>, vector<1x16xf32>,
        %mul3A_295 = arith.constant 8 : i32
        %mul3A_296 = arith.muli %scan3A_176, %mul3A_295 : i32
        %add3A_297 = arith.constant 3 : i32
        %add3A_298 = arith.addi %mul3A_296, %add3A_297 : i32
        %get3A_299 = arith.index_cast %add3A_298 : i32 to index
        %get3A_300 = arith.constant 0 : index
        %get3A_301 = tpu.vector_load %arg9[%get3A_299, %get3A_300] {strides = array<i32>} : memref<128x128xf32, #tpu.memory_space<vmem>>, vector<1x16xf32>,
        %get3A_302 = vector.shape_cast %get3A_301 : vector<1x16xf32> to vector<16xf32>
        %swap3A_303 = arith.index_cast %add3A_298 : i32 to index
        %swap3A_304 = arith.constant 0 : index
        %swap3A_305 = tpu.vector_load %arg11[%swap3A_303, %swap3A_304] {strides = array<i32>} : memref<128x64xf32, #tpu.memory_space<vmem>>, vector<1x16xf32>,
        %swap3A_306 = vector.shape_cast %swap3A_305 : vector<1x16xf32> to vector<16xf32>
        %swap3A_307 = vector.shape_cast %get3A_302 : vector<16xf32> to vector<1x16xf32>
        tpu.vector_store %arg11[%swap3A_303, %swap3A_304], %swap3A_307 {strides = array<i32>} : memref<128x64xf32, #tpu.memory_space<vmem>>, vector<1x16xf32>,
        %get3A_308 = arith.index_cast %add3A_298 : i32 to index
        %get3A_309 = arith.constant 16 : index
        %get3A_310 = tpu.vector_load %arg9[%get3A_308, %get3A_309] {strides = array<i32>} : memref<128x128xf32, #tpu.memory_space<vmem>>, vector<1x16xf32>,
        %get3A_311 = vector.shape_cast %get3A_310 : vector<1x16xf32> to vector<16xf32>
        %swap3A_312 = arith.index_cast %add3A_298 : i32 to index
        %swap3A_313 = arith.constant 16 : index
        %swap3A_314 = tpu.vector_load %arg11[%swap3A_312, %swap3A_313] {strides = array<i32>} : memref<128x64xf32, #tpu.memory_space<vmem>>, vector<1x16xf32>,
        %swap3A_315 = vector.shape_cast %swap3A_314 : vector<1x16xf32> to vector<16xf32>
        %swap3A_316 = vector.shape_cast %get3A_311 : vector<16xf32> to vector<1x16xf32>
        tpu.vector_store %arg11[%swap3A_312, %swap3A_313], %swap3A_316 {strides = array<i32>} : memref<128x64xf32, #tpu.memory_space<vmem>>, vector<1x16xf32>,
        %get3A_317 = arith.index_cast %add3A_298 : i32 to index
        %get3A_318 = arith.constant 32 : index
        %get3A_319 = tpu.vector_load %arg9[%get3A_317, %get3A_318] {strides = array<i32>} : memref<128x128xf32, #tpu.memory_space<vmem>>, vector<1x16xf32>,
        %get3A_320 = vector.shape_cast %get3A_319 : vector<1x16xf32> to vector<16xf32>
        %swap3A_321 = arith.index_cast %add3A_298 : i32 to index
        %swap3A_322 = arith.constant 32 : index
        %swap3A_323 = tpu.vector_load %arg11[%swap3A_321, %swap3A_322] {strides = array<i32>} : memref<128x64xf32, #tpu.memory_space<vmem>>, vector<1x16xf32>,
        %swap3A_324 = vector.shape_cast %swap3A_323 : vector<1x16xf32> to vector<16xf32>
        %swap3A_325 = vector.shape_cast %get3A_320 : vector<16xf32> to vector<1x16xf32>
        tpu.vector_store %arg11[%swap3A_321, %swap3A_322], %swap3A_325 {strides = array<i32>} : memref<128x64xf32, #tpu.memory_space<vmem>>, vector<1x16xf32>,
        %get3A_326 = arith.index_cast %add3A_298 : i32 to index
        %get3A_327 = arith.constant 48 : index
        %get3A_328 = tpu.vector_load %arg9[%get3A_326, %get3A_327] {strides = array<i32>} : memref<128x128xf32, #tpu.memory_space<vmem>>, vector<1x16xf32>,
        %get3A_329 = vector.shape_cast %get3A_328 : vector<1x16xf32> to vector<16xf32>
        %swap3A_330 = arith.index_cast %add3A_298 : i32 to index
        %swap3A_331 = arith.constant 48 : index
        %swap3A_332 = tpu.vector_load %arg11[%swap3A_330, %swap3A_331] {strides = array<i32>} : memref<128x64xf32, #tpu.memory_space<vmem>>, vector<1x16xf32>,
        %swap3A_333 = vector.shape_cast %swap3A_332 : vector<1x16xf32> to vector<16xf32>
        %swap3A_334 = vector.shape_cast %get3A_329 : vector<16xf32> to vector<1x16xf32>
        tpu.vector_store %arg11[%swap3A_330, %swap3A_331], %swap3A_334 {strides = array<i32>} : memref<128x64xf32, #tpu.memory_space<vmem>>, vector<1x16xf32>,
        %mul3A_335 = arith.constant 8 : i32
        %mul3A_336 = arith.muli %scan3A_176, %mul3A_335 : i32
        %add3A_337 = arith.constant 4 : i32
        %add3A_338 = arith.addi %mul3A_336, %add3A_337 : i32
        %get3A_339 = arith.index_cast %add3A_338 : i32 to index
        %get3A_340 = arith.constant 0 : index
        %get3A_341 = tpu.vector_load %arg9[%get3A_339, %get3A_340] {strides = array<i32>} : memref<128x128xf32, #tpu.memory_space<vmem>>, vector<1x16xf32>,
        %get3A_342 = vector.shape_cast %get3A_341 : vector<1x16xf32> to vector<16xf32>
        %swap3A_343 = arith.index_cast %add3A_338 : i32 to index
        %swap3A_344 = arith.constant 0 : index
        %swap3A_345 = tpu.vector_load %arg11[%swap3A_343, %swap3A_344] {strides = array<i32>} : memref<128x64xf32, #tpu.memory_space<vmem>>, vector<1x16xf32>,
        %swap3A_346 = vector.shape_cast %swap3A_345 : vector<1x16xf32> to vector<16xf32>
        %swap3A_347 = vector.shape_cast %get3A_342 : vector<16xf32> to vector<1x16xf32>
        tpu.vector_store %arg11[%swap3A_343, %swap3A_344], %swap3A_347 {strides = array<i32>} : memref<128x64xf32, #tpu.memory_space<vmem>>, vector<1x16xf32>,
        %get3A_348 = arith.index_cast %add3A_338 : i32 to index
        %get3A_349 = arith.constant 16 : index
        %get3A_350 = tpu.vector_load %arg9[%get3A_348, %get3A_349] {strides = array<i32>} : memref<128x128xf32, #tpu.memory_space<vmem>>, vector<1x16xf32>,
        %get3A_351 = vector.shape_cast %get3A_350 : vector<1x16xf32> to vector<16xf32>
        %swap3A_352 = arith.index_cast %add3A_338 : i32 to index
        %swap3A_353 = arith.constant 16 : index
        %swap3A_354 = tpu.vector_load %arg11[%swap3A_352, %swap3A_353] {strides = array<i32>} : memref<128x64xf32, #tpu.memory_space<vmem>>, vector<1x16xf32>,
        %swap3A_355 = vector.shape_cast %swap3A_354 : vector<1x16xf32> to vector<16xf32>
        %swap3A_356 = vector.shape_cast %get3A_351 : vector<16xf32> to vector<1x16xf32>
        tpu.vector_store %arg11[%swap3A_352, %swap3A_353], %swap3A_356 {strides = array<i32>} : memref<128x64xf32, #tpu.memory_space<vmem>>, vector<1x16xf32>,
        %get3A_357 = arith.index_cast %add3A_338 : i32 to index
        %get3A_358 = arith.constant 32 : index
        %get3A_359 = tpu.vector_load %arg9[%get3A_357, %get3A_358] {strides = array<i32>} : memref<128x128xf32, #tpu.memory_space<vmem>>, vector<1x16xf32>,
        %get3A_360 = vector.shape_cast %get3A_359 : vector<1x16xf32> to vector<16xf32>
        %swap3A_361 = arith.index_cast %add3A_338 : i32 to index
        %swap3A_362 = arith.constant 32 : index
        %swap3A_363 = tpu.vector_load %arg11[%swap3A_361, %swap3A_362] {strides = array<i32>} : memref<128x64xf32, #tpu.memory_space<vmem>>, vector<1x16xf32>,
        %swap3A_364 = vector.shape_cast %swap3A_363 : vector<1x16xf32> to vector<16xf32>
        %swap3A_365 = vector.shape_cast %get3A_360 : vector<16xf32> to vector<1x16xf32>
        tpu.vector_store %arg11[%swap3A_361, %swap3A_362], %swap3A_365 {strides = array<i32>} : memref<128x64xf32, #tpu.memory_space<vmem>>, vector<1x16xf32>,
        %get3A_366 = arith.index_cast %add3A_338 : i32 to index
        %get3A_367 = arith.constant 48 : index
        %get3A_368 = tpu.vector_load %arg9[%get3A_366, %get3A_367] {strides = array<i32>} : memref<128x128xf32, #tpu.memory_space<vmem>>, vector<1x16xf32>,
        %get3A_369 = vector.shape_cast %get3A_368 : vector<1x16xf32> to vector<16xf32>
        %swap3A_370 = arith.index_cast %add3A_338 : i32 to index
        %swap3A_371 = arith.constant 48 : index
        %swap3A_372 = tpu.vector_load %arg11[%swap3A_370, %swap3A_371] {strides = array<i32>} : memref<128x64xf32, #tpu.memory_space<vmem>>, vector<1x16xf32>,
        %swap3A_373 = vector.shape_cast %swap3A_372 : vector<1x16xf32> to vector<16xf32>
        %swap3A_374 = vector.shape_cast %get3A_369 : vector<16xf32> to vector<1x16xf32>
        tpu.vector_store %arg11[%swap3A_370, %swap3A_371], %swap3A_374 {strides = array<i32>} : memref<128x64xf32, #tpu.memory_space<vmem>>, vector<1x16xf32>,
        %mul3A_375 = arith.constant 8 : i32
        %mul3A_376 = arith.muli %scan3A_176, %mul3A_375 : i32
        %add3A_377 = arith.constant 5 : i32
        %add3A_378 = arith.addi %mul3A_376, %add3A_377 : i32
        %get3A_379 = arith.index_cast %add3A_378 : i32 to index
        %get3A_380 = arith.constant 0 : index
        %get3A_381 = tpu.vector_load %arg9[%get3A_379, %get3A_380] {strides = array<i32>} : memref<128x128xf32, #tpu.memory_space<vmem>>, vector<1x16xf32>,
        %get3A_382 = vector.shape_cast %get3A_381 : vector<1x16xf32> to vector<16xf32>
        %swap3A_383 = arith.index_cast %add3A_378 : i32 to index
        %swap3A_384 = arith.constant 0 : index
        %swap3A_385 = tpu.vector_load %arg11[%swap3A_383, %swap3A_384] {strides = array<i32>} : memref<128x64xf32, #tpu.memory_space<vmem>>, vector<1x16xf32>,
        %swap3A_386 = vector.shape_cast %swap3A_385 : vector<1x16xf32> to vector<16xf32>
        %swap3A_387 = vector.shape_cast %get3A_382 : vector<16xf32> to vector<1x16xf32>
        tpu.vector_store %arg11[%swap3A_383, %swap3A_384], %swap3A_387 {strides = array<i32>} : memref<128x64xf32, #tpu.memory_space<vmem>>, vector<1x16xf32>,
        %get3A_388 = arith.index_cast %add3A_378 : i32 to index
        %get3A_389 = arith.constant 16 : index
        %get3A_390 = tpu.vector_load %arg9[%get3A_388, %get3A_389] {strides = array<i32>} : memref<128x128xf32, #tpu.memory_space<vmem>>, vector<1x16xf32>,
        %get3A_391 = vector.shape_cast %get3A_390 : vector<1x16xf32> to vector<16xf32>
        %swap3A_392 = arith.index_cast %add3A_378 : i32 to index
        %swap3A_393 = arith.constant 16 : index
        %swap3A_394 = tpu.vector_load %arg11[%swap3A_392, %swap3A_393] {strides = array<i32>} : memref<128x64xf32, #tpu.memory_space<vmem>>, vector<1x16xf32>,
        %swap3A_395 = vector.shape_cast %swap3A_394 : vector<1x16xf32> to vector<16xf32>
        %swap3A_396 = vector.shape_cast %get3A_391 : vector<16xf32> to vector<1x16xf32>
        tpu.vector_store %arg11[%swap3A_392, %swap3A_393], %swap3A_396 {strides = array<i32>} : memref<128x64xf32, #tpu.memory_space<vmem>>, vector<1x16xf32>,
        %get3A_397 = arith.index_cast %add3A_378 : i32 to index
        %get3A_398 = arith.constant 32 : index
        %get3A_399 = tpu.vector_load %arg9[%get3A_397, %get3A_398] {strides = array<i32>} : memref<128x128xf32, #tpu.memory_space<vmem>>, vector<1x16xf32>,
        %get3A_400 = vector.shape_cast %get3A_399 : vector<1x16xf32> to vector<16xf32>
        %swap3A_401 = arith.index_cast %add3A_378 : i32 to index
        %swap3A_402 = arith.constant 32 : index
        %swap3A_403 = tpu.vector_load %arg11[%swap3A_401, %swap3A_402] {strides = array<i32>} : memref<128x64xf32, #tpu.memory_space<vmem>>, vector<1x16xf32>,
        %swap3A_404 = vector.shape_cast %swap3A_403 : vector<1x16xf32> to vector<16xf32>
        %swap3A_405 = vector.shape_cast %get3A_400 : vector<16xf32> to vector<1x16xf32>
        tpu.vector_store %arg11[%swap3A_401, %swap3A_402], %swap3A_405 {strides = array<i32>} : memref<128x64xf32, #tpu.memory_space<vmem>>, vector<1x16xf32>,
        %get3A_406 = arith.index_cast %add3A_378 : i32 to index
        %get3A_407 = arith.constant 48 : index
        %get3A_408 = tpu.vector_load %arg9[%get3A_406, %get3A_407] {strides = array<i32>} : memref<128x128xf32, #tpu.memory_space<vmem>>, vector<1x16xf32>,
        %get3A_409 = vector.shape_cast %get3A_408 : vector<1x16xf32> to vector<16xf32>
        %swap3A_410 = arith.index_cast %add3A_378 : i32 to index
        %swap3A_411 = arith.constant 48 : index
        %swap3A_412 = tpu.vector_load %arg11[%swap3A_410, %swap3A_411] {strides = array<i32>} : memref<128x64xf32, #tpu.memory_space<vmem>>, vector<1x16xf32>,
        %swap3A_413 = vector.shape_cast %swap3A_412 : vector<1x16xf32> to vector<16xf32>
        %swap3A_414 = vector.shape_cast %get3A_409 : vector<16xf32> to vector<1x16xf32>
        tpu.vector_store %arg11[%swap3A_410, %swap3A_411], %swap3A_414 {strides = array<i32>} : memref<128x64xf32, #tpu.memory_space<vmem>>, vector<1x16xf32>,
        %mul3A_415 = arith.constant 8 : i32
        %mul3A_416 = arith.muli %scan3A_176, %mul3A_415 : i32
        %add3A_417 = arith.constant 6 : i32
        %add3A_418 = arith.addi %mul3A_416, %add3A_417 : i32
        %get3A_419 = arith.index_cast %add3A_418 : i32 to index
        %get3A_420 = arith.constant 0 : index
        %get3A_421 = tpu.vector_load %arg9[%get3A_419, %get3A_420] {strides = array<i32>} : memref<128x128xf32, #tpu.memory_space<vmem>>, vector<1x16xf32>,
        %get3A_422 = vector.shape_cast %get3A_421 : vector<1x16xf32> to vector<16xf32>
        %swap3A_423 = arith.index_cast %add3A_418 : i32 to index
        %swap3A_424 = arith.constant 0 : index
        %swap3A_425 = tpu.vector_load %arg11[%swap3A_423, %swap3A_424] {strides = array<i32>} : memref<128x64xf32, #tpu.memory_space<vmem>>, vector<1x16xf32>,
        %swap3A_426 = vector.shape_cast %swap3A_425 : vector<1x16xf32> to vector<16xf32>
        %swap3A_427 = vector.shape_cast %get3A_422 : vector<16xf32> to vector<1x16xf32>
        tpu.vector_store %arg11[%swap3A_423, %swap3A_424], %swap3A_427 {strides = array<i32>} : memref<128x64xf32, #tpu.memory_space<vmem>>, vector<1x16xf32>,
        %get3A_428 = arith.index_cast %add3A_418 : i32 to index
        %get3A_429 = arith.constant 16 : index
        %get3A_430 = tpu.vector_load %arg9[%get3A_428, %get3A_429] {strides = array<i32>} : memref<128x128xf32, #tpu.memory_space<vmem>>, vector<1x16xf32>,
        %get3A_431 = vector.shape_cast %get3A_430 : vector<1x16xf32> to vector<16xf32>
        %swap3A_432 = arith.index_cast %add3A_418 : i32 to index
        %swap3A_433 = arith.constant 16 : index
        %swap3A_434 = tpu.vector_load %arg11[%swap3A_432, %swap3A_433] {strides = array<i32>} : memref<128x64xf32, #tpu.memory_space<vmem>>, vector<1x16xf32>,
        %swap3A_435 = vector.shape_cast %swap3A_434 : vector<1x16xf32> to vector<16xf32>
        %swap3A_436 = vector.shape_cast %get3A_431 : vector<16xf32> to vector<1x16xf32>
        tpu.vector_store %arg11[%swap3A_432, %swap3A_433], %swap3A_436 {strides = array<i32>} : memref<128x64xf32, #tpu.memory_space<vmem>>, vector<1x16xf32>,
        %get3A_437 = arith.index_cast %add3A_418 : i32 to index
        %get3A_438 = arith.constant 32 : index
        %get3A_439 = tpu.vector_load %arg9[%get3A_437, %get3A_438] {strides = array<i32>} : memref<128x128xf32, #tpu.memory_space<vmem>>, vector<1x16xf32>,
        %get3A_440 = vector.shape_cast %get3A_439 : vector<1x16xf32> to vector<16xf32>
        %swap3A_441 = arith.index_cast %add3A_418 : i32 to index
        %swap3A_442 = arith.constant 32 : index
        %swap3A_443 = tpu.vector_load %arg11[%swap3A_441, %swap3A_442] {strides = array<i32>} : memref<128x64xf32, #tpu.memory_space<vmem>>, vector<1x16xf32>,
        %swap3A_444 = vector.shape_cast %swap3A_443 : vector<1x16xf32> to vector<16xf32>
        %swap3A_445 = vector.shape_cast %get3A_440 : vector<16xf32> to vector<1x16xf32>
        tpu.vector_store %arg11[%swap3A_441, %swap3A_442], %swap3A_445 {strides = array<i32>} : memref<128x64xf32, #tpu.memory_space<vmem>>, vector<1x16xf32>,
        %get3A_446 = arith.index_cast %add3A_418 : i32 to index
        %get3A_447 = arith.constant 48 : index
        %get3A_448 = tpu.vector_load %arg9[%get3A_446, %get3A_447] {strides = array<i32>} : memref<128x128xf32, #tpu.memory_space<vmem>>, vector<1x16xf32>,
        %get3A_449 = vector.shape_cast %get3A_448 : vector<1x16xf32> to vector<16xf32>
        %swap3A_450 = arith.index_cast %add3A_418 : i32 to index
        %swap3A_451 = arith.constant 48 : index
        %swap3A_452 = tpu.vector_load %arg11[%swap3A_450, %swap3A_451] {strides = array<i32>} : memref<128x64xf32, #tpu.memory_space<vmem>>, vector<1x16xf32>,
        %swap3A_453 = vector.shape_cast %swap3A_452 : vector<1x16xf32> to vector<16xf32>
        %swap3A_454 = vector.shape_cast %get3A_449 : vector<16xf32> to vector<1x16xf32>
        tpu.vector_store %arg11[%swap3A_450, %swap3A_451], %swap3A_454 {strides = array<i32>} : memref<128x64xf32, #tpu.memory_space<vmem>>, vector<1x16xf32>,
        %mul3A_455 = arith.constant 8 : i32
        %mul3A_456 = arith.muli %scan3A_176, %mul3A_455 : i32
        %add3A_457 = arith.constant 7 : i32
        %add3A_458 = arith.addi %mul3A_456, %add3A_457 : i32
        %get3A_459 = arith.index_cast %add3A_458 : i32 to index
        %get3A_460 = arith.constant 0 : index
        %get3A_461 = tpu.vector_load %arg9[%get3A_459, %get3A_460] {strides = array<i32>} : memref<128x128xf32, #tpu.memory_space<vmem>>, vector<1x16xf32>,
        %get3A_462 = vector.shape_cast %get3A_461 : vector<1x16xf32> to vector<16xf32>
        %swap3A_463 = arith.index_cast %add3A_458 : i32 to index
        %swap3A_464 = arith.constant 0 : index
        %swap3A_465 = tpu.vector_load %arg11[%swap3A_463, %swap3A_464] {strides = array<i32>} : memref<128x64xf32, #tpu.memory_space<vmem>>, vector<1x16xf32>,
        %swap3A_466 = vector.shape_cast %swap3A_465 : vector<1x16xf32> to vector<16xf32>
        %swap3A_467 = vector.shape_cast %get3A_462 : vector<16xf32> to vector<1x16xf32>
        tpu.vector_store %arg11[%swap3A_463, %swap3A_464], %swap3A_467 {strides = array<i32>} : memref<128x64xf32, #tpu.memory_space<vmem>>, vector<1x16xf32>,
        %get3A_468 = arith.index_cast %add3A_458 : i32 to index
        %get3A_469 = arith.constant 16 : index
        %get3A_470 = tpu.vector_load %arg9[%get3A_468, %get3A_469] {strides = array<i32>} : memref<128x128xf32, #tpu.memory_space<vmem>>, vector<1x16xf32>,
        %get3A_471 = vector.shape_cast %get3A_470 : vector<1x16xf32> to vector<16xf32>
        %swap3A_472 = arith.index_cast %add3A_458 : i32 to index
        %swap3A_473 = arith.constant 16 : index
        %swap3A_474 = tpu.vector_load %arg11[%swap3A_472, %swap3A_473] {strides = array<i32>} : memref<128x64xf32, #tpu.memory_space<vmem>>, vector<1x16xf32>,
        %swap3A_475 = vector.shape_cast %swap3A_474 : vector<1x16xf32> to vector<16xf32>
        %swap3A_476 = vector.shape_cast %get3A_471 : vector<16xf32> to vector<1x16xf32>
        tpu.vector_store %arg11[%swap3A_472, %swap3A_473], %swap3A_476 {strides = array<i32>} : memref<128x64xf32, #tpu.memory_space<vmem>>, vector<1x16xf32>,
        %get3A_477 = arith.index_cast %add3A_458 : i32 to index
        %get3A_478 = arith.constant 32 : index
        %get3A_479 = tpu.vector_load %arg9[%get3A_477, %get3A_478] {strides = array<i32>} : memref<128x128xf32, #tpu.memory_space<vmem>>, vector<1x16xf32>,
        %get3A_480 = vector.shape_cast %get3A_479 : vector<1x16xf32> to vector<16xf32>
        %swap3A_481 = arith.index_cast %add3A_458 : i32 to index
        %swap3A_482 = arith.constant 32 : index
        %swap3A_483 = tpu.vector_load %arg11[%swap3A_481, %swap3A_482] {strides = array<i32>} : memref<128x64xf32, #tpu.memory_space<vmem>>, vector<1x16xf32>,
        %swap3A_484 = vector.shape_cast %swap3A_483 : vector<1x16xf32> to vector<16xf32>
        %swap3A_485 = vector.shape_cast %get3A_480 : vector<16xf32> to vector<1x16xf32>
        tpu.vector_store %arg11[%swap3A_481, %swap3A_482], %swap3A_485 {strides = array<i32>} : memref<128x64xf32, #tpu.memory_space<vmem>>, vector<1x16xf32>,
        %get3A_486 = arith.index_cast %add3A_458 : i32 to index
        %get3A_487 = arith.constant 48 : index
        %get3A_488 = tpu.vector_load %arg9[%get3A_486, %get3A_487] {strides = array<i32>} : memref<128x128xf32, #tpu.memory_space<vmem>>, vector<1x16xf32>,
        %get3A_489 = vector.shape_cast %get3A_488 : vector<1x16xf32> to vector<16xf32>
        %swap3A_490 = arith.index_cast %add3A_458 : i32 to index
        %swap3A_491 = arith.constant 48 : index
        %swap3A_492 = tpu.vector_load %arg11[%swap3A_490, %swap3A_491] {strides = array<i32>} : memref<128x64xf32, #tpu.memory_space<vmem>>, vector<1x16xf32>,
        %swap3A_493 = vector.shape_cast %swap3A_492 : vector<1x16xf32> to vector<16xf32>
        %swap3A_494 = vector.shape_cast %get3A_489 : vector<16xf32> to vector<1x16xf32>
        tpu.vector_store %arg11[%swap3A_490, %swap3A_491], %swap3A_494 {strides = array<i32>} : memref<128x64xf32, #tpu.memory_space<vmem>>, vector<1x16xf32>,
      }
      %scan3A_168 = arith.constant 16 : i32
      %mul3A_169 = arith.constant 4096 : i32
      %mul3A_170 = arith.muli %add3A_144, %mul3A_169 : i32
      %add3A_171 = arith.addi %mul3A_170, %mul3A_2 : i32
      %dma_start3A_172 = arith.constant 0 : i32
      %dma_start3A_173 = tpu.memref_slice %arg4[%add3A_171, %dma_start3A_172] : memref<819200x64xf32, #tpu.memory_space<hbm>> -> memref<128x64xf32, #tpu.memory_space<hbm>>
      %dma_start3A_174 = arith.constant 0 : i32
      %dma_start3A_175 = tpu.memref_slice %arg4[%add3A_171, %dma_start3A_174] : memref<819200x64xf32, #tpu.memory_space<hbm>> -> memref<128x64xf32, #tpu.memory_space<hbm>>
      tpu.enqueue_dma source(%arg11 : memref<128x64xf32, #tpu.memory_space<vmem>>) target(%dma_start3A_175 : memref<128x64xf32, #tpu.memory_space<hbm>>) target_semaphore(%arg17 : memref<!tpu.dma_semaphore, #tpu.memory_space<semaphore_mem>>)
    }
    %scan3A_27 = arith.constant 50 : i32
    %add3A_28 = arith.constant 811008 : i32
    %add3A_29 = arith.addi %add3A_28, %mul3A_2 : i32
    %dma_wait3A = arith.constant 0 : i32
    %dma_wait3A_30 = tpu.memref_slice %arg4[%add3A_29, %dma_wait3A] : memref<819200x64xf32, #tpu.memory_space<hbm>> -> memref<128x64xf32, #tpu.memory_space<hbm>>
    %dma_wait3A_31 = arith.constant 0 : i32
    %dma_wait3A_32 = tpu.memref_slice %arg4[%add3A_29, %dma_wait3A_31] : memref<819200x64xf32, #tpu.memory_space<hbm>> -> memref<128x64xf32, #tpu.memory_space<hbm>>
    tpu.wait_dma2 semaphore(%arg16 : memref<!tpu.dma_semaphore, #tpu.memory_space<semaphore_mem>>) src(%arg10 : memref<128x64xf32, #tpu.memory_space<vmem>>) dst(%dma_wait3A_32 : memref<128x64xf32, #tpu.memory_space<hbm>>)
    %add3A_33 = arith.constant 815104 : i32
    %add3A_34 = arith.addi %add3A_33, %mul3A_2 : i32
    %dma_wait3A_35 = arith.constant 0 : i32
    %dma_wait3A_36 = tpu.memref_slice %arg4[%add3A_34, %dma_wait3A_35] : memref<819200x64xf32, #tpu.memory_space<hbm>> -> memref<128x64xf32, #tpu.memory_space<hbm>>
    %dma_wait3A_37 = arith.constant 0 : i32
    %dma_wait3A_38 = tpu.memref_slice %arg4[%add3A_34, %dma_wait3A_37] : memref<819200x64xf32, #tpu.memory_space<hbm>> -> memref<128x64xf32, #tpu.memory_space<hbm>>
    tpu.wait_dma2 semaphore(%arg17 : memref<!tpu.dma_semaphore, #tpu.memory_space<semaphore_mem>>) src(%arg11 : memref<128x64xf32, #tpu.memory_space<vmem>>) dst(%dma_wait3A_38 : memref<128x64xf32, #tpu.memory_space<hbm>>)
    return
  }
}

</mosaic_0001>

<sc_bundles>
// kernel: kernel.3.cloned.1.call-start
scs
__scs_entry_jumppad:
0x0: {  	(pc) =	sbr.rel $0x88, $3  }
0x1: {  	(tag) =	ssettag $0x0;
	lr =	simm.s32 $0x1  }
0x2: {  	[smem:$0x3F9F] =	sst lr;
	_ =	strace $0xD0000000  }
0x3: {  	_ = 	snop  }
0x4: {  	_ = 	snop  }
0x5: {  	_ = 	snop  }
0x6: {  	_ = 	snop  }
0x7: {  	_ = 	snop  }
__scs_overlays_trampoline_lowered:
0x8: {  	[smem:$0x3FAE] =	sst s0  }
0x9: {  	[smem:$0x3FAF] =	sst s1  }
0xa: {  	[smem:$0x3FB0] =	sst s2  }
0xb: {  	[smem:$0x3FB1] =	sst s3  }
0xc: {  	[smem:$0x3FB2] =	sst s4  }
0xd: {  	[smem:$0x3FB3] =	sst s5  }
0xe: {  	[smem:$0x3FB4] =	sst s6  }
0xf: {  	[smem:$0x3FB5] =	sst s7  }
0x10: {  	[smem:$0x3FB6] =	sst s8  }
0x11: {  	[smem:$0x3FB7] =	sst s9;
	s0 =	simm.s32 @!p0 $0x0  }
0x12: {  	s1 =	sld [smem:$0x3F9D];
	s0 =	simm.s32 @p0 $0x1  }
0x13: {  	[smem:$0x3FB8] =	sst s0;
	s0 =	simm.s32 @!p1 $0x0  }
0x14: {  	s2 =	sld [smem:$0x3F9C];
	s0 =	simm.s32 @p1 $0x1  }
0x15: {  	[smem:$0x3FB9] =	sst s0;
	s0 =	simm.s32 @!p2 $0x0  }
0x16: {  	s3 =	sld [smem:$0x3FDB];
	s0 =	simm.s32 @p2 $0x1  }
0x17: {  	s4 =	simm.s32 $0x1BF5;
	[smem:$0x3FBB] =	sst s0  }
0x18: {  	s0 =	sld [smem:$0x3F9E];
	_ =	swait.ge [sflag:s4], $0x0  }
0x19: {  	s7 =	sld [smem:$0x3F9F]  }
0x1a: {  	s8 =	sadd.s32 $0xFFFFE003, lr  }
0x1b: {  	s9 =	sadd.s32 $0xFFFFFEF7, lr;
	s5 =	simm.s32 $0xFFFFFFFF;
	p2 =	slt.u32 s8, $0xFFFFF086  }
0x1c: {  	p1 =	slt.u32 s9, $0xF7A;
	s5 =	simm.s32 @!p2 $0x0  }
0x1d: {  	s5 =	simm.s32 @p1 $0x1;
	p0 =	seq.s32 s7, s2  }
0x1e: {  	s7 =	smul.u32 @!p0 $0xF7A, s2;
	p2 =	seq.s32 @!p0 s5, $0x0  }
0x1f: {  	s9 =	smul.u32 $0xF7A, s1;
	s8 =	simm.s32 @!p0 $0x1BF5;
	p2 =	por !p2, p0  }
0x20: {  	[sflag:s8] =	ssyncset.s32 @!p0 $0xFFFFF086;
	s6 =	sadd.s32 @!p0 s3, s7;
	s7 =	simm.s32 @!p0 $0x108  }
0x21: {  	s3 =	sadd.s32 s3, s9;
	s6 =	sadd.s32 @!p0 $0x88, s6;
	s7 =	simm.s32 @p2 $0x1082  }
0x22: {  	[simem:s7], [sflag:s8] =	dma.local @!p0 [hbm:s6], $0xF7A  }
0x23: {  	s9 =	sor.u32 $0xD0000000, s2;
	s6 =	simm.s32 $0x108;
	_ =	swait.ge @!p0 [sflag:s8], $0x0  }
0x24: {  	s3 =	sadd.s32 $0x88, s3;
	s6 =	simm.s32 @!p1 $0x1082;
	[sflag:s4] =	ssyncset.s32 $0xFFFFF086  }
0x25: {  	[simem:s6], [sflag:s4] =	dma.local [hbm:s3], $0xF7A  }
0x26: {  	[smem:$0x3F9F] =	sst s1;
	(tag) =	ssettag s2;
	_ =	strace s9  }
0x27: {  	s1 =	sld [smem:$0x3FAF]  }
0x28: {  	s2 =	sld [smem:$0x3FB0]  }
0x29: {  	s4 =	sld [smem:$0x3FB2]  }
0x2a: {  	p0 =	seq.s32 s5, $0x0;
	s5 =	sld [smem:$0x3FB3]  }
0x2b: {  	s6 =	sld [smem:$0x3FB4]  }
0x2c: {  	s7 =	sld [smem:$0x3FB5]  }
0x2d: {  	s3 =	simm.s32 $0x108;
	s8 =	sld [smem:$0x3FB6]  }
0x2e: {  	s3 =	simm.s32 @!p0 $0x1082;
	s9 =	sld [smem:$0x3FB7]  }
0x2f: {  	lr =	sadd.s32 s0, s3;
	s0 =	sld [smem:$0x3FAE]  }
0x30: {  	s3 =	sld [smem:$0x3FB1]  }
0x31: {  	[smem:$0x3FBA] =	sst s10  }
0x32: {  	s10 =	sld [smem:$0x3FB8];
	_ =	sdelay $0x3  }
0x33: {  	p0 =	seq.s32 s10, $0x1;
	s10 =	sld [smem:$0x3FBA];
	_ =	sdelay $0x3  }
0x34: {  	[smem:$0x3FBA] =	sst s10  }
0x35: {  	s10 =	sld [smem:$0x3FB9];
	_ =	sdelay $0x3  }
0x36: {  	p1 =	seq.s32 s10, $0x1;
	s10 =	sld [smem:$0x3FBA];
	_ =	sdelay $0x3  }
0x37: {  	[smem:$0x3FBA] =	sst s10  }
0x38: {  	s10 =	sld [smem:$0x3FBB]  }
0x39: {  	_ = 	snop;
	(pc) =	sbr.ind lr, $3  }
0x3a: {  	_ = 	snop  }
0x3b: {  	_ = 	snop  }
0x3c: {  	p2 =	seq.s32 s10, $0x1;
	s10 =	sld [smem:$0x3FBA]  }
0x3d: {  	_ =	shalt  }
0x3e: {  	_ =	shalt  }
0x3f: {  	_ =	shalt  }
0x40: {  	_ =	shalt  }
0x41: {  	_ =	shalt  }
0x42: {  	_ =	shalt  }
0x43: {  	_ =	shalt  }
0x44: {  	_ =	shalt  }
0x45: {  	_ =	shalt  }
0x46: {  	_ =	shalt  }
0x47: {  	_ =	shalt  }
0x48: {  	_ =	shalt  }
0x49: {  	_ =	shalt  }
0x4a: {  	_ =	shalt  }
0x4b: {  	_ =	shalt  }
0x4c: {  	_ =	shalt  }
0x4d: {  	_ =	shalt  }
0x4e: {  	_ =	shalt  }
0x4f: {  	_ =	shalt  }
0x50: {  	_ =	shalt  }
0x51: {  	_ =	shalt  }
0x52: {  	_ =	shalt  }
0x53: {  	_ =	shalt  }
0x54: {  	_ =	shalt  }
0x55: {  	_ =	shalt  }
0x56: {  	_ =	shalt  }
0x57: {  	_ =	shalt  }
0x58: {  	_ =	shalt  }
0x59: {  	_ =	shalt  }
0x5a: {  	_ =	shalt  }
0x5b: {  	_ =	shalt  }
0x5c: {  	_ =	shalt  }
0x5d: {  	_ =	shalt  }
0x5e: {  	_ =	shalt  }
0x5f: {  	_ =	shalt  }
0x60: {  	_ =	shalt  }
0x61: {  	_ =	shalt  }
0x62: {  	_ =	shalt  }
0x63: {  	_ =	shalt  }
0x64: {  	_ =	shalt  }
0x65: {  	_ =	shalt  }
0x66: {  	_ =	shalt  }
0x67: {  	_ =	shalt  }
0x68: {  	_ =	shalt  }
0x69: {  	_ =	shalt  }
0x6a: {  	_ =	shalt  }
0x6b: {  	_ =	shalt  }
0x6c: {  	_ =	shalt  }
0x6d: {  	_ =	shalt  }
0x6e: {  	_ =	shalt  }
0x6f: {  	_ =	shalt  }
0x70: {  	_ =	shalt  }
0x71: {  	_ =	shalt  }
0x72: {  	_ =	shalt  }
0x73: {  	_ =	shalt  }
0x74: {  	_ =	shalt  }
0x75: {  	_ =	shalt  }
0x76: {  	_ =	shalt  }
0x77: {  	_ =	shalt  }
0x78: {  	_ =	shalt  }
0x79: {  	_ =	shalt  }
0x7a: {  	_ =	shalt  }
0x7b: {  	_ =	shalt  }
0x7c: {  	_ =	shalt  }
0x7d: {  	_ =	shalt  }
0x7e: {  	_ =	shalt  }
0x7f: {  	_ =	shalt  }
0x80: {  	_ =	shalt  }
0x81: {  	_ =	shalt  }
0x82: {  	_ =	shalt  }
0x83: {  	_ =	shalt  }
0x84: {  	_ =	shalt  }
0x85: {  	_ =	shalt  }
0x86: {  	_ =	shalt  }
0x87: {  	_ =	shalt  }
.Lfunc_end0:
.L_simem_size_0:
called_computation.1_lowered:
.L_overlay_start_0:
0x88: {  	s2 =	sld [smem:$0x3FD9]  }
0x89: {  	s3 =	sld [smem:$0x3FFE];
	_ =	sdelay $0x1  }
0x8a: {  	s1 =	srdreg.scid  }
0x8b: {  	s0 =	sand.u32 $0x1, s1  }
0x8c: {  	s17 =	sshll.u32 s0, $0xA;
	s2 =	sadd.s32 s3, s2  }
0x8d: {  	s2 =	sadd.s32 s2, s17  }
0x8e: {  	[smem:$0x3FC6] =	sst s2  }
0x8f: {  	_ = 	snop  }
0x90: {  	s2 =	sld [smem:$0x3FC9];
	(tm) =	ssettm $0x1  }
0x91: {  	s18 =	sld [smem:$0x3FFB];
	_ =	sdelay $0x3  }
0x92: {  	_ =	strace s18  }
0x93: {  	s3 =	sld [smem:$0x3FFC];
	_ =	sdelay $0x3  }
0x94: {  	_ =	strace s3  }
0x95: {  	s3 =	sld [smem:$0x3FFD];
	_ =	sdelay $0x3  }
0x96: {  	_ =	strace s3  }
0x97: {  	_ =	strace $0x8FFFFFFF  }
0x98: {  	s19 =	sld [smem:$0x3FDB];
	_ =	sdelay $0x1  }
0x99: {  	s4 =	simm.s32 $_scs_section_size  }
0x9a: {  	s5 =	simm.s32 $_size__tile_overlayer_lowered;
	s6 =	simm.s32 $_tile_overlayer_lowered  }
0x9b: {  	s22 =	simm.s32 $0x1BFF;
	s21 =	sshll.u32 s6, $0x1;
	s3 =	sadd.s32 s4, s19  }
0x9c: {  	s7 =	simm.s32 $0x0;
	s20 =	sshll.u32 s5, $0x1;
	s5 =	sadd.s32 s21, s3  }
0x9d: {  	[timem:s7], [sflag:s22] =	dma.local [hbm:s5], s20  }
0x9e: {  	_ =	swait.ge [sflag:s22], s20  }
0x9f: {  	s4 =	ssub.s32 $0x0, s20;
	[sflag:s22] =	ssyncset.done $0x0  }
0xa0: {  	[sflag:s22] =	ssyncadd.s32 s4;
	_ =	sdelay $0x1  }
0xa1: {  	s23 =	simm.s32 $0x1B8B  }
0xa2: {  	_ =	swait.ge [sflag:s23], $0x1  }
0xa3: {  	[sflag:s23] =	ssyncset.done $0x0  }
0xa4: {  	s25 =	simm.s32 $0x1B8E;
	s24 =	sld [smem:$0x3FFE];
	[sflag:s23] =	ssyncadd.s32 $0xFFFFFFFF  }
0xa5: {  	s26 =	simm.s32 $execute0_lowered;
	[smem:$0x3FD2] =	sst s25  }
0xa6: {  	s5 =	sshll.u32 s26, $0x1;
	_ =	strace $0x80000046;
	[dreg:$0x1] =	wrdreg $0xFFFFFFFF  }
0xa7: {  	s28 =	simm.s32 $_size_execute0_lowered;
	s3 =	sadd.s32 s3, s5;
	[dreg:$0x0] =	wrdreg $0x0  }
0xa8: {  	s5 =	sshll.u32 s28, $0x1;
	[dreg:$0x2] =	wrdreg s3  }
0xa9: {  	[dreg:$0x3] =	wrdreg s5  }
0xaa: {  	[dreg:$0x4] =	wrdreg $0xC0  }
0xab: {  	_ =	task [dreg:s7], $0x5FFFF  }
0xac: {  	[dreg:$0x1] =	wrdreg $0xFFFFFFFF  }
0xad: {  	[dreg:$0x0] =	wrdreg $0x60  }
0xae: {  	[dreg:$0x2] =	wrdreg s2  }
0xaf: {  	[dreg:$0x3] =	wrdreg s24  }
0xb0: {  	[dreg:$0x4] =	wrdreg $0x9  }
0xb1: {  	_ =	task.clear_ibuf [dreg:s7], $0x5FFFF;
	_ =	strace $0x90000046  }
0xb2: {  	s29 =	simm.s32 $0x9;
	_ =	strace $0x80000048  }
0xb3: {  	_ =	swait.ge [sflag:s29], $0x1  }
0xb4: {  	[sflag:s29] =	ssyncadd.s32 $0xFFFFFFFF  }
0xb5: {  	_ =	strace $0x90000048  }
0xb6: {  	_ =	sfence  }
0xb7: {  	s30 =	sld [smem:$0x0];
	_ =	sdelay $0x2  }
0xb8: {  	s31 =	sshll.u32 s1, $0xD;
	s1 =	sshrl.u32 s1, $0x2  }
0xb9: {  	s3 =	sand.u32 $0x4000, s31;
	s1 =	sadd.s32 s1, s30  }
0xba: {  	s0 =	sor.u32 s3, s0;
	s1 =	sshll.u32 s1, $0x11  }
0xbb: {  	s0 =	sor.u32 s1, s0  }
0xbc: {  	s0 =	sadd.s32 $0x8F2B, s0  }
0xbd: {  	[sflag:s0] =	ssyncadd.remote.s32 $0x1  }
0xbe: {  	_ =	sfence.sel $0xFFFF  }
0xbf: {  	[dreg:$0x0] =	wrdreg $0xFFFFFFFF;
	(pc) =	sbr.abs _section_cstart, $3  }
0xc0: {  	[dreg:$0x1] =	wrdreg $0xFFFFFFFF  }
0xc1: {  	_ =	task.clear_ibuf [dreg:s7], $0x2FFFF;
	_ =	strace $0x9FFFFFFF  }
0xc2: {  	(tm) =	ssettm $0x7FFFFFFF  }
0xc3: {  	_ =	shalt  }
tec
execute0_lowered:
.L_overlay_start_1:
0x0: {  	(tag) =	ssettag $0x1  }
0x1: {  	s0 =	rddreg [dreg:$0x0]  }
0x2: {  	s2 =	rddreg [dreg:$0x1];
	s1 =	simm.s32 $0x0;
	s3 =	srdreg.scid  }
0x3: {  	s7 =	stileid.u32;
	s13 =	simm.s32 $0x7;
	s14 =	simm.s32 $0x80  }
0x4: {  	s15 =	simm.s32 $0x6400;
	s17 =	simm.s32 $0x100;
	s18 =	simm.s32 $0xE400  }
0x5: {  	s19 =	simm.s32 $0x12400;
	s20 =	simm.s32 $0x1;
	s21 =	simm.s32 $0x16400  }
0x6: {  	s22 =	simm.s32 $0x2;
	s23 =	simm.s32 $0x6;
	s24 =	simm.s32 $0x1A400  }
0x7: {  	s25 =	simm.s32 $0x3;
	s26 =	simm.s32 $0x5;
	s28 =	simm.s32 $0x4  }
0x8: {  	s29 =	simm.s32 $0x0;
	[smem:$0x7FF] =	sst s1;
	s4 =	sand.u32 $0x1, s3  }
0x9: {  	s3 =	sadd.s32 $0xF42800, s2;
	s7 =	sshll.u32 s7, $0x8;
	_ =	strace $0x80000047  }
0xa: {  	s5 =	ssub.s32 $0x2, s4;
	s8 =	sshll.u32 s4, $0x7;
	s4 =	sadd.s32 $0x400, s2  }
0xb: {  	s6 =	sshrl.u32 s5, $0x1;
	s31 =	sor.u32 s8, s7;
	s7 =	sadd.s32 $0x10400, s2  }
0xc: {  	s8 =	sadd.s32 $0x20400, s2;
	s10 =	ssub.s32 s5, s6;
	s6 =	sshll.u32 s31, $0x4  }
0xd: {  	s5 =	sadd.s32 s0, s31;
	s9 =	sadd.s32 s4, s6;
	s10 =	smax.u32 s10, $0x1  }
.LBB2_1:
0xe: {  	s0 =	simm.s32 $0x400;
	s2 =	simm.s32 $0x8000  }
0xf: {  	[tilespmem:s1], [sflag:$0x7] =	stream.strided.gather [hbm4b:s5+s0], $0x6400, s2, s0, $0x38;
	[tilespmem:$0x1E400] =	vst v63  }
0x10: {  	_ =	swait.ge [sflag:s13], $0x6400  }
0x11: {  	[sflag:s13] =	ssyncset.done $0x0  }
0x12: {  	[sflag:s13] =	ssyncadd.s32 $0xFFFF9C00  }
0x13: {  	[tilespmem:s15], [sflag:$0x1] =	stream.indirect.gather [hbm4b:s3+s14], $0x80, s1, s14, $0xb8;
	[tilespmem:$0x1E400] =	vst v63  }
0x14: {  	s31 =	simm.s32 $0xA400  }
0x15: {  	[tilespmem:s31], [sflag:$0x2] =	stream.indirect.gather [hbm4b:s3+s14], $0x80, s14, s14, $0xb8;
	[tilespmem:$0x1E400] =	vst v63  }
0x16: {  	s30 =	simm.s32 $0x0  }
0x17: {  	[tilespmem:s18], [sflag:$0x3] =	stream.indirect.gather [hbm4b:s3+s14], $0x80, s17, s14, $0xb8;
	[tilespmem:$0x1E400] =	vst v63  }
.LBB2_2:
0x18: {  	s31 =	sshllo.u32 s30, $0x2  }
0x19: {  	s0 =	sshll.u32 s31, $0x7  }
0x1a: {  	s0 =	sand.u32 $0x3FFFFF80, s0  }
0x1b: {  	[tilespmem:s19], [sflag:$0x4] =	stream.indirect.gather [hbm4b:s3+s14], $0x80, s0, s14, $0xb8;
	[tilespmem:$0x1E400] =	vst v63  }
0x1c: {  	_ =	swait.ge [sflag:s20], $0x4000  }
0x1d: {  	p0 =	seq.s32 s30, $0x0;
	[sflag:s20] =	ssyncset.done $0x0  }
0x1e: {  	s0 =	simm.s32 @!p0 $0x5;
	[sflag:s20] =	ssyncadd.s32 $0xFFFFC000  }
0x1f: {  	_ =	swait.ge @!p0 [sflag:s0], $0x4000  }
0x20: {  	[sflag:s0] =	ssyncset.done @!p0 $0x0  }
0x21: {  	[sflag:s0] =	ssyncadd.s32 @!p0 $0xFFFFC000;
	s0 =	simm.s32 $0x0  }
0x22: {  	v0 =	vld [tilespmem:s0+$0x67B0]  }
0x23: {  	v1 =	vld [tilespmem:s0+$0x6400]  }
0x24: {  	v2 =	vld [tilespmem:s0+$0x6410]  }
0x25: {  	v3 =	vld [tilespmem:s0+$0x6420]  }
0x26: {  	v4 =	vld [tilespmem:s0+$0x6430]  }
0x27: {  	v5 =	vld [tilespmem:s0+$0x6480];
	[tilespmem:s0+$0x167B0] =	vst v0  }
0x28: {  	[tilespmem:s0+$0x16400] =	vst v1;
	v0 =	vld [tilespmem:s0+$0x6490]  }
0x29: {  	[tilespmem:s0+$0x16410] =	vst v2;
	v1 =	vld [tilespmem:s0+$0x64A0]  }
0x2a: {  	[tilespmem:s0+$0x16420] =	vst v3;
	v2 =	vld [tilespmem:s0+$0x64B0]  }
0x2b: {  	[tilespmem:s0+$0x16430] =	vst v4;
	v3 =	vld [tilespmem:s0+$0x6500]  }
0x2c: {  	[tilespmem:s0+$0x16480] =	vst v5;
	v4 =	vld [tilespmem:s0+$0x6510]  }
0x2d: {  	v5 =	vld [tilespmem:s0+$0x6710];
	[tilespmem:s0+$0x16490] =	vst v0  }
0x2e: {  	v0 =	vld [tilespmem:s0+$0x6520];
	[tilespmem:s0+$0x164A0] =	vst v1  }
0x2f: {  	v1 =	vld [tilespmem:s0+$0x6530];
	[tilespmem:s0+$0x164B0] =	vst v2  }
0x30: {  	v2 =	vld [tilespmem:s0+$0x6580];
	[tilespmem:s0+$0x16500] =	vst v3  }
0x31: {  	v3 =	vld [tilespmem:s0+$0x6590];
	[tilespmem:s0+$0x16510] =	vst v4  }
0x32: {  	v4 =	vld [tilespmem:s0+$0x65A0];
	[tilespmem:s0+$0x16710] =	vst v5  }
0x33: {  	[tilespmem:s0+$0x16520] =	vst v0;
	v0 =	vld [tilespmem:s0+$0x65B0]  }
0x34: {  	[tilespmem:s0+$0x16530] =	vst v1;
	v1 =	vld [tilespmem:s0+$0x6600]  }
0x35: {  	[tilespmem:s0+$0x16580] =	vst v2;
	v2 =	vld [tilespmem:s0+$0x6610]  }
0x36: {  	[tilespmem:s0+$0x16590] =	vst v3;
	v3 =	vld [tilespmem:s0+$0x6620]  }
0x37: {  	[tilespmem:s0+$0x165A0] =	vst v4;
	v4 =	vld [tilespmem:s0+$0x6630]  }
0x38: {  	[tilespmem:s0+$0x165B0] =	vst v0;
	v0 =	vld [tilespmem:s0+$0x6680]  }
0x39: {  	[tilespmem:s0+$0x16600] =	vst v1;
	v1 =	vld [tilespmem:s0+$0x6690]  }
0x3a: {  	[tilespmem:s0+$0x16610] =	vst v2;
	v2 =	vld [tilespmem:s0+$0x66A0]  }
0x3b: {  	[tilespmem:s0+$0x16620] =	vst v3;
	v3 =	vld [tilespmem:s0+$0x66B0]  }
0x3c: {  	[tilespmem:s0+$0x16630] =	vst v4;
	v4 =	vld [tilespmem:s0+$0x6700]  }
0x3d: {  	[tilespmem:s0+$0x16680] =	vst v0;
	v0 =	vld [tilespmem:s0+$0x6720]  }
0x3e: {  	[tilespmem:s0+$0x16690] =	vst v1;
	v1 =	vld [tilespmem:s0+$0x6730]  }
0x3f: {  	[tilespmem:s0+$0x166A0] =	vst v2;
	v2 =	vld [tilespmem:s0+$0x6780]  }
0x40: {  	[tilespmem:s0+$0x166B0] =	vst v3;
	v3 =	vld [tilespmem:s0+$0x6790]  }
0x41: {  	s11 =	simm.s32 $0x400;
	s2 =	simm.s32 $0x2000;
	[tilespmem:s0+$0x16700] =	vst v4;
	v4 =	vld [tilespmem:s0+$0x67A0]  }
.LBB2_3:
0x42: {  	p1 =	sne.s32 s2, $0xF000;
	v5 =	vld [tilespmem:s11+$0x67B0];
	[tilespmem:s0+$0x16720] =	vst v0  }
0x43: {  	v0 =	vld [tilespmem:s11+$0x6400];
	[tilespmem:s0+$0x16730] =	vst v1  }
0x44: {  	v1 =	vld [tilespmem:s11+$0x6410];
	[tilespmem:s0+$0x16780] =	vst v2  }
0x45: {  	v2 =	vld [tilespmem:s11+$0x6420];
	[tilespmem:s0+$0x16790] =	vst v3  }
0x46: {  	v3 =	vld [tilespmem:s11+$0x6430];
	[tilespmem:s0+$0x167A0] =	vst v4;
	s0 =	smov.u32 s11  }
0x47: {  	v4 =	vld [tilespmem:s0+$0x6480];
	[tilespmem:s0+$0x167B0] =	vst v5  }
0x48: {  	[tilespmem:s0+$0x16400] =	vst v0;
	v0 =	vld [tilespmem:s0+$0x6490]  }
0x49: {  	[tilespmem:s0+$0x16410] =	vst v1;
	v1 =	vld [tilespmem:s0+$0x64A0]  }
0x4a: {  	[tilespmem:s0+$0x16420] =	vst v2;
	v2 =	vld [tilespmem:s0+$0x64B0]  }
0x4b: {  	[tilespmem:s0+$0x16430] =	vst v3;
	v3 =	vld [tilespmem:s0+$0x6500]  }
0x4c: {  	[tilespmem:s0+$0x16480] =	vst v4;
	v4 =	vld [tilespmem:s0+$0x6510]  }
0x4d: {  	[tilespmem:s0+$0x16490] =	vst v0;
	v0 =	vld [tilespmem:s0+$0x6520]  }
0x4e: {  	[tilespmem:s0+$0x164A0] =	vst v1;
	v1 =	vld [tilespmem:s0+$0x6530]  }
0x4f: {  	[tilespmem:s0+$0x164B0] =	vst v2;
	v2 =	vld [tilespmem:s0+$0x6580]  }
0x50: {  	[tilespmem:s0+$0x16500] =	vst v3;
	v3 =	vld [tilespmem:s0+$0x6590]  }
0x51: {  	[tilespmem:s0+$0x16510] =	vst v4;
	v4 =	vld [tilespmem:s0+$0x65A0]  }
0x52: {  	[tilespmem:s0+$0x16520] =	vst v0;
	v0 =	vld [tilespmem:s0+$0x65B0]  }
0x53: {  	[tilespmem:s0+$0x16530] =	vst v1;
	v1 =	vld [tilespmem:s0+$0x6600]  }
0x54: {  	[tilespmem:s0+$0x16580] =	vst v2;
	v2 =	vld [tilespmem:s0+$0x6610]  }
0x55: {  	[tilespmem:s0+$0x16590] =	vst v3;
	v3 =	vld [tilespmem:s0+$0x6620]  }
0x56: {  	[tilespmem:s0+$0x165A0] =	vst v4;
	v4 =	vld [tilespmem:s0+$0x6630]  }
0x57: {  	[tilespmem:s0+$0x165B0] =	vst v0;
	v0 =	vld [tilespmem:s0+$0x6680]  }
0x58: {  	[tilespmem:s0+$0x16600] =	vst v1;
	v1 =	vld [tilespmem:s0+$0x6690]  }
0x59: {  	[tilespmem:s0+$0x16610] =	vst v2;
	v2 =	vld [tilespmem:s0+$0x66A0]  }
0x5a: {  	[tilespmem:s0+$0x16620] =	vst v3;
	v3 =	vld [tilespmem:s0+$0x66B0]  }
0x5b: {  	[tilespmem:s0+$0x16630] =	vst v4;
	v4 =	vld [tilespmem:s0+$0x6700]  }
0x5c: {  	[tilespmem:s0+$0x16680] =	vst v0;
	v5 =	vld [tilespmem:s0+$0x6710]  }
.Ltmp0:
0x5d: {  	[tilespmem:s0+$0x16690] =	vst v1;
	v0 =	vld [tilespmem:s0+$0x6720];
	(pc) =	sbr.rel @p1 .LBB2_3-.Ltmp0, $4  }
0x5e: {  	[tilespmem:s0+$0x166A0] =	vst v2;
	v1 =	vld [tilespmem:s0+$0x6730]  }
0x5f: {  	[tilespmem:s0+$0x166B0] =	vst v3;
	v2 =	vld [tilespmem:s0+$0x6780]  }
0x60: {  	[tilespmem:s0+$0x16700] =	vst v4;
	v3 =	vld [tilespmem:s0+$0x6790]  }
0x61: {  	s11 =	sshra.s32 s2, $0x2;
	s2 =	sadd.s32 $0x1000, s2;
	[tilespmem:s0+$0x16710] =	vst v5;
	v4 =	vld [tilespmem:s0+$0x67A0]  }
0x62: {  	v5 =	vld [tilespmem:s11+$0x67B0];
	[tilespmem:s0+$0x16720] =	vst v0  }
0x63: {  	v0 =	vld [tilespmem:s11+$0x6400];
	[tilespmem:s0+$0x16730] =	vst v1  }
0x64: {  	v1 =	vld [tilespmem:s11+$0x6410];
	[tilespmem:s0+$0x16780] =	vst v2  }
0x65: {  	v2 =	vld [tilespmem:s11+$0x6420];
	[tilespmem:s0+$0x16790] =	vst v3  }
0x66: {  	v3 =	vld [tilespmem:s11+$0x6430];
	[tilespmem:s0+$0x167A0] =	vst v4  }
0x67: {  	v4 =	vld [tilespmem:s11+$0x6480];
	[tilespmem:s11+$0x167B0] =	vst v5  }
0x68: {  	v38 =	vld [tilespmem:s11+$0x6490];
	[tilespmem:s11+$0x16400] =	vst v0  }
0x69: {  	v39 =	vld [tilespmem:s11+$0x64A0];
	[tilespmem:s11+$0x16410] =	vst v1  }
0x6a: {  	v40 =	vld [tilespmem:s11+$0x64B0];
	[tilespmem:s11+$0x16420] =	vst v2  }
0x6b: {  	v41 =	vld [tilespmem:s11+$0x6500];
	[tilespmem:s11+$0x16430] =	vst v3  }
0x6c: {  	v42 =	vld [tilespmem:s11+$0x6510];
	[tilespmem:s11+$0x16480] =	vst v4  }
0x6d: {  	v43 =	vld [tilespmem:s11+$0x6520];
	[tilespmem:s11+$0x16490] =	vst v38  }
0x6e: {  	v44 =	vld [tilespmem:s11+$0x6530];
	[tilespmem:s11+$0x164A0] =	vst v39  }
0x6f: {  	v45 =	vld [tilespmem:s11+$0x6580];
	[tilespmem:s11+$0x164B0] =	vst v40  }
0x70: {  	v46 =	vld [tilespmem:s11+$0x6590];
	[tilespmem:s11+$0x16500] =	vst v41  }
0x71: {  	v47 =	vld [tilespmem:s11+$0x65A0];
	[tilespmem:s11+$0x16510] =	vst v42  }
0x72: {  	v48 =	vld [tilespmem:s11+$0x65B0];
	[tilespmem:s11+$0x16520] =	vst v43  }
0x73: {  	v49 =	vld [tilespmem:s11+$0x6600];
	[tilespmem:s11+$0x16530] =	vst v44  }
0x74: {  	v50 =	vld [tilespmem:s11+$0x6610];
	[tilespmem:s11+$0x16580] =	vst v45  }
0x75: {  	v51 =	vld [tilespmem:s11+$0x6620];
	[tilespmem:s11+$0x16590] =	vst v46  }
0x76: {  	v52 =	vld [tilespmem:s11+$0x6630];
	[tilespmem:s11+$0x165A0] =	vst v47  }
0x77: {  	v53 =	vld [tilespmem:s11+$0x6680];
	[tilespmem:s11+$0x165B0] =	vst v48  }
0x78: {  	v54 =	vld [tilespmem:s11+$0x6690];
	[tilespmem:s11+$0x16600] =	vst v49  }
0x79: {  	v55 =	vld [tilespmem:s11+$0x66A0];
	[tilespmem:s11+$0x16610] =	vst v50  }
0x7a: {  	v56 =	vld [tilespmem:s11+$0x66B0];
	[tilespmem:s11+$0x16620] =	vst v51  }
0x7b: {  	v57 =	vld [tilespmem:s11+$0x6700];
	[tilespmem:s11+$0x16630] =	vst v52  }
0x7c: {  	v58 =	vld [tilespmem:s11+$0x6710];
	[tilespmem:s11+$0x16680] =	vst v53  }
0x7d: {  	v59 =	vld [tilespmem:s11+$0x6720];
	[tilespmem:s11+$0x16690] =	vst v54  }
0x7e: {  	v60 =	vld [tilespmem:s11+$0x6730];
	[tilespmem:s11+$0x166A0] =	vst v55  }
0x7f: {  	v61 =	vld [tilespmem:s11+$0x6780];
	[tilespmem:s11+$0x166B0] =	vst v56  }
0x80: {  	v62 =	vld [tilespmem:s11+$0x6790];
	[tilespmem:s11+$0x16700] =	vst v57  }
0x81: {  	v63 =	vld [tilespmem:s11+$0x67A0];
	[tilespmem:s11+$0x16710] =	vst v58  }
0x82: {  	p1 =	sne.s32 s30, $0x31;
	[tilespmem:s11+$0x16720] =	vst v59  }
.Ltmp1:
0x83: {  	[tilespmem:s11+$0x16730] =	vst v60;
	(pc) =	sbr.rel @p1 .LBB2_6-.Ltmp1, $4  }
0x84: {  	s16 =	sshll.u32 s30, $0x12;
	[tilespmem:s11+$0x16780] =	vst v61  }
0x85: {  	s0 =	sor.u32 s6, s16;
	[tilespmem:s11+$0x16790] =	vst v62  }
0x86: {  	s2 =	sadd.s32 s4, s0;
	[tilespmem:s11+$0x167A0] =	vst v63  }
0x87: {  	[hbm4b:s2+s1] =	stream.linear.scatter [tilespmem:s21], [sflag:$0x5], $0x4000, $0x38;
	[tilespmem:$0x1E400] =	vst v63  }
.Ltmp2:
0x88: {  	(pc) =	sbr.rel .LBB2_7-.Ltmp2, $4  }
0x89: {  	_ = 	snop  }
0x8a: {  	_ =	swait.ge [sflag:s22], $0x4000  }
0x8b: {  	[sflag:s22] =	ssyncset.done $0x0  }
0x8c: {  	[sflag:s22] =	ssyncadd.s32 $0xFFFFC000  }
.LBB2_6:
0x8d: {  	s2 =	sshll.u32 s30, $0x9  }
0x8e: {  	s2 =	sand.u32 $0x3FFFFE00, s2  }
.Ltmp3:
0x8f: {  	s2 =	sadd.s32 $0x200, s2;
	(pc) =	sbr.rel @p0 .LBB2_8-.Ltmp3, $4  }
0x90: {  	[tilespmem:s15], [sflag:$0x1] =	stream.indirect.gather [hbm4b:s3+s14], $0x80, s2, s14, $0xb8;
	[tilespmem:$0x1E400] =	vst v63  }
0x91: {  	_ =	swait.ge [sflag:s22], $0x4000  }
0x92: {  	[sflag:s22] =	ssyncset.done $0x0  }
0x93: {  	[sflag:s22] =	ssyncadd.s32 $0xFFFFC000  }
.LBB2_7:
0x94: {  	_ =	swait.ge [sflag:s23], $0x4000  }
0x95: {  	[sflag:s23] =	ssyncset.done $0x0  }
0x96: {  	[sflag:s23] =	ssyncadd.s32 $0xFFFFC000  }
.LBB2_8:
0x97: {  	s2 =	simm.s32 $0x0  }
0x98: {  	v0 =	vld [tilespmem:s2+$0xA7B0]  }
0x99: {  	v1 =	vld [tilespmem:s2+$0xA400]  }
0x9a: {  	v2 =	vld [tilespmem:s2+$0xA410]  }
0x9b: {  	v3 =	vld [tilespmem:s2+$0xA420]  }
0x9c: {  	v4 =	vld [tilespmem:s2+$0xA430]  }
0x9d: {  	v5 =	vld [tilespmem:s2+$0xA480];
	[tilespmem:s2+$0x1A7B0] =	vst v0  }
0x9e: {  	[tilespmem:s2+$0x1A400] =	vst v1;
	v0 =	vld [tilespmem:s2+$0xA490]  }
0x9f: {  	[tilespmem:s2+$0x1A410] =	vst v2;
	v1 =	vld [tilespmem:s2+$0xA4A0]  }
0xa0: {  	[tilespmem:s2+$0x1A420] =	vst v3;
	v2 =	vld [tilespmem:s2+$0xA4B0]  }
0xa1: {  	[tilespmem:s2+$0x1A430] =	vst v4;
	v3 =	vld [tilespmem:s2+$0xA500]  }
0xa2: {  	[tilespmem:s2+$0x1A480] =	vst v5;
	v4 =	vld [tilespmem:s2+$0xA510]  }
0xa3: {  	v5 =	vld [tilespmem:s2+$0xA710];
	[tilespmem:s2+$0x1A490] =	vst v0  }
0xa4: {  	v0 =	vld [tilespmem:s2+$0xA520];
	[tilespmem:s2+$0x1A4A0] =	vst v1  }
0xa5: {  	v1 =	vld [tilespmem:s2+$0xA530];
	[tilespmem:s2+$0x1A4B0] =	vst v2  }
0xa6: {  	v2 =	vld [tilespmem:s2+$0xA580];
	[tilespmem:s2+$0x1A500] =	vst v3  }
0xa7: {  	v3 =	vld [tilespmem:s2+$0xA590];
	[tilespmem:s2+$0x1A510] =	vst v4  }
0xa8: {  	v4 =	vld [tilespmem:s2+$0xA5A0];
	[tilespmem:s2+$0x1A710] =	vst v5  }
0xa9: {  	[tilespmem:s2+$0x1A520] =	vst v0;
	v0 =	vld [tilespmem:s2+$0xA5B0]  }
0xaa: {  	[tilespmem:s2+$0x1A530] =	vst v1;
	v1 =	vld [tilespmem:s2+$0xA600]  }
0xab: {  	[tilespmem:s2+$0x1A580] =	vst v2;
	v2 =	vld [tilespmem:s2+$0xA610]  }
0xac: {  	[tilespmem:s2+$0x1A590] =	vst v3;
	v3 =	vld [tilespmem:s2+$0xA620]  }
0xad: {  	[tilespmem:s2+$0x1A5A0] =	vst v4;
	v4 =	vld [tilespmem:s2+$0xA630]  }
0xae: {  	[tilespmem:s2+$0x1A5B0] =	vst v0;
	v0 =	vld [tilespmem:s2+$0xA680]  }
0xaf: {  	[tilespmem:s2+$0x1A600] =	vst v1;
	v1 =	vld [tilespmem:s2+$0xA690]  }
0xb0: {  	[tilespmem:s2+$0x1A610] =	vst v2;
	v2 =	vld [tilespmem:s2+$0xA6A0]  }
0xb1: {  	[tilespmem:s2+$0x1A620] =	vst v3;
	v3 =	vld [tilespmem:s2+$0xA6B0]  }
0xb2: {  	[tilespmem:s2+$0x1A630] =	vst v4;
	v4 =	vld [tilespmem:s2+$0xA700]  }
0xb3: {  	[tilespmem:s2+$0x1A680] =	vst v0;
	v0 =	vld [tilespmem:s2+$0xA720]  }
0xb4: {  	[tilespmem:s2+$0x1A690] =	vst v1;
	v1 =	vld [tilespmem:s2+$0xA730]  }
0xb5: {  	[tilespmem:s2+$0x1A6A0] =	vst v2;
	v2 =	vld [tilespmem:s2+$0xA780]  }
0xb6: {  	[tilespmem:s2+$0x1A6B0] =	vst v3;
	v3 =	vld [tilespmem:s2+$0xA790]  }
0xb7: {  	s12 =	simm.s32 $0x400;
	s11 =	simm.s32 $0x2000;
	[tilespmem:s2+$0x1A700] =	vst v4;
	v4 =	vld [tilespmem:s2+$0xA7A0]  }
.LBB2_9:
0xb8: {  	p0 =	sne.s32 s11, $0xF000;
	v5 =	vld [tilespmem:s12+$0xA7B0];
	[tilespmem:s2+$0x1A720] =	vst v0  }
0xb9: {  	v0 =	vld [tilespmem:s12+$0xA400];
	[tilespmem:s2+$0x1A730] =	vst v1  }
0xba: {  	v1 =	vld [tilespmem:s12+$0xA410];
	[tilespmem:s2+$0x1A780] =	vst v2  }
0xbb: {  	v2 =	vld [tilespmem:s12+$0xA420];
	[tilespmem:s2+$0x1A790] =	vst v3  }
0xbc: {  	v3 =	vld [tilespmem:s12+$0xA430];
	[tilespmem:s2+$0x1A7A0] =	vst v4;
	s2 =	smov.u32 s12  }
0xbd: {  	v4 =	vld [tilespmem:s2+$0xA480];
	[tilespmem:s2+$0x1A7B0] =	vst v5  }
0xbe: {  	[tilespmem:s2+$0x1A400] =	vst v0;
	v0 =	vld [tilespmem:s2+$0xA490]  }
0xbf: {  	[tilespmem:s2+$0x1A410] =	vst v1;
	v1 =	vld [tilespmem:s2+$0xA4A0]  }
0xc0: {  	[tilespmem:s2+$0x1A420] =	vst v2;
	v2 =	vld [tilespmem:s2+$0xA4B0]  }
0xc1: {  	[tilespmem:s2+$0x1A430] =	vst v3;
	v3 =	vld [tilespmem:s2+$0xA500]  }
0xc2: {  	[tilespmem:s2+$0x1A480] =	vst v4;
	v4 =	vld [tilespmem:s2+$0xA510]  }
0xc3: {  	[tilespmem:s2+$0x1A490] =	vst v0;
	v0 =	vld [tilespmem:s2+$0xA520]  }
0xc4: {  	[tilespmem:s2+$0x1A4A0] =	vst v1;
	v1 =	vld [tilespmem:s2+$0xA530]  }
0xc5: {  	[tilespmem:s2+$0x1A4B0] =	vst v2;
	v2 =	vld [tilespmem:s2+$0xA580]  }
0xc6: {  	[tilespmem:s2+$0x1A500] =	vst v3;
	v3 =	vld [tilespmem:s2+$0xA590]  }
0xc7: {  	[tilespmem:s2+$0x1A510] =	vst v4;
	v4 =	vld [tilespmem:s2+$0xA5A0]  }
0xc8: {  	[tilespmem:s2+$0x1A520] =	vst v0;
	v0 =	vld [tilespmem:s2+$0xA5B0]  }
0xc9: {  	[tilespmem:s2+$0x1A530] =	vst v1;
	v1 =	vld [tilespmem:s2+$0xA600]  }
0xca: {  	[tilespmem:s2+$0x1A580] =	vst v2;
	v2 =	vld [tilespmem:s2+$0xA610]  }
0xcb: {  	[tilespmem:s2+$0x1A590] =	vst v3;
	v3 =	vld [tilespmem:s2+$0xA620]  }
0xcc: {  	[tilespmem:s2+$0x1A5A0] =	vst v4;
	v4 =	vld [tilespmem:s2+$0xA630]  }
0xcd: {  	[tilespmem:s2+$0x1A5B0] =	vst v0;
	v0 =	vld [tilespmem:s2+$0xA680]  }
0xce: {  	[tilespmem:s2+$0x1A600] =	vst v1;
	v1 =	vld [tilespmem:s2+$0xA690]  }
0xcf: {  	[tilespmem:s2+$0x1A610] =	vst v2;
	v2 =	vld [tilespmem:s2+$0xA6A0]  }
0xd0: {  	[tilespmem:s2+$0x1A620] =	vst v3;
	v3 =	vld [tilespmem:s2+$0xA6B0]  }
0xd1: {  	[tilespmem:s2+$0x1A630] =	vst v4;
	v4 =	vld [tilespmem:s2+$0xA700]  }
0xd2: {  	[tilespmem:s2+$0x1A680] =	vst v0;
	v5 =	vld [tilespmem:s2+$0xA710]  }
.Ltmp4:
0xd3: {  	[tilespmem:s2+$0x1A690] =	vst v1;
	v0 =	vld [tilespmem:s2+$0xA720];
	(pc) =	sbr.rel @p0 .LBB2_9-.Ltmp4, $4  }
0xd4: {  	[tilespmem:s2+$0x1A6A0] =	vst v2;
	v1 =	vld [tilespmem:s2+$0xA730]  }
0xd5: {  	[tilespmem:s2+$0x1A6B0] =	vst v3;
	v2 =	vld [tilespmem:s2+$0xA780]  }
0xd6: {  	[tilespmem:s2+$0x1A700] =	vst v4;
	v3 =	vld [tilespmem:s2+$0xA790]  }
0xd7: {  	s12 =	sshra.s32 s11, $0x2;
	s11 =	sadd.s32 $0x1000, s11;
	[tilespmem:s2+$0x1A710] =	vst v5;
	v4 =	vld [tilespmem:s2+$0xA7A0]  }
0xd8: {  	v5 =	vld [tilespmem:s12+$0xA7B0];
	[tilespmem:s2+$0x1A720] =	vst v0  }
0xd9: {  	v0 =	vld [tilespmem:s12+$0xA400];
	[tilespmem:s2+$0x1A730] =	vst v1  }
0xda: {  	v1 =	vld [tilespmem:s12+$0xA410];
	[tilespmem:s2+$0x1A780] =	vst v2  }
0xdb: {  	v2 =	vld [tilespmem:s12+$0xA420];
	[tilespmem:s2+$0x1A790] =	vst v3  }
0xdc: {  	v3 =	vld [tilespmem:s12+$0xA430];
	[tilespmem:s2+$0x1A7A0] =	vst v4  }
0xdd: {  	v4 =	vld [tilespmem:s12+$0xA480];
	[tilespmem:s12+$0x1A7B0] =	vst v5  }
0xde: {  	[tilespmem:s12+$0x1A400] =	vst v0;
	v0 =	vld [tilespmem:s12+$0xA490]  }
0xdf: {  	[tilespmem:s12+$0x1A410] =	vst v1;
	v1 =	vld [tilespmem:s12+$0xA4A0]  }
0xe0: {  	[tilespmem:s12+$0x1A420] =	vst v2;
	v2 =	vld [tilespmem:s12+$0xA4B0]  }
0xe1: {  	[tilespmem:s12+$0x1A430] =	vst v3;
	v3 =	vld [tilespmem:s12+$0xA500]  }
0xe2: {  	[tilespmem:s12+$0x1A480] =	vst v4;
	v4 =	vld [tilespmem:s12+$0xA510]  }
0xe3: {  	[tilespmem:s12+$0x1A490] =	vst v0;
	v0 =	vld [tilespmem:s12+$0xA520]  }
0xe4: {  	[tilespmem:s12+$0x1A4A0] =	vst v1;
	v1 =	vld [tilespmem:s12+$0xA530]  }
0xe5: {  	[tilespmem:s12+$0x1A4B0] =	vst v2;
	v2 =	vld [tilespmem:s12+$0xA580]  }
0xe6: {  	[tilespmem:s12+$0x1A500] =	vst v3;
	v3 =	vld [tilespmem:s12+$0xA590]  }
0xe7: {  	[tilespmem:s12+$0x1A510] =	vst v4;
	v4 =	vld [tilespmem:s12+$0xA5A0]  }
0xe8: {  	[tilespmem:s12+$0x1A520] =	vst v0;
	v0 =	vld [tilespmem:s12+$0xA5B0]  }
0xe9: {  	[tilespmem:s12+$0x1A530] =	vst v1;
	v1 =	vld [tilespmem:s12+$0xA600]  }
0xea: {  	[tilespmem:s12+$0x1A580] =	vst v2;
	v2 =	vld [tilespmem:s12+$0xA610]  }
0xeb: {  	[tilespmem:s12+$0x1A590] =	vst v3;
	v3 =	vld [tilespmem:s12+$0xA620]  }
0xec: {  	[tilespmem:s12+$0x1A5A0] =	vst v4;
	v4 =	vld [tilespmem:s12+$0xA630]  }
0xed: {  	[tilespmem:s12+$0x1A5B0] =	vst v0;
	v0 =	vld [tilespmem:s12+$0xA680]  }
0xee: {  	[tilespmem:s12+$0x1A600] =	vst v1;
	v1 =	vld [tilespmem:s12+$0xA690]  }
0xef: {  	[tilespmem:s12+$0x1A610] =	vst v2;
	v2 =	vld [tilespmem:s12+$0xA6A0]  }
0xf0: {  	[tilespmem:s12+$0x1A620] =	vst v3;
	v3 =	vld [tilespmem:s12+$0xA6B0]  }
0xf1: {  	[tilespmem:s12+$0x1A630] =	vst v4;
	v4 =	vld [tilespmem:s12+$0xA700]  }
0xf2: {  	[tilespmem:s12+$0x1A680] =	vst v0;
	v0 =	vld [tilespmem:s12+$0xA710]  }
0xf3: {  	[tilespmem:s12+$0x1A690] =	vst v1;
	v1 =	vld [tilespmem:s12+$0xA720]  }
0xf4: {  	[tilespmem:s12+$0x1A6A0] =	vst v2;
	v2 =	vld [tilespmem:s12+$0xA730]  }
0xf5: {  	[tilespmem:s12+$0x1A6B0] =	vst v3;
	v3 =	vld [tilespmem:s12+$0xA780]  }
0xf6: {  	[tilespmem:s12+$0x1A700] =	vst v4;
	v4 =	vld [tilespmem:s12+$0xA790]  }
0xf7: {  	[tilespmem:s12+$0x1A710] =	vst v0;
	v0 =	vld [tilespmem:s12+$0xA7A0]  }
0xf8: {  	[tilespmem:s12+$0x1A720] =	vst v1  }
0xf9: {  	[tilespmem:s12+$0x1A730] =	vst v2  }
0xfa: {  	p0 =	seq.s32 s30, $0x31;
	[tilespmem:s12+$0x1A780] =	vst v3  }
0xfb: {  	s2 =	sshll.u32 @!p0 s30, $0x9;
	[tilespmem:s12+$0x1A790] =	vst v4  }
0xfc: {  	s16 =	sadd.s32 s0, s7;
	s2 =	sand.u32 @!p0 $0x3FFFFE00, s2;
	[tilespmem:s12+$0x1A7A0] =	vst v0  }
0xfd: {  	[hbm4b:s16+s1] =	stream.linear.scatter [tilespmem:s24], [sflag:$0x6], $0x4000, $0x38;
	[tilespmem:$0x1E400] =	vst v63  }
0xfe: {  	s11 =	sadd.s32 @!p0 $0x280, s2;
	s12 =	simm.s32 @!p0 $0x80;
	s16 =	simm.s32 @!p0 $0xA400  }
0xff: {  	[tilespmem:s16], [sflag:$0x2] =	stream.indirect.gather @!p0 [hbm4b:s3+s12], $0x80, s11, s12, $0xb8;
	[tilespmem:$0x1E400] =	vst v63  }
0x100: {  	_ =	swait.ge [sflag:s25], $0x4000  }
0x101: {  	[sflag:s25] =	ssyncset.done $0x0  }
0x102: {  	[sflag:s25] =	ssyncadd.s32 $0xFFFFC000  }
0x103: {  	_ =	swait.ge [sflag:s26], $0x4000  }
0x104: {  	[sflag:s26] =	ssyncset.done $0x0  }
0x105: {  	s11 =	simm.s32 $0x0;
	[sflag:s26] =	ssyncadd.s32 $0xFFFFC000  }
0x106: {  	v0 =	vld [tilespmem:s11+$0xE7B0]  }
0x107: {  	v1 =	vld [tilespmem:s11+$0xE400]  }
0x108: {  	v2 =	vld [tilespmem:s11+$0xE410]  }
0x109: {  	v3 =	vld [tilespmem:s11+$0xE420]  }
0x10a: {  	v4 =	vld [tilespmem:s11+$0xE430]  }
0x10b: {  	v5 =	vld [tilespmem:s11+$0xE480];
	[tilespmem:s11+$0x167B0] =	vst v0  }
0x10c: {  	[tilespmem:s11+$0x16400] =	vst v1;
	v0 =	vld [tilespmem:s11+$0xE490]  }
0x10d: {  	[tilespmem:s11+$0x16410] =	vst v2;
	v1 =	vld [tilespmem:s11+$0xE4A0]  }
0x10e: {  	[tilespmem:s11+$0x16420] =	vst v3;
	v2 =	vld [tilespmem:s11+$0xE4B0]  }
0x10f: {  	[tilespmem:s11+$0x16430] =	vst v4;
	v3 =	vld [tilespmem:s11+$0xE500]  }
0x110: {  	[tilespmem:s11+$0x16480] =	vst v5;
	v4 =	vld [tilespmem:s11+$0xE510]  }
0x111: {  	v5 =	vld [tilespmem:s11+$0xE710];
	[tilespmem:s11+$0x16490] =	vst v0  }
0x112: {  	v0 =	vld [tilespmem:s11+$0xE520];
	[tilespmem:s11+$0x164A0] =	vst v1  }
0x113: {  	v1 =	vld [tilespmem:s11+$0xE530];
	[tilespmem:s11+$0x164B0] =	vst v2  }
0x114: {  	v2 =	vld [tilespmem:s11+$0xE580];
	[tilespmem:s11+$0x16500] =	vst v3  }
0x115: {  	v3 =	vld [tilespmem:s11+$0xE590];
	[tilespmem:s11+$0x16510] =	vst v4  }
0x116: {  	v4 =	vld [tilespmem:s11+$0xE5A0];
	[tilespmem:s11+$0x16710] =	vst v5  }
0x117: {  	[tilespmem:s11+$0x16520] =	vst v0;
	v0 =	vld [tilespmem:s11+$0xE5B0]  }
0x118: {  	[tilespmem:s11+$0x16530] =	vst v1;
	v1 =	vld [tilespmem:s11+$0xE600]  }
0x119: {  	[tilespmem:s11+$0x16580] =	vst v2;
	v2 =	vld [tilespmem:s11+$0xE610]  }
0x11a: {  	[tilespmem:s11+$0x16590] =	vst v3;
	v3 =	vld [tilespmem:s11+$0xE620]  }
0x11b: {  	[tilespmem:s11+$0x165A0] =	vst v4;
	v4 =	vld [tilespmem:s11+$0xE630]  }
0x11c: {  	[tilespmem:s11+$0x165B0] =	vst v0;
	v0 =	vld [tilespmem:s11+$0xE680]  }
0x11d: {  	[tilespmem:s11+$0x16600] =	vst v1;
	v1 =	vld [tilespmem:s11+$0xE690]  }
0x11e: {  	[tilespmem:s11+$0x16610] =	vst v2;
	v2 =	vld [tilespmem:s11+$0xE6A0]  }
0x11f: {  	[tilespmem:s11+$0x16620] =	vst v3;
	v3 =	vld [tilespmem:s11+$0xE6B0]  }
0x120: {  	[tilespmem:s11+$0x16630] =	vst v4;
	v4 =	vld [tilespmem:s11+$0xE700]  }
0x121: {  	[tilespmem:s11+$0x16680] =	vst v0;
	v0 =	vld [tilespmem:s11+$0xE720]  }
0x122: {  	[tilespmem:s11+$0x16690] =	vst v1;
	v1 =	vld [tilespmem:s11+$0xE730]  }
0x123: {  	[tilespmem:s11+$0x166A0] =	vst v2;
	v2 =	vld [tilespmem:s11+$0xE780]  }
0x124: {  	[tilespmem:s11+$0x166B0] =	vst v3;
	v3 =	vld [tilespmem:s11+$0xE790]  }
0x125: {  	s16 =	simm.s32 $0x400;
	s12 =	simm.s32 $0x2000;
	[tilespmem:s11+$0x16700] =	vst v4;
	v4 =	vld [tilespmem:s11+$0xE7A0]  }
.LBB2_11:
0x126: {  	p1 =	sne.s32 s12, $0xF000;
	v5 =	vld [tilespmem:s16+$0xE7B0];
	[tilespmem:s11+$0x16720] =	vst v0  }
0x127: {  	v0 =	vld [tilespmem:s16+$0xE400];
	[tilespmem:s11+$0x16730] =	vst v1  }
0x128: {  	v1 =	vld [tilespmem:s16+$0xE410];
	[tilespmem:s11+$0x16780] =	vst v2  }
0x129: {  	v2 =	vld [tilespmem:s16+$0xE420];
	[tilespmem:s11+$0x16790] =	vst v3  }
0x12a: {  	v3 =	vld [tilespmem:s16+$0xE430];
	[tilespmem:s11+$0x167A0] =	vst v4;
	s11 =	smov.u32 s16  }
0x12b: {  	v4 =	vld [tilespmem:s11+$0xE480];
	[tilespmem:s11+$0x167B0] =	vst v5  }
0x12c: {  	[tilespmem:s11+$0x16400] =	vst v0;
	v0 =	vld [tilespmem:s11+$0xE490]  }
0x12d: {  	[tilespmem:s11+$0x16410] =	vst v1;
	v1 =	vld [tilespmem:s11+$0xE4A0]  }
0x12e: {  	[tilespmem:s11+$0x16420] =	vst v2;
	v2 =	vld [tilespmem:s11+$0xE4B0]  }
0x12f: {  	[tilespmem:s11+$0x16430] =	vst v3;
	v3 =	vld [tilespmem:s11+$0xE500]  }
0x130: {  	[tilespmem:s11+$0x16480] =	vst v4;
	v4 =	vld [tilespmem:s11+$0xE510]  }
0x131: {  	[tilespmem:s11+$0x16490] =	vst v0;
	v0 =	vld [tilespmem:s11+$0xE520]  }
0x132: {  	[tilespmem:s11+$0x164A0] =	vst v1;
	v1 =	vld [tilespmem:s11+$0xE530]  }
0x133: {  	[tilespmem:s11+$0x164B0] =	vst v2;
	v2 =	vld [tilespmem:s11+$0xE580]  }
0x134: {  	[tilespmem:s11+$0x16500] =	vst v3;
	v3 =	vld [tilespmem:s11+$0xE590]  }
0x135: {  	[tilespmem:s11+$0x16510] =	vst v4;
	v4 =	vld [tilespmem:s11+$0xE5A0]  }
0x136: {  	[tilespmem:s11+$0x16520] =	vst v0;
	v0 =	vld [tilespmem:s11+$0xE5B0]  }
0x137: {  	[tilespmem:s11+$0x16530] =	vst v1;
	v1 =	vld [tilespmem:s11+$0xE600]  }
0x138: {  	[tilespmem:s11+$0x16580] =	vst v2;
	v2 =	vld [tilespmem:s11+$0xE610]  }
0x139: {  	[tilespmem:s11+$0x16590] =	vst v3;
	v3 =	vld [tilespmem:s11+$0xE620]  }
0x13a: {  	[tilespmem:s11+$0x165A0] =	vst v4;
	v4 =	vld [tilespmem:s11+$0xE630]  }
0x13b: {  	[tilespmem:s11+$0x165B0] =	vst v0;
	v0 =	vld [tilespmem:s11+$0xE680]  }
0x13c: {  	[tilespmem:s11+$0x16600] =	vst v1;
	v1 =	vld [tilespmem:s11+$0xE690]  }
0x13d: {  	[tilespmem:s11+$0x16610] =	vst v2;
	v2 =	vld [tilespmem:s11+$0xE6A0]  }
0x13e: {  	[tilespmem:s11+$0x16620] =	vst v3;
	v3 =	vld [tilespmem:s11+$0xE6B0]  }
0x13f: {  	[tilespmem:s11+$0x16630] =	vst v4;
	v4 =	vld [tilespmem:s11+$0xE700]  }
0x140: {  	[tilespmem:s11+$0x16680] =	vst v0;
	v5 =	vld [tilespmem:s11+$0xE710]  }
.Ltmp5:
0x141: {  	[tilespmem:s11+$0x16690] =	vst v1;
	v0 =	vld [tilespmem:s11+$0xE720];
	(pc) =	sbr.rel @p1 .LBB2_11-.Ltmp5, $4  }
0x142: {  	[tilespmem:s11+$0x166A0] =	vst v2;
	v1 =	vld [tilespmem:s11+$0xE730]  }
0x143: {  	[tilespmem:s11+$0x166B0] =	vst v3;
	v2 =	vld [tilespmem:s11+$0xE780]  }
0x144: {  	[tilespmem:s11+$0x16700] =	vst v4;
	v3 =	vld [tilespmem:s11+$0xE790]  }
0x145: {  	s16 =	sshra.s32 s12, $0x2;
	s12 =	sadd.s32 $0x1000, s12;
	[tilespmem:s11+$0x16710] =	vst v5;
	v4 =	vld [tilespmem:s11+$0xE7A0]  }
0x146: {  	v5 =	vld [tilespmem:s16+$0xE7B0];
	[tilespmem:s11+$0x16720] =	vst v0  }
0x147: {  	v0 =	vld [tilespmem:s16+$0xE400];
	[tilespmem:s11+$0x16730] =	vst v1  }
0x148: {  	v1 =	vld [tilespmem:s16+$0xE410];
	[tilespmem:s11+$0x16780] =	vst v2  }
0x149: {  	v2 =	vld [tilespmem:s16+$0xE420];
	[tilespmem:s11+$0x16790] =	vst v3  }
0x14a: {  	v3 =	vld [tilespmem:s16+$0xE430];
	[tilespmem:s11+$0x167A0] =	vst v4  }
0x14b: {  	v4 =	vld [tilespmem:s16+$0xE480];
	[tilespmem:s16+$0x167B0] =	vst v5  }
0x14c: {  	[tilespmem:s16+$0x16400] =	vst v0;
	v0 =	vld [tilespmem:s16+$0xE490]  }
0x14d: {  	[tilespmem:s16+$0x16410] =	vst v1;
	v1 =	vld [tilespmem:s16+$0xE4A0]  }
0x14e: {  	[tilespmem:s16+$0x16420] =	vst v2;
	v2 =	vld [tilespmem:s16+$0xE4B0]  }
0x14f: {  	[tilespmem:s16+$0x16430] =	vst v3;
	v3 =	vld [tilespmem:s16+$0xE500]  }
0x150: {  	[tilespmem:s16+$0x16480] =	vst v4;
	v4 =	vld [tilespmem:s16+$0xE510]  }
0x151: {  	[tilespmem:s16+$0x16490] =	vst v0;
	v0 =	vld [tilespmem:s16+$0xE520]  }
0x152: {  	[tilespmem:s16+$0x164A0] =	vst v1;
	v1 =	vld [tilespmem:s16+$0xE530]  }
0x153: {  	[tilespmem:s16+$0x164B0] =	vst v2;
	v2 =	vld [tilespmem:s16+$0xE580]  }
0x154: {  	[tilespmem:s16+$0x16500] =	vst v3;
	v3 =	vld [tilespmem:s16+$0xE590]  }
0x155: {  	[tilespmem:s16+$0x16510] =	vst v4;
	v4 =	vld [tilespmem:s16+$0xE5A0]  }
0x156: {  	[tilespmem:s16+$0x16520] =	vst v0;
	v0 =	vld [tilespmem:s16+$0xE5B0]  }
0x157: {  	[tilespmem:s16+$0x16530] =	vst v1;
	v1 =	vld [tilespmem:s16+$0xE600]  }
0x158: {  	[tilespmem:s16+$0x16580] =	vst v2;
	v2 =	vld [tilespmem:s16+$0xE610]  }
0x159: {  	[tilespmem:s16+$0x16590] =	vst v3;
	v3 =	vld [tilespmem:s16+$0xE620]  }
0x15a: {  	[tilespmem:s16+$0x165A0] =	vst v4;
	v4 =	vld [tilespmem:s16+$0xE630]  }
0x15b: {  	[tilespmem:s16+$0x165B0] =	vst v0;
	v0 =	vld [tilespmem:s16+$0xE680]  }
0x15c: {  	[tilespmem:s16+$0x16600] =	vst v1;
	v1 =	vld [tilespmem:s16+$0xE690]  }
0x15d: {  	[tilespmem:s16+$0x16610] =	vst v2;
	v2 =	vld [tilespmem:s16+$0xE6A0]  }
0x15e: {  	[tilespmem:s16+$0x16620] =	vst v3;
	v3 =	vld [tilespmem:s16+$0xE6B0]  }
0x15f: {  	[tilespmem:s16+$0x16630] =	vst v4;
	v4 =	vld [tilespmem:s16+$0xE700]  }
0x160: {  	[tilespmem:s16+$0x16680] =	vst v0;
	v0 =	vld [tilespmem:s16+$0xE710]  }
0x161: {  	[tilespmem:s16+$0x16690] =	vst v1;
	v1 =	vld [tilespmem:s16+$0xE720]  }
0x162: {  	[tilespmem:s16+$0x166A0] =	vst v2;
	v2 =	vld [tilespmem:s16+$0xE730]  }
0x163: {  	[tilespmem:s16+$0x166B0] =	vst v3;
	v3 =	vld [tilespmem:s16+$0xE780]  }
0x164: {  	[tilespmem:s16+$0x16700] =	vst v4;
	v4 =	vld [tilespmem:s16+$0xE790]  }
0x165: {  	[tilespmem:s16+$0x16710] =	vst v0;
	v0 =	vld [tilespmem:s16+$0xE7A0]  }
0x166: {  	[tilespmem:s16+$0x16720] =	vst v1  }
0x167: {  	[tilespmem:s16+$0x16730] =	vst v2  }
0x168: {  	[tilespmem:s16+$0x16780] =	vst v3  }
0x169: {  	[tilespmem:s16+$0x16790] =	vst v4  }
0x16a: {  	s0 =	sadd.s32 s0, s8;
	[tilespmem:s16+$0x167A0] =	vst v0  }
0x16b: {  	[hbm4b:s0+s1] =	stream.linear.scatter [tilespmem:s21], [sflag:$0x5], $0x4000, $0x38;
	[tilespmem:$0x1E400] =	vst v63  }
0x16c: {  	s11 =	simm.s32 @!p0 $0xE400;
	s0 =	sadd.s32 @!p0 $0x300, s2;
	s2 =	simm.s32 @!p0 $0x80  }
0x16d: {  	[tilespmem:s11], [sflag:$0x3] =	stream.indirect.gather @!p0 [hbm4b:s3+s2], $0x80, s0, s2, $0xb8;
	[tilespmem:$0x1E400] =	vst v63  }
0x16e: {  	_ =	swait.ge [sflag:s28], $0x4000  }
0x16f: {  	[sflag:s28] =	ssyncset.done $0x0  }
0x170: {  	[sflag:s28] =	ssyncadd.s32 $0xFFFFC000  }
0x171: {  	_ =	swait.ge [sflag:s23], $0x4000  }
0x172: {  	[sflag:s23] =	ssyncset.done $0x0  }
0x173: {  	s0 =	simm.s32 $0x0;
	[sflag:s23] =	ssyncadd.s32 $0xFFFFC000  }
0x174: {  	v0 =	vld [tilespmem:s0+$0x127B0]  }
0x175: {  	v1 =	vld [tilespmem:s0+$0x12400]  }
0x176: {  	v2 =	vld [tilespmem:s0+$0x12410]  }
0x177: {  	v3 =	vld [tilespmem:s0+$0x12420]  }
0x178: {  	v4 =	vld [tilespmem:s0+$0x12430]  }
0x179: {  	v5 =	vld [tilespmem:s0+$0x12480];
	[tilespmem:s0+$0x1A7B0] =	vst v0  }
0x17a: {  	[tilespmem:s0+$0x1A400] =	vst v1;
	v0 =	vld [tilespmem:s0+$0x12490]  }
0x17b: {  	[tilespmem:s0+$0x1A410] =	vst v2;
	v1 =	vld [tilespmem:s0+$0x124A0]  }
0x17c: {  	[tilespmem:s0+$0x1A420] =	vst v3;
	v2 =	vld [tilespmem:s0+$0x124B0]  }
0x17d: {  	[tilespmem:s0+$0x1A430] =	vst v4;
	v3 =	vld [tilespmem:s0+$0x12500]  }
0x17e: {  	[tilespmem:s0+$0x1A480] =	vst v5;
	v4 =	vld [tilespmem:s0+$0x12510]  }
0x17f: {  	v5 =	vld [tilespmem:s0+$0x12710];
	[tilespmem:s0+$0x1A490] =	vst v0  }
0x180: {  	v0 =	vld [tilespmem:s0+$0x12520];
	[tilespmem:s0+$0x1A4A0] =	vst v1  }
0x181: {  	v1 =	vld [tilespmem:s0+$0x12530];
	[tilespmem:s0+$0x1A4B0] =	vst v2  }
0x182: {  	v2 =	vld [tilespmem:s0+$0x12580];
	[tilespmem:s0+$0x1A500] =	vst v3  }
0x183: {  	v3 =	vld [tilespmem:s0+$0x12590];
	[tilespmem:s0+$0x1A510] =	vst v4  }
0x184: {  	v4 =	vld [tilespmem:s0+$0x125A0];
	[tilespmem:s0+$0x1A710] =	vst v5  }
0x185: {  	[tilespmem:s0+$0x1A520] =	vst v0;
	v0 =	vld [tilespmem:s0+$0x125B0]  }
0x186: {  	[tilespmem:s0+$0x1A530] =	vst v1;
	v1 =	vld [tilespmem:s0+$0x12600]  }
0x187: {  	[tilespmem:s0+$0x1A580] =	vst v2;
	v2 =	vld [tilespmem:s0+$0x12610]  }
0x188: {  	[tilespmem:s0+$0x1A590] =	vst v3;
	v3 =	vld [tilespmem:s0+$0x12620]  }
0x189: {  	[tilespmem:s0+$0x1A5A0] =	vst v4;
	v4 =	vld [tilespmem:s0+$0x12630]  }
0x18a: {  	[tilespmem:s0+$0x1A5B0] =	vst v0;
	v0 =	vld [tilespmem:s0+$0x12680]  }
0x18b: {  	[tilespmem:s0+$0x1A600] =	vst v1;
	v1 =	vld [tilespmem:s0+$0x12690]  }
0x18c: {  	[tilespmem:s0+$0x1A610] =	vst v2;
	v2 =	vld [tilespmem:s0+$0x126A0]  }
0x18d: {  	[tilespmem:s0+$0x1A620] =	vst v3;
	v3 =	vld [tilespmem:s0+$0x126B0]  }
0x18e: {  	[tilespmem:s0+$0x1A630] =	vst v4;
	v4 =	vld [tilespmem:s0+$0x12700]  }
0x18f: {  	[tilespmem:s0+$0x1A680] =	vst v0;
	v0 =	vld [tilespmem:s0+$0x12720]  }
0x190: {  	[tilespmem:s0+$0x1A690] =	vst v1;
	v1 =	vld [tilespmem:s0+$0x12730]  }
0x191: {  	[tilespmem:s0+$0x1A6A0] =	vst v2;
	v2 =	vld [tilespmem:s0+$0x12780]  }
0x192: {  	[tilespmem:s0+$0x1A6B0] =	vst v3;
	v3 =	vld [tilespmem:s0+$0x12790]  }
0x193: {  	s11 =	simm.s32 $0x400;
	s2 =	simm.s32 $0x2000;
	[tilespmem:s0+$0x1A700] =	vst v4;
	v4 =	vld [tilespmem:s0+$0x127A0]  }
.LBB2_13:
0x194: {  	p0 =	sne.s32 s2, $0xF000;
	v5 =	vld [tilespmem:s11+$0x127B0];
	[tilespmem:s0+$0x1A720] =	vst v0  }
0x195: {  	v0 =	vld [tilespmem:s11+$0x12400];
	[tilespmem:s0+$0x1A730] =	vst v1  }
0x196: {  	v1 =	vld [tilespmem:s11+$0x12410];
	[tilespmem:s0+$0x1A780] =	vst v2  }
0x197: {  	v2 =	vld [tilespmem:s11+$0x12420];
	[tilespmem:s0+$0x1A790] =	vst v3  }
0x198: {  	v3 =	vld [tilespmem:s11+$0x12430];
	[tilespmem:s0+$0x1A7A0] =	vst v4;
	s0 =	smov.u32 s11  }
0x199: {  	v4 =	vld [tilespmem:s0+$0x12480];
	[tilespmem:s0+$0x1A7B0] =	vst v5  }
0x19a: {  	[tilespmem:s0+$0x1A400] =	vst v0;
	v0 =	vld [tilespmem:s0+$0x12490]  }
0x19b: {  	[tilespmem:s0+$0x1A410] =	vst v1;
	v1 =	vld [tilespmem:s0+$0x124A0]  }
0x19c: {  	[tilespmem:s0+$0x1A420] =	vst v2;
	v2 =	vld [tilespmem:s0+$0x124B0]  }
0x19d: {  	[tilespmem:s0+$0x1A430] =	vst v3;
	v3 =	vld [tilespmem:s0+$0x12500]  }
0x19e: {  	[tilespmem:s0+$0x1A480] =	vst v4;
	v4 =	vld [tilespmem:s0+$0x12510]  }
0x19f: {  	[tilespmem:s0+$0x1A490] =	vst v0;
	v0 =	vld [tilespmem:s0+$0x12520]  }
0x1a0: {  	[tilespmem:s0+$0x1A4A0] =	vst v1;
	v1 =	vld [tilespmem:s0+$0x12530]  }
0x1a1: {  	[tilespmem:s0+$0x1A4B0] =	vst v2;
	v2 =	vld [tilespmem:s0+$0x12580]  }
0x1a2: {  	[tilespmem:s0+$0x1A500] =	vst v3;
	v3 =	vld [tilespmem:s0+$0x12590]  }
0x1a3: {  	[tilespmem:s0+$0x1A510] =	vst v4;
	v4 =	vld [tilespmem:s0+$0x125A0]  }
0x1a4: {  	[tilespmem:s0+$0x1A520] =	vst v0;
	v0 =	vld [tilespmem:s0+$0x125B0]  }
0x1a5: {  	[tilespmem:s0+$0x1A530] =	vst v1;
	v1 =	vld [tilespmem:s0+$0x12600]  }
0x1a6: {  	[tilespmem:s0+$0x1A580] =	vst v2;
	v2 =	vld [tilespmem:s0+$0x12610]  }
0x1a7: {  	[tilespmem:s0+$0x1A590] =	vst v3;
	v3 =	vld [tilespmem:s0+$0x12620]  }
0x1a8: {  	[tilespmem:s0+$0x1A5A0] =	vst v4;
	v4 =	vld [tilespmem:s0+$0x12630]  }
0x1a9: {  	[tilespmem:s0+$0x1A5B0] =	vst v0;
	v0 =	vld [tilespmem:s0+$0x12680]  }
0x1aa: {  	[tilespmem:s0+$0x1A600] =	vst v1;
	v1 =	vld [tilespmem:s0+$0x12690]  }
0x1ab: {  	[tilespmem:s0+$0x1A610] =	vst v2;
	v2 =	vld [tilespmem:s0+$0x126A0]  }
0x1ac: {  	[tilespmem:s0+$0x1A620] =	vst v3;
	v3 =	vld [tilespmem:s0+$0x126B0]  }
0x1ad: {  	[tilespmem:s0+$0x1A630] =	vst v4;
	v4 =	vld [tilespmem:s0+$0x12700]  }
0x1ae: {  	[tilespmem:s0+$0x1A680] =	vst v0;
	v5 =	vld [tilespmem:s0+$0x12710]  }
.Ltmp6:
0x1af: {  	[tilespmem:s0+$0x1A690] =	vst v1;
	v0 =	vld [tilespmem:s0+$0x12720];
	(pc) =	sbr.rel @p0 .LBB2_13-.Ltmp6, $4  }
0x1b0: {  	[tilespmem:s0+$0x1A6A0] =	vst v2;
	v1 =	vld [tilespmem:s0+$0x12730]  }
0x1b1: {  	[tilespmem:s0+$0x1A6B0] =	vst v3;
	v2 =	vld [tilespmem:s0+$0x12780]  }
0x1b2: {  	[tilespmem:s0+$0x1A700] =	vst v4;
	v3 =	vld [tilespmem:s0+$0x12790]  }
0x1b3: {  	s11 =	sshra.s32 s2, $0x2;
	s2 =	sadd.s32 $0x1000, s2;
	[tilespmem:s0+$0x1A710] =	vst v5;
	v4 =	vld [tilespmem:s0+$0x127A0]  }
0x1b4: {  	v5 =	vld [tilespmem:s11+$0x127B0];
	[tilespmem:s0+$0x1A720] =	vst v0  }
0x1b5: {  	v0 =	vld [tilespmem:s11+$0x12400];
	[tilespmem:s0+$0x1A730] =	vst v1  }
0x1b6: {  	v1 =	vld [tilespmem:s11+$0x12410];
	[tilespmem:s0+$0x1A780] =	vst v2  }
0x1b7: {  	v2 =	vld [tilespmem:s11+$0x12420];
	[tilespmem:s0+$0x1A790] =	vst v3  }
0x1b8: {  	v3 =	vld [tilespmem:s11+$0x12430];
	[tilespmem:s0+$0x1A7A0] =	vst v4  }
0x1b9: {  	v4 =	vld [tilespmem:s11+$0x12480];
	[tilespmem:s11+$0x1A7B0] =	vst v5  }
0x1ba: {  	v38 =	vld [tilespmem:s11+$0x12490];
	[tilespmem:s11+$0x1A400] =	vst v0  }
0x1bb: {  	v39 =	vld [tilespmem:s11+$0x124A0];
	[tilespmem:s11+$0x1A410] =	vst v1  }
0x1bc: {  	v40 =	vld [tilespmem:s11+$0x124B0];
	[tilespmem:s11+$0x1A420] =	vst v2  }
0x1bd: {  	v41 =	vld [tilespmem:s11+$0x12500];
	[tilespmem:s11+$0x1A430] =	vst v3  }
0x1be: {  	v42 =	vld [tilespmem:s11+$0x12510];
	[tilespmem:s11+$0x1A480] =	vst v4  }
0x1bf: {  	v43 =	vld [tilespmem:s11+$0x12520];
	[tilespmem:s11+$0x1A490] =	vst v38  }
0x1c0: {  	v44 =	vld [tilespmem:s11+$0x12530];
	[tilespmem:s11+$0x1A4A0] =	vst v39  }
0x1c1: {  	v45 =	vld [tilespmem:s11+$0x12580];
	[tilespmem:s11+$0x1A4B0] =	vst v40  }
0x1c2: {  	v46 =	vld [tilespmem:s11+$0x12590];
	[tilespmem:s11+$0x1A500] =	vst v41  }
0x1c3: {  	v47 =	vld [tilespmem:s11+$0x125A0];
	[tilespmem:s11+$0x1A510] =	vst v42  }
0x1c4: {  	v48 =	vld [tilespmem:s11+$0x125B0];
	[tilespmem:s11+$0x1A520] =	vst v43  }
0x1c5: {  	v49 =	vld [tilespmem:s11+$0x12600];
	[tilespmem:s11+$0x1A530] =	vst v44  }
0x1c6: {  	v50 =	vld [tilespmem:s11+$0x12610];
	[tilespmem:s11+$0x1A580] =	vst v45  }
0x1c7: {  	v51 =	vld [tilespmem:s11+$0x12620];
	[tilespmem:s11+$0x1A590] =	vst v46  }
0x1c8: {  	v52 =	vld [tilespmem:s11+$0x12630];
	[tilespmem:s11+$0x1A5A0] =	vst v47  }
0x1c9: {  	v53 =	vld [tilespmem:s11+$0x12680];
	[tilespmem:s11+$0x1A5B0] =	vst v48  }
0x1ca: {  	v54 =	vld [tilespmem:s11+$0x12690];
	[tilespmem:s11+$0x1A600] =	vst v49  }
0x1cb: {  	v55 =	vld [tilespmem:s11+$0x126A0];
	[tilespmem:s11+$0x1A610] =	vst v50  }
0x1cc: {  	v56 =	vld [tilespmem:s11+$0x126B0];
	[tilespmem:s11+$0x1A620] =	vst v51  }
0x1cd: {  	v57 =	vld [tilespmem:s11+$0x12700];
	[tilespmem:s11+$0x1A630] =	vst v52  }
0x1ce: {  	v58 =	vld [tilespmem:s11+$0x12710];
	[tilespmem:s11+$0x1A680] =	vst v53  }
0x1cf: {  	v59 =	vld [tilespmem:s11+$0x12720];
	[tilespmem:s11+$0x1A690] =	vst v54  }
0x1d0: {  	v60 =	vld [tilespmem:s11+$0x12730];
	[tilespmem:s11+$0x1A6A0] =	vst v55  }
0x1d1: {  	v61 =	vld [tilespmem:s11+$0x12780];
	[tilespmem:s11+$0x1A6B0] =	vst v56  }
0x1d2: {  	v62 =	vld [tilespmem:s11+$0x12790];
	[tilespmem:s11+$0x1A700] =	vst v57  }
0x1d3: {  	s30 =	sadd.s32 $0x1, s30;
	v63 =	vld [tilespmem:s11+$0x127A0];
	[tilespmem:s11+$0x1A710] =	vst v58  }
0x1d4: {  	p0 =	sne.s32 s30, $0x32;
	[tilespmem:s11+$0x1A720] =	vst v59  }
.Ltmp7:
0x1d5: {  	[tilespmem:s11+$0x1A730] =	vst v60;
	(pc) =	sbr.rel @p0 .LBB2_2-.Ltmp7, $4  }
0x1d6: {  	[tilespmem:s11+$0x1A780] =	vst v61  }
0x1d7: {  	s31 =	sshll.u32 s31, $0x10;
	[tilespmem:s11+$0x1A790] =	vst v62  }
0x1d8: {  	s0 =	sadd.s32 s31, s9;
	[tilespmem:s11+$0x1A7A0] =	vst v63  }
0x1d9: {  	[hbm4b:s0+s1] =	stream.linear.scatter [tilespmem:s24], [sflag:$0x6], $0x4000, $0x38;
	[tilespmem:$0x1E400] =	vst v63  }
0x1da: {  	s29 =	sadd.s32 $0x1, s29  }
0x1db: {  	_ =	swait.ge [sflag:s26], $0x4000;
	p0 =	sne.s32 s29, s10  }
.Ltmp8:
0x1dc: {  	[sflag:s26] =	ssyncset.done $0x0;
	(pc) =	sbr.rel @p0 .LBB2_1-.Ltmp8, $4  }
0x1dd: {  	[sflag:s26] =	ssyncadd.s32 $0xFFFFC000  }
0x1de: {  	_ =	swait.ge [sflag:s23], $0x4000  }
0x1df: {  	[sflag:s23] =	ssyncset.done $0x0  }
0x1e0: {  	[sflag:s23] =	ssyncadd.s32 $0xFFFFC000  }
0x1e1: {  	_ =	sfence.sel $0x180000  }
0x1e2: {  	[bflag:$0x0] =	sbarrier.arrive $0xFFFF  }
0x1e3: {  	_ =	strace $0x90000047  }
0x1e4: {  	s0 =	stileid.u32;
	[bflag:$0x2] =	sbarrier.arrive $0xFFFF  }
0x1e5: {  	p0 =	sne.s32 s0, $0x0;
	s0 =	rddreg [dreg:$0x2]  }
0x1e6: {  	s0 =	sadd.s32 @!p0 $0x100000, s0  }
0x1e7: {  	[sflag:s0] =	ssyncadd.tile.s32 @!p0 $0x1;
	_ =	shalt  }
.Lfunc_end2:
_tile_overlayer_lowered:
.L_overlay_start_2:
0x1e8: {  	(tag) =	ssettag $0x2  }
0x1e9: {  	s0 =	rddreg [dreg:$0x0];
	s2 =	stileid.u32  }
0x1ea: {  	s1 =	rddreg [dreg:$0x1];
	p0 =	sne.s32 s2, $0x0  }
0x1eb: {  	s3 =	rddreg [dreg:$0x2];
	[bflag:$0x3] =	sbarrier.arrive $0xFFFF;
	s2 =	simm.s32 @!p0 $0x1C07  }
0x1ec: {  	[timem:s3], [sflag:s2] =	dma.local @!p0 [hbm:s0], s1  }
0x1ed: {  	s0 =	simm.s32 @!p0 $0x7  }
0x1ee: {  	_ =	swait.ge @!p0 [sflag:s0], s1  }
0x1ef: {  	s1 =	ssub.s32 @!p0 $0x0, s1;
	[sflag:s0] =	ssyncset.done @!p0 $0x0  }
0x1f0: {  	[sflag:s0] =	ssyncadd.s32 @!p0 s1  }
0x1f1: {  	[bflag:$0x3] =	sbarrier.arrive $0xFFFF  }
0x1f2: {  	_ =	shalt  }

// kernel: sparse-core-data-format-call.cloned.1.call-start
scs
called_computation_lowered:
.L_overlay_start_0:
0x0: {  	s2 =	sld [smem:$0x3FD9]  }
0x1: {  	s3 =	sld [smem:$0x3FFE];
	_ =	sdelay $0x1  }
0x2: {  	s1 =	srdreg.scid  }
0x3: {  	s0 =	sand.u32 $0x1, s1  }
0x4: {  	s18 =	sshll.u32 s0, $0xA;
	s2 =	sadd.s32 s3, s2  }
0x5: {  	s2 =	sadd.s32 s2, s18  }
0x6: {  	[smem:$0x3FC6] =	sst s2  }
0x7: {  	_ = 	snop  }
0x8: {  	s2 =	sld [smem:$0x3FD0];
	(tm) =	ssettm $0x1  }
0x9: {  	s19 =	sld [smem:$0x3FFB];
	_ =	sdelay $0x3  }
0xa: {  	_ =	strace s19  }
0xb: {  	s3 =	sld [smem:$0x3FFC];
	_ =	sdelay $0x3  }
0xc: {  	_ =	strace s3  }
0xd: {  	s3 =	sld [smem:$0x3FFD];
	_ =	sdelay $0x3  }
0xe: {  	_ =	strace s3  }
0xf: {  	_ =	strace $0x8FFFFFFF  }
0x10: {  	s20 =	sld [smem:$0x3FDB];
	_ =	sdelay $0x1  }
0x11: {  	s4 =	simm.s32 $_scs_section_size  }
0x12: {  	s5 =	simm.s32 $_size__tile_overlayer_lowered;
	s6 =	simm.s32 $_tile_overlayer_lowered  }
0x13: {  	s23 =	simm.s32 $0x1BFF;
	s22 =	sshll.u32 s6, $0x1;
	s3 =	sadd.s32 s4, s20  }
0x14: {  	s7 =	simm.s32 $0x0;
	s21 =	sshll.u32 s5, $0x1;
	s5 =	sadd.s32 s22, s3  }
0x15: {  	[timem:s7], [sflag:s23] =	dma.local [hbm:s5], s21  }
0x16: {  	_ =	swait.ge [sflag:s23], s21  }
0x17: {  	s4 =	ssub.s32 $0x0, s21;
	[sflag:s23] =	ssyncset.done $0x0  }
0x18: {  	[sflag:s23] =	ssyncadd.s32 s4;
	_ =	sdelay $0x1  }
0x19: {  	s24 =	simm.s32 $0x1B8B  }
0x1a: {  	_ =	swait.ge [sflag:s24], $0x1  }
0x1b: {  	[sflag:s24] =	ssyncset.done $0x0  }
0x1c: {  	s26 =	simm.s32 $0x1B8E;
	s25 =	sld [smem:$0x3FFE];
	[sflag:s24] =	ssyncadd.s32 $0xFFFFFFFF  }
0x1d: {  	s27 =	simm.s32 $execute0_lowered;
	[smem:$0x3FD2] =	sst s26  }
0x1e: {  	s5 =	sshll.u32 s27, $0x1;
	_ =	strace $0x80000049;
	[dreg:$0x1] =	wrdreg $0xFFFFFFFF  }
0x1f: {  	s28 =	simm.s32 $_size_execute0_lowered;
	s3 =	sadd.s32 s3, s5;
	[dreg:$0x0] =	wrdreg $0x0  }
0x20: {  	s5 =	sshll.u32 s28, $0x1;
	[dreg:$0x2] =	wrdreg s3  }
0x21: {  	[dreg:$0x3] =	wrdreg s5  }
0x22: {  	[dreg:$0x4] =	wrdreg $0xC0  }
0x23: {  	_ =	task [dreg:s7], $0x5FFFF  }
0x24: {  	[dreg:$0x1] =	wrdreg $0xFFFFFFFF  }
0x25: {  	[dreg:$0x0] =	wrdreg $0x60  }
0x26: {  	[dreg:$0x2] =	wrdreg s25  }
0x27: {  	[dreg:$0x3] =	wrdreg s2  }
0x28: {  	[dreg:$0x4] =	wrdreg $0x9  }
0x29: {  	_ =	task.clear_ibuf [dreg:s7], $0x5FFFF;
	_ =	strace $0x90000049  }
0x2a: {  	s29 =	simm.s32 $0x9;
	_ =	strace $0x8000004B  }
0x2b: {  	_ =	swait.ge [sflag:s29], $0x1  }
0x2c: {  	[sflag:s29] =	ssyncadd.s32 $0xFFFFFFFF  }
0x2d: {  	_ =	strace $0x9000004B  }
0x2e: {  	_ =	sfence  }
0x2f: {  	s30 =	sld [smem:$0x0];
	_ =	sdelay $0x2  }
0x30: {  	s31 =	sshll.u32 s1, $0xD;
	s1 =	sshrl.u32 s1, $0x2  }
0x31: {  	s3 =	sand.u32 $0x4000, s31;
	s1 =	sadd.s32 s1, s30  }
0x32: {  	s0 =	sor.u32 s3, s0;
	s1 =	sshll.u32 s1, $0x11  }
0x33: {  	s0 =	sor.u32 s1, s0  }
0x34: {  	s0 =	sadd.s32 $0x8F2B, s0  }
0x35: {  	[sflag:s0] =	ssyncadd.remote.s32 $0x1  }
0x36: {  	_ =	sfence.sel $0xFFFF  }
0x37: {  	[dreg:$0x0] =	wrdreg $0xFFFFFFFF;
	(pc) =	sbr.abs _section_cstart, $3  }
0x38: {  	[dreg:$0x1] =	wrdreg $0xFFFFFFFF  }
0x39: {  	_ =	task.clear_ibuf [dreg:s7], $0x2FFFF;
	_ =	strace $0x9FFFFFFF  }
0x3a: {  	(tm) =	ssettm $0x7FFFFFFF  }
0x3b: {  	_ =	shalt  }
tec
execute0_lowered:
.L_overlay_start_1:
0x0: {  	(tag) =	ssettag $0x1  }
0x1: {  	s0 =	srdreg.scid  }
0x2: {  	s1 =	sshll.u32 s0, $0x4  }
0x3: {  	s5 =	rddreg [dreg:$0x0];
	s0 =	stileid.u32;
	s1 =	sand.u32 $0x10, s1  }
0x4: {  	s3 =	rddreg [dreg:$0x1];
	s31 =	simm.s32 $0x2;
	s4 =	sor.u32 s0, s1  }
0x5: {  	s13 =	simm.s32 $0x0;
	s9 =	simm.s32 $0x400;
	s2 =	sshll.u32 s4, $0x7  }
0x6: {  	s10 =	simm.s32 $0x8000;
	s14 =	simm.s32 $0x0;
	s6 =	ssub.s32 $0x1000, s2  }
0x7: {  	s1 =	rddreg [dreg:$0x2];
	_ =	strace $0x8000004A;
	s7 =	sand.u32 $0xF80, s6  }
0x8: {  	s4 =	sshll.u32 s4, $0xB;
	p0 =	sne.s32 s7, $0x0;
	s7 =	simm.s32 $0x1  }
.Ltmp0:
0x9: {  	s6 =	sshrl.u32 s6, $0xC;
	s7 =	simm.s32 @!p0 $0x0;
	(pc) =	sbr.rel .LBB1_1-.Ltmp0, $4  }
0xa: {  	s8 =	sadd.s32 s4, s5;
	s4 =	simm.s32 $0x1;
	s30 =	sadd.s32 s7, s6  }
0xb: {  	s11 =	simm.s32 $0x0;
	[sflag:s4] =	ssyncpa.u1 $0x0;
	s5 =	smul.u32 $0x64, s30  }
0xc: {  	s12 =	simm.s32 $0x0;
	[sflag:s31] =	ssyncpa.u1 $0x0;
	p0 =	por $0x0, $0x0  }
0xd: {  	s6 =	sadd.s32 $0x400, s8;
	s7 =	sadd.s32 $0x10400, s8;
	s8 =	sor.u32 $0x1, s5  }
.LBB1_7:
0xe: {  	s15 =	sadd.s32 $0x2, s11  }
0xf: {  	p2 =	sgt.s32 s15, $0xC7  }
0x10: {  	s15 =	simm.s32 @p2 $0x0;
	p2 =	sne.s32 s12, s8  }
.Ltmp1:
0x11: {  	p1 =	slt.u32 s12, $0x2;
	(pc) =	sbr.rel @!p2 .LBB1_8-.Ltmp1, $4  }
0x12: {  	s13 =	simm.s32 @!p1 $0x2  }
0x13: {  	s16 =	sadd.s32 $0x1, s12;
	s14 =	smov.u32 s11;
	_ =	swait.ge @!p1 [sflag:s13], $0x4000  }
0x14: {  	p0 =	por !p0, !p0;
	s12 =	smov.u32 s16;
	[sflag:s13] =	ssyncset.done @!p1 $0x0  }
0x15: {  	s11 =	smov.u32 s15;
	[sflag:s13] =	ssyncadd.s32 @!p1 $0xFFFFC000;
	s13 =	smov.u32 s2  }
.LBB1_1:
0x16: {  	p1 =	sge.u32 s12, s5  }
0x17: {  	s15 =	sxor.u32 @!p1 $0xFFFFFFFF, s12  }
0x18: {  	s16 =	sshll.u32 @!p1 s11, $0x10;
	s18 =	simm.s32 @!p1 $0x40;
	s15 =	sshll.u32 @!p1 s15, $0xE  }
0x19: {  	s19 =	simm.s32 @!p1 $0x80;
	s17 =	sadd.s32 @!p1 s16, s6;
	s15 =	sand.u32 @!p1 $0x4000, s15  }
0x1a: {  	[tilespmem:s15], [sflag:$0x1] =	stream.strided.gather @!p1 [hbm4b:s17+s18], $0x2000, s19, s18, $0x38;
	[tilespmem:$0x10100] =	vst v63  }
0x1b: {  	s31 =	sadd.s32 $0xFFFFFFFF, s12;
	s16 =	sadd.s32 @!p1 s16, s7;
	s15 =	sor.u32 @!p1 $0x2000, s15  }
0x1c: {  	[tilespmem:s15], [sflag:$0x1] =	stream.strided.gather @!p1 [hbm4b:s16+s18], $0x2000, s19, s18, $0x38;
	[tilespmem:$0x10100] =	vst v63  }
0x1d: {  	p1 =	sge.u32 s31, s5  }
.Ltmp2:
0x1e: {  	_ = 	snop;
	(pc) =	sbr.rel @p1 .LBB1_7-.Ltmp2, $1  }
0x1f: {  	_ =	sdelay $0x3  }
0x20: {  	s15 =	simm.s32 $0x1;
	s17 =	sand.u32 $0x1, s12  }
0x21: {  	_ =	swait.ge [sflag:s4], $0x4000;
	s15 =	simm.s32 @!p0 $0x0;
	s17 =	smul.u32 $0x10200, s17  }
0x22: {  	p2 =	por $0x1, $0x1;
	[sflag:s4] =	ssyncset.done $0x0;
	s16 =	smul.u32 $0x10200, s15  }
0x23: {  	s18 =	sshll.u32 s15, $0x10;
	[sflag:s4] =	ssyncadd.s32 $0xFFFFC000;
	s30 =	sshrl.u32 s17, $0x2  }
0x24: {  	s31 =	sshrl.u32 s18, $0x2;
	s18 =	simm.s32 $0x0;
	s16 =	sshrl.u32 s16, $0x2  }
0x25: {  	s15 =	sor.u32 $0x8000, s30;
	s17 =	sadd.s32 $0x20, s31;
	s16 =	sor.u32 $0x8000, s16  }
.LBB1_3:
0x26: {  	s19 =	sshll.u32 s18, $0xD  }
0x27: {  	s19 =	sand.u32 $0x3FFFE000, s19  }
0x28: {  	s21 =	sadd.s32 s19, s17  }
0x29: {  	s31 =	smul.u32 $0x8100, s18;
	v3 =	vld [tilespmem:s21+$0x10]  }
0x2a: {  	v1 =	vld [tilespmem:s21+$0xFFFFFFF0]  }
0x2b: {  	s18 =	sshra.s32 s31, $0x2;
	v0 =	vld [tilespmem:s21+$0x0]  }
0x2c: {  	s18 =	sadd.s32 s18, s16;
	v2 =	vld [tilespmem:s21+$0xFFFFFFE0]  }
0x2d: {  	s19 =	sadd.s32 $0x0, s18  }
0x2e: {  	p1 =	por p2, p2;
	s20 =	simm.s32 $0x4;
	s21 =	sadd.s32 $0x40, s21;
	[tilespmem:s19+$0x1830 ss:$0x81] =	vst.msk $0xffff, v3  }
.LBB1_4:
0x2f: {  	v3 =	vld [tilespmem:s21+$0x10];
	p2 =	sne.s32 s20, $0x1FC;
	[tilespmem:s19+$0x810 ss:$0x81] =	vst.msk $0xffff, v1;
	s22 =	smov.u32 s20;
	s20 =	sadd.s32 $0x4, s20  }
.Ltmp3:
0x30: {  	v1 =	vld [tilespmem:s21+$0xFFFFFFF0];
	[tilespmem:s19+$0x1020 ss:$0x81] =	vst.msk $0xffff, v0;
	(pc) =	sbr.rel @p2 .LBB1_4-.Ltmp3, $4  }
0x31: {  	v0 =	vld [tilespmem:s21+$0x0];
	[tilespmem:s19+$0x0 ss:$0x81] =	vst.msk $0xffff, v2  }
0x32: {  	s19 =	sshra.s32 s22, $0x2;
	v2 =	vld [tilespmem:s21+$0xFFFFFFE0]  }
0x33: {  	s19 =	sadd.s32 s19, s18  }
0x34: {  	s21 =	sadd.s32 $0x40, s21;
	[tilespmem:s19+$0x1830 ss:$0x81] =	vst.msk $0xffff, v3  }
.Ltmp4:
0x35: {  	(pc) =	sbr.rel @p1 .LBB1_3-.Ltmp4, $4  }
0x36: {  	_ = 	snop  }
0x37: {  	[tilespmem:s19+$0x810 ss:$0x81] =	vst.msk $0xffff, v1  }
0x38: {  	[tilespmem:s19+$0x1020 ss:$0x81] =	vst.msk $0xffff, v0  }
0x39: {  	s18 =	simm.s32 $0x1;
	p2 =	por $0x0, $0x0;
	[tilespmem:s19+$0x0 ss:$0x81] =	vst.msk $0xffff, v2  }
.Ltmp5:
0x3a: {  	(pc) =	sbr.rel .LBB1_7-.Ltmp5, $4  }
0x3b: {  	s14 =	sshll.u32 s14, $0xF  }
0x3c: {  	s14 =	sadd.s32 s3, s14  }
0x3d: {  	s13 =	sadd.s32 s13, s14  }
0x3e: {  	[hbm4b:s13+s9] =	stream.strided.scatter [tilespmem:s15], [sflag:$0x2], $0x4000, s10, s9, $0x20;
	[tilespmem:$0x10100] =	vst v63  }
.LBB1_8:
0x3f: {  	_ =	sfence.sel $0x180000  }
0x40: {  	s2 =	simm.s32 $0x1;
	[bflag:$0x0] =	sbarrier.arrive $0xFFFF  }
0x41: {  	s31 =	simm.s32 $0x2;
	[sflag:s2] =	ssyncpa.u1 $0x1  }
0x42: {  	[sflag:s31] =	ssyncpa.u1 $0x1  }
0x43: {  	p0 =	sne.s32 s0, $0x0;
	_ =	strace $0x9000004A  }
0x44: {  	s0 =	sadd.s32 @!p0 $0x100000, s1;
	[bflag:$0x2] =	sbarrier.arrive $0xFFFF  }
0x45: {  	[sflag:s0] =	ssyncadd.tile.s32 @!p0 $0x1;
	_ =	shalt  }
.Lfunc_end1:
_tile_overlayer_lowered:
.L_overlay_start_2:
0x46: {  	(tag) =	ssettag $0x2  }
0x47: {  	s0 =	rddreg [dreg:$0x0];
	s2 =	stileid.u32  }
0x48: {  	s1 =	rddreg [dreg:$0x1];
	p0 =	sne.s32 s2, $0x0  }
0x49: {  	s3 =	rddreg [dreg:$0x2];
	[bflag:$0x3] =	sbarrier.arrive $0xFFFF;
	s2 =	simm.s32 @!p0 $0x1C01  }
0x4a: {  	[timem:s3], [sflag:s2] =	dma.local @!p0 [hbm:s0], s1  }
0x4b: {  	s0 =	simm.s32 @!p0 $0x1  }
0x4c: {  	_ =	swait.ge @!p0 [sflag:s0], s1  }
0x4d: {  	s1 =	ssub.s32 @!p0 $0x0, s1;
	[sflag:s0] =	ssyncset.done @!p0 $0x0  }
0x4e: {  	[sflag:s0] =	ssyncadd.s32 @!p0 s1  }
0x4f: {  	[bflag:$0x3] =	sbarrier.arrive $0xFFFF  }
0x50: {  	_ =	shalt  }

</sc_bundles>
